<compile_context>
chip_gen: v7x
topology: tpu7x:2x2x1
jax: 0.10.2.dev20260603
libtpu: 0.0.44.dev20260713+nightly
codegen_flags: <defaults>
</compile_context>

<pallas_src>
import functools

import jax
import jax.numpy as jnp
from jax import lax
from jax.experimental import pallas as pl
from jax.experimental.pallas import tpu as pltpu
from jax.experimental.pallas import tpu_sc as plsc

N = 10000
D = 128
E = 320000

NC = 2
NS = 16
NW = NC * NS

CHUNK = 128
N_PAD = 10240
Z = N_PAD // NS
N_PIECES = Z // CHUNK
EDGES_PER_TILE = 10240
E_PAD = EDGES_PER_TILE * NW
K_CHUNKS = EDGES_PER_TILE // CHUNK

_mesh = plsc.VectorSubcoreMesh(core_axis_name="c", subcore_axis_name="s")


def _fill_rows(ref, value):
    vec = jnp.full((16,), value, jnp.float32)

    def body(i, carry):
        for j in range(D // 16):
            ref[i, pl.ds(j * 16, 16)] = vec
        return carry

    lax.fori_loop(0, CHUNK, body, 0)


def _zero_acc(rows, acc, zoff):
    _fill_rows(rows, 0.0)
    for p in range(N_PIECES):
        pltpu.sync_copy(rows, acc.at[pl.ds(zoff + p * CHUNK, CHUNK)])


def _flush_acc(acc, rows, out_hbm, zoff, orow):
    for p in range(N_PIECES):
        pltpu.sync_copy(acc.at[pl.ds(zoff + p * CHUNK, CHUNK)], rows)
        pltpu.sync_copy(rows, out_hbm.at[pl.ds(orow + p * CHUNK, CHUNK)])


def _agg_body(y_hbm, edges_hbm, out_hbm, ib0, ib1, rows0, rows1,
              acc, sem0, sem1):
    cid = lax.axis_index("c")
    sid = lax.axis_index("s")
    wid = sid * NC + cid
    bc = wid * K_CHUNKS
    zoff = sid * Z

    _zero_acc(rows0, acc, zoff)
    plsc.subcore_barrier()

    def load_idx(c, ib):
        pltpu.sync_copy(edges_hbm.at[bc + c], ib)

    def start_gather(ib, rows, sem):
        pltpu.async_copy(y_hbm.at[ib.at[0]], rows, sem)

    def wait_gather(ib, rows, sem):
        pltpu.make_async_copy(y_hbm.at[ib.at[0]], rows, sem).wait()

    def scatter(rows, ib):
        pltpu.sync_copy(rows, acc.at[ib.at[1]], add=True)

    load_idx(0, ib0)
    start_gather(ib0, rows0, sem0)
    G = K_CHUNKS // 2

    def pair(g, carry):
        c = 2 * g
        load_idx(c + 1, ib1)
        start_gather(ib1, rows1, sem1)
        wait_gather(ib0, rows0, sem0)
        scatter(rows0, ib0)

        @pl.when(g + 1 < G)
        def _():
            load_idx(c + 2, ib0)
            start_gather(ib0, rows0, sem0)

        wait_gather(ib1, rows1, sem1)
        scatter(rows1, ib1)
        return carry

    lax.fori_loop(0, G, pair, 0)
    plsc.subcore_barrier()
    _flush_acc(acc, rows0, out_hbm, zoff, cid * N_PAD + zoff)


def _cnt_body(edges_hbm, out_hbm, ib0, ib1, rows, acc, sem):
    cid = lax.axis_index("c")
    sid = lax.axis_index("s")
    wid = sid * NC + cid
    bc = wid * K_CHUNKS
    zoff = sid * Z

    _zero_acc(rows, acc, zoff)
    _fill_rows(rows, 1.0)
    plsc.subcore_barrier()

    def load_idx(c, ib):
        pltpu.sync_copy(edges_hbm.at[bc + c], ib)

    def scatter(ib):
        pltpu.sync_copy(rows, acc.at[ib.at[1]], add=True)

    load_idx(0, ib0)
    G = K_CHUNKS // 2

    def pair(g, carry):
        c = 2 * g
        load_idx(c + 1, ib1)
        scatter(ib0)

        @pl.when(g + 1 < G)
        def _():
            load_idx(c + 2, ib0)

        scatter(ib1)
        return carry

    lax.fori_loop(0, G, pair, 0)
    plsc.subcore_barrier()
    _flush_acc(acc, rows, out_hbm, zoff, cid * N_PAD + zoff)


_agg = functools.partial(
    pl.kernel,
    out_type=jax.ShapeDtypeStruct((NC * N_PAD, D), jnp.float32),
    mesh=_mesh,
    scratch_types=[
        pltpu.VMEM((2, CHUNK), jnp.int32),
        pltpu.VMEM((2, CHUNK), jnp.int32),
        pltpu.VMEM((CHUNK, D), jnp.float32),
        pltpu.VMEM((CHUNK, D), jnp.float32),
        pltpu.VMEM_SHARED((N_PAD, D), jnp.float32),
        pltpu.SemaphoreType.DMA,
        pltpu.SemaphoreType.DMA,
    ],
)(_agg_body)

_cnt = functools.partial(
    pl.kernel,
    out_type=jax.ShapeDtypeStruct((NC * N_PAD, D), jnp.float32),
    mesh=_mesh,
    scratch_types=[
        pltpu.VMEM((2, CHUNK), jnp.int32),
        pltpu.VMEM((2, CHUNK), jnp.int32),
        pltpu.VMEM((CHUNK, D), jnp.float32),
        pltpu.VMEM_SHARED((N_PAD, D), jnp.float32),
        pltpu.SemaphoreType.DMA,
    ],
)(_cnt_body)


def _mm_t(a, w):
    return lax.dot_general(a, w, (((1,), (1,)), ((), ())),
                           preferred_element_type=jnp.float32)


def _tc_pre_body(x_ref, wl_ref, wr_ref, b_ref, c_ref, yl_ref, yr_ref):
    xv = x_ref[...] + 0.0 * c_ref[...]
    yl_ref[...] = _mm_t(xv, wl_ref[...])
    yr_ref[...] = _mm_t(xv, wr_ref[...]) + b_ref[...]


def _tc_mid_body(p_ref, c_ref, yr_ref, wl_ref, wr_ref, b_ref,
                 yl2_ref, yr2_ref):
    s = p_ref[0] + p_ref[1]
    cnt = jnp.maximum(c_ref[0, :, :1] + c_ref[1, :, :1], 1.0)
    h = jnp.maximum(s / cnt + yr_ref[...], 0.0)
    yl2_ref[...] = _mm_t(h, wl_ref[...])
    yr2_ref[...] = _mm_t(h, wr_ref[...]) + b_ref[...]


def _tc_post_body(p_ref, c_ref, yr_ref, o_ref):
    s = p_ref[0] + p_ref[1]
    cnt = jnp.maximum(c_ref[0, :, :1] + c_ref[1, :, :1], 1.0)
    o_ref[...] = s / cnt + yr_ref[...]


_tc_pre = pl.pallas_call(
    _tc_pre_body,
    out_shape=(jax.ShapeDtypeStruct((N, D), jnp.float32),
               jax.ShapeDtypeStruct((N, D), jnp.float32)),
)

_tc_mid = pl.pallas_call(
    _tc_mid_body,
    out_shape=(jax.ShapeDtypeStruct((N, D), jnp.float32),
               jax.ShapeDtypeStruct((N, D), jnp.float32)),
)

_tc_post = pl.pallas_call(
    _tc_post_body,
    out_shape=jax.ShapeDtypeStruct((N, D), jnp.float32),
)


def kernel(x, edge_index, W1_l, W1_r, b1, W2_l, W2_r, b2):
    src = edge_index[0].astype(jnp.int32)
    dst = edge_index[1].astype(jnp.int32)
    pad = E_PAD - E
    src = jnp.concatenate([src, jnp.zeros((pad,), jnp.int32)])
    dst = jnp.concatenate([dst, jnp.full((pad,), N, jnp.int32)])
    edges_pk = jnp.stack(
        [src.reshape(NW * K_CHUNKS, CHUNK), dst.reshape(NW * K_CHUNKS, CHUNK)],
        axis=1)

    b1r = b1.reshape(1, D)
    b2r = b2.reshape(1, D)

    cnts = _cnt(edges_pk)
    y1l, y1r = _tc_pre(x, W1_l, W1_r, b1r, cnts[:1])
    p1 = _agg(y1l, edges_pk)

    p1 = p1.reshape(NC, N_PAD, D)[:, :N]
    cnt = cnts.reshape(NC, N_PAD, D)[:, :N]

    y2l, y2r = _tc_mid(p1, cnt, y1r, W2_l, W2_r, b2r)
    p2 = _agg(y2l, edges_pk)
    p2 = p2.reshape(NC, N_PAD, D)[:, :N]

    return _tc_post(p2, cnt, y2r)

# --- scband reference (transcript-rebuilt; emitter-appended) ---
"""Pipeline reference for scband-dganet-16381005267294 (READ-ONLY COPY).

The authoritative reference and input builder live on the scoring server;
editing this copy changes nothing except your own understanding.
"""

import jax, jax.numpy as jnp
import numpy as np

N = 10000
E = 320000
D_IN = 128
D_HID = 128
D_OUT = 128


def setup_inputs(seed: int = 0) -> dict:
    key = jax.random.key(seed)
    ks = jax.random.split(key, 9)
    x = jax.random.normal(ks[0], (N, D_IN), dtype=jnp.float32)
    edge_index = jax.random.randint(ks[1], (2, E), 0, N, dtype=jnp.int64)
    # SAGEConv params: lin_l applied to aggregated neighbors (has bias), lin_r applied to self
    W1_l = jax.random.normal(ks[2], (D_HID, D_IN), dtype=jnp.float32) * 0.05
    W1_r = jax.random.normal(ks[3], (D_HID, D_IN), dtype=jnp.float32) * 0.05
    b1 = jax.random.normal(ks[4], (D_HID,), dtype=jnp.float32) * 0.05
    W2_l = jax.random.normal(ks[5], (D_OUT, D_HID), dtype=jnp.float32) * 0.05
    W2_r = jax.random.normal(ks[6], (D_OUT, D_HID), dtype=jnp.float32) * 0.05
    b2 = jax.random.normal(ks[7], (D_OUT,), dtype=jnp.float32) * 0.05
    return {"x": x, "edge_index": edge_index, "W1_l": W1_l, "W1_r": W1_r, "b1": b1,
            "W2_l": W2_l, "W2_r": W2_r, "b2": b2}


def _sage_conv(x, src, dst, W_l, W_r, b, num_nodes):
    # message: gather source-node features, aggregate (mean) at destination nodes
    msgs = jnp.take(x, src, axis=0)
    summed = jax.ops.segment_sum(msgs, dst, num_segments=num_nodes)
    cnt = jax.ops.segment_sum(jnp.ones((src.shape[0], 1), dtype=x.dtype), dst, num_segments=num_nodes)
    mean = summed / jnp.clip(cnt, 1.0, None)
    return mean @ W_l.T + x @ W_r.T + b


def reference(x, edge_index, W1_l, W1_r, b1, W2_l, W2_r, b2):
    src = edge_index[0]
    dst = edge_index[1]
    h = _sage_conv(x, src, dst, W1_l, W1_r, b1, N)
    h = jax.nn.relu(h)
    # dropout is identity in eval mode
    out = _sage_conv(h, src, dst, W2_l, W2_r, b2, N)
    return out

if __name__ == "__main__":
    import jax
    _d = setup_inputs()
    print(jax.jit(kernel)(*tuple(_d.values())))

</pallas_src>

<mosaic_0001>
#map = affine_map<(d0, d1) -> (0, 0, 0)>
#map1 = affine_map<(d0, d1) -> (0, 0)>
module attributes {stable_mosaic.version = 14 : i64} {
  func.func @_cnt_body(%arg0: i32, %arg1: i32, %arg2: memref<2560x2x128xi32, #tpu.memory_space<hbm>>, %arg3: memref<20480x128xf32, #tpu.memory_space<hbm>>, %arg4: memref<2x128xi32, #tpu.memory_space<vmem>>, %arg5: memref<2x128xi32, #tpu.memory_space<vmem>>, %arg6: memref<128x128xf32, #tpu.memory_space<vmem>>, %arg7: memref<10240x128xf32, #tpu.memory_space<vmem_shared>>, %arg8: memref<!tpu.dma_semaphore, #tpu.memory_space<semaphore_mem>>) attributes {dimension_semantics = [#tpu.dimension_semantics<core_parallel>, #tpu.dimension_semantics<subcore_parallel>], iteration_bounds = array<i64: 2, 16>, scalar_prefetch = 0 : i64, scratch_operands = 5 : i64, tpu.core_type = #tpu.core_type<sc_vector_subcore>, window_params = [{transform_indices = #map}, {transform_indices = #map1}]} {
    %mul3A = arith.constant 2 : i32
    %mul3A_0 = arith.muli %arg1, %mul3A : i32
    %add3A = arith.addi %mul3A_0, %arg0 : i32
    %mul3A_1 = arith.constant 80 : i32
    %mul3A_2 = arith.muli %add3A, %mul3A_1 : i32
    %mul3A_3 = arith.constant 640 : i32
    %mul3A_4 = arith.muli %arg1, %mul3A_3 : i32
    %broadcast_in_dim3A = arith.constant 0.000000e+00 : f32
    %broadcast_in_dim3A_5 = vector.broadcast %broadcast_in_dim3A : f32 to vector<16xf32>
    %scan3A = arith.constant 0 : i32
    %scan3A_6 = arith.constant 0 : i32
    %scan3A_7 = arith.constant 128 : i32
    %scan3A_8 = arith.addi %scan3A_6, %scan3A_7 : i32
    %scan3A_9 = arith.constant 1 : i32
    scf.for %scan3A_61 = %scan3A_6 to %scan3A_8 step %scan3A_9  : i32 {
      %swap3A = arith.index_cast %scan3A_61 : i32 to index
      %swap3A_62 = arith.constant 0 : index
      %swap3A_63 = tpu.vector_load %arg6[%swap3A, %swap3A_62] {strides = array<i32>} : memref<128x128xf32, #tpu.memory_space<vmem>>, vector<1x16xf32>,
      %swap3A_64 = vector.shape_cast %swap3A_63 : vector<1x16xf32> to vector<16xf32>
      %swap3A_65 = vector.shape_cast %broadcast_in_dim3A_5 : vector<16xf32> to vector<1x16xf32>
      tpu.vector_store %arg6[%swap3A, %swap3A_62], %swap3A_65 {strides = array<i32>} : memref<128x128xf32, #tpu.memory_space<vmem>>, vector<1x16xf32>,
      %swap3A_66 = arith.index_cast %scan3A_61 : i32 to index
      %swap3A_67 = arith.constant 16 : index
      %swap3A_68 = tpu.vector_load %arg6[%swap3A_66, %swap3A_67] {strides = array<i32>} : memref<128x128xf32, #tpu.memory_space<vmem>>, vector<1x16xf32>,
      %swap3A_69 = vector.shape_cast %swap3A_68 : vector<1x16xf32> to vector<16xf32>
      %swap3A_70 = vector.shape_cast %broadcast_in_dim3A_5 : vector<16xf32> to vector<1x16xf32>
      tpu.vector_store %arg6[%swap3A_66, %swap3A_67], %swap3A_70 {strides = array<i32>} : memref<128x128xf32, #tpu.memory_space<vmem>>, vector<1x16xf32>,
      %swap3A_71 = arith.index_cast %scan3A_61 : i32 to index
      %swap3A_72 = arith.constant 32 : index
      %swap3A_73 = tpu.vector_load %arg6[%swap3A_71, %swap3A_72] {strides = array<i32>} : memref<128x128xf32, #tpu.memory_space<vmem>>, vector<1x16xf32>,
      %swap3A_74 = vector.shape_cast %swap3A_73 : vector<1x16xf32> to vector<16xf32>
      %swap3A_75 = vector.shape_cast %broadcast_in_dim3A_5 : vector<16xf32> to vector<1x16xf32>
      tpu.vector_store %arg6[%swap3A_71, %swap3A_72], %swap3A_75 {strides = array<i32>} : memref<128x128xf32, #tpu.memory_space<vmem>>, vector<1x16xf32>,
      %swap3A_76 = arith.index_cast %scan3A_61 : i32 to index
      %swap3A_77 = arith.constant 48 : index
      %swap3A_78 = tpu.vector_load %arg6[%swap3A_76, %swap3A_77] {strides = array<i32>} : memref<128x128xf32, #tpu.memory_space<vmem>>, vector<1x16xf32>,
      %swap3A_79 = vector.shape_cast %swap3A_78 : vector<1x16xf32> to vector<16xf32>
      %swap3A_80 = vector.shape_cast %broadcast_in_dim3A_5 : vector<16xf32> to vector<1x16xf32>
      tpu.vector_store %arg6[%swap3A_76, %swap3A_77], %swap3A_80 {strides = array<i32>} : memref<128x128xf32, #tpu.memory_space<vmem>>, vector<1x16xf32>,
      %swap3A_81 = arith.index_cast %scan3A_61 : i32 to index
      %swap3A_82 = arith.constant 64 : index
      %swap3A_83 = tpu.vector_load %arg6[%swap3A_81, %swap3A_82] {strides = array<i32>} : memref<128x128xf32, #tpu.memory_space<vmem>>, vector<1x16xf32>,
      %swap3A_84 = vector.shape_cast %swap3A_83 : vector<1x16xf32> to vector<16xf32>
      %swap3A_85 = vector.shape_cast %broadcast_in_dim3A_5 : vector<16xf32> to vector<1x16xf32>
      tpu.vector_store %arg6[%swap3A_81, %swap3A_82], %swap3A_85 {strides = array<i32>} : memref<128x128xf32, #tpu.memory_space<vmem>>, vector<1x16xf32>,
      %swap3A_86 = arith.index_cast %scan3A_61 : i32 to index
      %swap3A_87 = arith.constant 80 : index
      %swap3A_88 = tpu.vector_load %arg6[%swap3A_86, %swap3A_87] {strides = array<i32>} : memref<128x128xf32, #tpu.memory_space<vmem>>, vector<1x16xf32>,
      %swap3A_89 = vector.shape_cast %swap3A_88 : vector<1x16xf32> to vector<16xf32>
      %swap3A_90 = vector.shape_cast %broadcast_in_dim3A_5 : vector<16xf32> to vector<1x16xf32>
      tpu.vector_store %arg6[%swap3A_86, %swap3A_87], %swap3A_90 {strides = array<i32>} : memref<128x128xf32, #tpu.memory_space<vmem>>, vector<1x16xf32>,
      %swap3A_91 = arith.index_cast %scan3A_61 : i32 to index
      %swap3A_92 = arith.constant 96 : index
      %swap3A_93 = tpu.vector_load %arg6[%swap3A_91, %swap3A_92] {strides = array<i32>} : memref<128x128xf32, #tpu.memory_space<vmem>>, vector<1x16xf32>,
      %swap3A_94 = vector.shape_cast %swap3A_93 : vector<1x16xf32> to vector<16xf32>
      %swap3A_95 = vector.shape_cast %broadcast_in_dim3A_5 : vector<16xf32> to vector<1x16xf32>
      tpu.vector_store %arg6[%swap3A_91, %swap3A_92], %swap3A_95 {strides = array<i32>} : memref<128x128xf32, #tpu.memory_space<vmem>>, vector<1x16xf32>,
      %swap3A_96 = arith.index_cast %scan3A_61 : i32 to index
      %swap3A_97 = arith.constant 112 : index
      %swap3A_98 = tpu.vector_load %arg6[%swap3A_96, %swap3A_97] {strides = array<i32>} : memref<128x128xf32, #tpu.memory_space<vmem>>, vector<1x16xf32>,
      %swap3A_99 = vector.shape_cast %swap3A_98 : vector<1x16xf32> to vector<16xf32>
      %swap3A_100 = vector.shape_cast %broadcast_in_dim3A_5 : vector<16xf32> to vector<1x16xf32>
      tpu.vector_store %arg6[%swap3A_96, %swap3A_97], %swap3A_100 {strides = array<i32>} : memref<128x128xf32, #tpu.memory_space<vmem>>, vector<1x16xf32>,
    }
    %scan3A_10 = arith.constant 128 : i32
    %add3A_11 = arith.constant 0 : i32
    %add3A_12 = arith.addi %mul3A_4, %add3A_11 : i32
    "tpu.region"() ({
      %run_scoped3A = tpu.sem_alloc : memref<!tpu.dma_semaphore, #tpu.memory_space<semaphore_mem>>
      %dma_start3A = arith.constant 0 : i32
      %dma_start3A_61 = tpu.memref_slice %arg7[%add3A_12, %dma_start3A] : memref<10240x128xf32, #tpu.memory_space<vmem_shared>> -> memref<128x128xf32, #tpu.memory_space<vmem_shared>>
      %dma_start3A_62 = arith.constant 0 : i32
      %dma_start3A_63 = tpu.memref_slice %arg7[%add3A_12, %dma_start3A_62] : memref<10240x128xf32, #tpu.memory_space<vmem_shared>> -> memref<128x128xf32, #tpu.memory_space<vmem_shared>>
      tpu.enqueue_dma source(%arg6 : memref<128x128xf32, #tpu.memory_space<vmem>>) target(%dma_start3A_63 : memref<128x128xf32, #tpu.memory_space<vmem_shared>>) target_semaphore(%run_scoped3A : memref<!tpu.dma_semaphore, #tpu.memory_space<semaphore_mem>>)
      %dma_wait3A = arith.constant 0 : i32
      %dma_wait3A_64 = tpu.memref_slice %arg7[%add3A_12, %dma_wait3A] : memref<10240x128xf32, #tpu.memory_space<vmem_shared>> -> memref<128x128xf32, #tpu.memory_space<vmem_shared>>
      %dma_wait3A_65 = arith.constant 0 : i32
      %dma_wait3A_66 = tpu.memref_slice %arg7[%add3A_12, %dma_wait3A_65] : memref<10240x128xf32, #tpu.memory_space<vmem_shared>> -> memref<128x128xf32, #tpu.memory_space<vmem_shared>>
      tpu.wait_dma2 semaphore(%run_scoped3A : memref<!tpu.dma_semaphore, #tpu.memory_space<semaphore_mem>>) src(%arg6 : memref<128x128xf32, #tpu.memory_space<vmem>>) dst(%dma_wait3A_66 : memref<128x128xf32, #tpu.memory_space<vmem_shared>>)
      tpu.yield
    }) : () -> ()
    %add3A_13 = arith.constant 128 : i32
    %add3A_14 = arith.addi %mul3A_4, %add3A_13 : i32
    "tpu.region"() ({
      %run_scoped3A = tpu.sem_alloc : memref<!tpu.dma_semaphore, #tpu.memory_space<semaphore_mem>>
      %dma_start3A = arith.constant 0 : i32
      %dma_start3A_61 = tpu.memref_slice %arg7[%add3A_14, %dma_start3A] : memref<10240x128xf32, #tpu.memory_space<vmem_shared>> -> memref<128x128xf32, #tpu.memory_space<vmem_shared>>
      %dma_start3A_62 = arith.constant 0 : i32
      %dma_start3A_63 = tpu.memref_slice %arg7[%add3A_14, %dma_start3A_62] : memref<10240x128xf32, #tpu.memory_space<vmem_shared>> -> memref<128x128xf32, #tpu.memory_space<vmem_shared>>
      tpu.enqueue_dma source(%arg6 : memref<128x128xf32, #tpu.memory_space<vmem>>) target(%dma_start3A_63 : memref<128x128xf32, #tpu.memory_space<vmem_shared>>) target_semaphore(%run_scoped3A : memref<!tpu.dma_semaphore, #tpu.memory_space<semaphore_mem>>)
      %dma_wait3A = arith.constant 0 : i32
      %dma_wait3A_64 = tpu.memref_slice %arg7[%add3A_14, %dma_wait3A] : memref<10240x128xf32, #tpu.memory_space<vmem_shared>> -> memref<128x128xf32, #tpu.memory_space<vmem_shared>>
      %dma_wait3A_65 = arith.constant 0 : i32
      %dma_wait3A_66 = tpu.memref_slice %arg7[%add3A_14, %dma_wait3A_65] : memref<10240x128xf32, #tpu.memory_space<vmem_shared>> -> memref<128x128xf32, #tpu.memory_space<vmem_shared>>
      tpu.wait_dma2 semaphore(%run_scoped3A : memref<!tpu.dma_semaphore, #tpu.memory_space<semaphore_mem>>) src(%arg6 : memref<128x128xf32, #tpu.memory_space<vmem>>) dst(%dma_wait3A_66 : memref<128x128xf32, #tpu.memory_space<vmem_shared>>)
      tpu.yield
    }) : () -> ()
    %add3A_15 = arith.constant 256 : i32
    %add3A_16 = arith.addi %mul3A_4, %add3A_15 : i32
    "tpu.region"() ({
      %run_scoped3A = tpu.sem_alloc : memref<!tpu.dma_semaphore, #tpu.memory_space<semaphore_mem>>
      %dma_start3A = arith.constant 0 : i32
      %dma_start3A_61 = tpu.memref_slice %arg7[%add3A_16, %dma_start3A] : memref<10240x128xf32, #tpu.memory_space<vmem_shared>> -> memref<128x128xf32, #tpu.memory_space<vmem_shared>>
      %dma_start3A_62 = arith.constant 0 : i32
      %dma_start3A_63 = tpu.memref_slice %arg7[%add3A_16, %dma_start3A_62] : memref<10240x128xf32, #tpu.memory_space<vmem_shared>> -> memref<128x128xf32, #tpu.memory_space<vmem_shared>>
      tpu.enqueue_dma source(%arg6 : memref<128x128xf32, #tpu.memory_space<vmem>>) target(%dma_start3A_63 : memref<128x128xf32, #tpu.memory_space<vmem_shared>>) target_semaphore(%run_scoped3A : memref<!tpu.dma_semaphore, #tpu.memory_space<semaphore_mem>>)
      %dma_wait3A = arith.constant 0 : i32
      %dma_wait3A_64 = tpu.memref_slice %arg7[%add3A_16, %dma_wait3A] : memref<10240x128xf32, #tpu.memory_space<vmem_shared>> -> memref<128x128xf32, #tpu.memory_space<vmem_shared>>
      %dma_wait3A_65 = arith.constant 0 : i32
      %dma_wait3A_66 = tpu.memref_slice %arg7[%add3A_16, %dma_wait3A_65] : memref<10240x128xf32, #tpu.memory_space<vmem_shared>> -> memref<128x128xf32, #tpu.memory_space<vmem_shared>>
      tpu.wait_dma2 semaphore(%run_scoped3A : memref<!tpu.dma_semaphore, #tpu.memory_space<semaphore_mem>>) src(%arg6 : memref<128x128xf32, #tpu.memory_space<vmem>>) dst(%dma_wait3A_66 : memref<128x128xf32, #tpu.memory_space<vmem_shared>>)
      tpu.yield
    }) : () -> ()
    %add3A_17 = arith.constant 384 : i32
    %add3A_18 = arith.addi %mul3A_4, %add3A_17 : i32
    "tpu.region"() ({
      %run_scoped3A = tpu.sem_alloc : memref<!tpu.dma_semaphore, #tpu.memory_space<semaphore_mem>>
      %dma_start3A = arith.constant 0 : i32
      %dma_start3A_61 = tpu.memref_slice %arg7[%add3A_18, %dma_start3A] : memref<10240x128xf32, #tpu.memory_space<vmem_shared>> -> memref<128x128xf32, #tpu.memory_space<vmem_shared>>
      %dma_start3A_62 = arith.constant 0 : i32
      %dma_start3A_63 = tpu.memref_slice %arg7[%add3A_18, %dma_start3A_62] : memref<10240x128xf32, #tpu.memory_space<vmem_shared>> -> memref<128x128xf32, #tpu.memory_space<vmem_shared>>
      tpu.enqueue_dma source(%arg6 : memref<128x128xf32, #tpu.memory_space<vmem>>) target(%dma_start3A_63 : memref<128x128xf32, #tpu.memory_space<vmem_shared>>) target_semaphore(%run_scoped3A : memref<!tpu.dma_semaphore, #tpu.memory_space<semaphore_mem>>)
      %dma_wait3A = arith.constant 0 : i32
      %dma_wait3A_64 = tpu.memref_slice %arg7[%add3A_18, %dma_wait3A] : memref<10240x128xf32, #tpu.memory_space<vmem_shared>> -> memref<128x128xf32, #tpu.memory_space<vmem_shared>>
      %dma_wait3A_65 = arith.constant 0 : i32
      %dma_wait3A_66 = tpu.memref_slice %arg7[%add3A_18, %dma_wait3A_65] : memref<10240x128xf32, #tpu.memory_space<vmem_shared>> -> memref<128x128xf32, #tpu.memory_space<vmem_shared>>
      tpu.wait_dma2 semaphore(%run_scoped3A : memref<!tpu.dma_semaphore, #tpu.memory_space<semaphore_mem>>) src(%arg6 : memref<128x128xf32, #tpu.memory_space<vmem>>) dst(%dma_wait3A_66 : memref<128x128xf32, #tpu.memory_space<vmem_shared>>)
      tpu.yield
    }) : () -> ()
    %add3A_19 = arith.constant 512 : i32
    %add3A_20 = arith.addi %mul3A_4, %add3A_19 : i32
    "tpu.region"() ({
      %run_scoped3A = tpu.sem_alloc : memref<!tpu.dma_semaphore, #tpu.memory_space<semaphore_mem>>
      %dma_start3A = arith.constant 0 : i32
      %dma_start3A_61 = tpu.memref_slice %arg7[%add3A_20, %dma_start3A] : memref<10240x128xf32, #tpu.memory_space<vmem_shared>> -> memref<128x128xf32, #tpu.memory_space<vmem_shared>>
      %dma_start3A_62 = arith.constant 0 : i32
      %dma_start3A_63 = tpu.memref_slice %arg7[%add3A_20, %dma_start3A_62] : memref<10240x128xf32, #tpu.memory_space<vmem_shared>> -> memref<128x128xf32, #tpu.memory_space<vmem_shared>>
      tpu.enqueue_dma source(%arg6 : memref<128x128xf32, #tpu.memory_space<vmem>>) target(%dma_start3A_63 : memref<128x128xf32, #tpu.memory_space<vmem_shared>>) target_semaphore(%run_scoped3A : memref<!tpu.dma_semaphore, #tpu.memory_space<semaphore_mem>>)
      %dma_wait3A = arith.constant 0 : i32
      %dma_wait3A_64 = tpu.memref_slice %arg7[%add3A_20, %dma_wait3A] : memref<10240x128xf32, #tpu.memory_space<vmem_shared>> -> memref<128x128xf32, #tpu.memory_space<vmem_shared>>
      %dma_wait3A_65 = arith.constant 0 : i32
      %dma_wait3A_66 = tpu.memref_slice %arg7[%add3A_20, %dma_wait3A_65] : memref<10240x128xf32, #tpu.memory_space<vmem_shared>> -> memref<128x128xf32, #tpu.memory_space<vmem_shared>>
      tpu.wait_dma2 semaphore(%run_scoped3A : memref<!tpu.dma_semaphore, #tpu.memory_space<semaphore_mem>>) src(%arg6 : memref<128x128xf32, #tpu.memory_space<vmem>>) dst(%dma_wait3A_66 : memref<128x128xf32, #tpu.memory_space<vmem_shared>>)
      tpu.yield
    }) : () -> ()
    %broadcast_in_dim3A_21 = arith.constant 1.000000e+00 : f32
    %broadcast_in_dim3A_22 = vector.broadcast %broadcast_in_dim3A_21 : f32 to vector<16xf32>
    %scan3A_23 = arith.constant 0 : i32
    %scan3A_24 = arith.constant 0 : i32
    %scan3A_25 = arith.constant 128 : i32
    %scan3A_26 = arith.addi %scan3A_24, %scan3A_25 : i32
    %scan3A_27 = arith.constant 1 : i32
    scf.for %scan3A_61 = %scan3A_24 to %scan3A_26 step %scan3A_27  : i32 {
      %swap3A = arith.index_cast %scan3A_61 : i32 to index
      %swap3A_62 = arith.constant 0 : index
      %swap3A_63 = tpu.vector_load %arg6[%swap3A, %swap3A_62] {strides = array<i32>} : memref<128x128xf32, #tpu.memory_space<vmem>>, vector<1x16xf32>,
      %swap3A_64 = vector.shape_cast %swap3A_63 : vector<1x16xf32> to vector<16xf32>
      %swap3A_65 = vector.shape_cast %broadcast_in_dim3A_22 : vector<16xf32> to vector<1x16xf32>
      tpu.vector_store %arg6[%swap3A, %swap3A_62], %swap3A_65 {strides = array<i32>} : memref<128x128xf32, #tpu.memory_space<vmem>>, vector<1x16xf32>,
      %swap3A_66 = arith.index_cast %scan3A_61 : i32 to index
      %swap3A_67 = arith.constant 16 : index
      %swap3A_68 = tpu.vector_load %arg6[%swap3A_66, %swap3A_67] {strides = array<i32>} : memref<128x128xf32, #tpu.memory_space<vmem>>, vector<1x16xf32>,
      %swap3A_69 = vector.shape_cast %swap3A_68 : vector<1x16xf32> to vector<16xf32>
      %swap3A_70 = vector.shape_cast %broadcast_in_dim3A_22 : vector<16xf32> to vector<1x16xf32>
      tpu.vector_store %arg6[%swap3A_66, %swap3A_67], %swap3A_70 {strides = array<i32>} : memref<128x128xf32, #tpu.memory_space<vmem>>, vector<1x16xf32>,
      %swap3A_71 = arith.index_cast %scan3A_61 : i32 to index
      %swap3A_72 = arith.constant 32 : index
      %swap3A_73 = tpu.vector_load %arg6[%swap3A_71, %swap3A_72] {strides = array<i32>} : memref<128x128xf32, #tpu.memory_space<vmem>>, vector<1x16xf32>,
      %swap3A_74 = vector.shape_cast %swap3A_73 : vector<1x16xf32> to vector<16xf32>
      %swap3A_75 = vector.shape_cast %broadcast_in_dim3A_22 : vector<16xf32> to vector<1x16xf32>
      tpu.vector_store %arg6[%swap3A_71, %swap3A_72], %swap3A_75 {strides = array<i32>} : memref<128x128xf32, #tpu.memory_space<vmem>>, vector<1x16xf32>,
      %swap3A_76 = arith.index_cast %scan3A_61 : i32 to index
      %swap3A_77 = arith.constant 48 : index
      %swap3A_78 = tpu.vector_load %arg6[%swap3A_76, %swap3A_77] {strides = array<i32>} : memref<128x128xf32, #tpu.memory_space<vmem>>, vector<1x16xf32>,
      %swap3A_79 = vector.shape_cast %swap3A_78 : vector<1x16xf32> to vector<16xf32>
      %swap3A_80 = vector.shape_cast %broadcast_in_dim3A_22 : vector<16xf32> to vector<1x16xf32>
      tpu.vector_store %arg6[%swap3A_76, %swap3A_77], %swap3A_80 {strides = array<i32>} : memref<128x128xf32, #tpu.memory_space<vmem>>, vector<1x16xf32>,
      %swap3A_81 = arith.index_cast %scan3A_61 : i32 to index
      %swap3A_82 = arith.constant 64 : index
      %swap3A_83 = tpu.vector_load %arg6[%swap3A_81, %swap3A_82] {strides = array<i32>} : memref<128x128xf32, #tpu.memory_space<vmem>>, vector<1x16xf32>,
      %swap3A_84 = vector.shape_cast %swap3A_83 : vector<1x16xf32> to vector<16xf32>
      %swap3A_85 = vector.shape_cast %broadcast_in_dim3A_22 : vector<16xf32> to vector<1x16xf32>
      tpu.vector_store %arg6[%swap3A_81, %swap3A_82], %swap3A_85 {strides = array<i32>} : memref<128x128xf32, #tpu.memory_space<vmem>>, vector<1x16xf32>,
      %swap3A_86 = arith.index_cast %scan3A_61 : i32 to index
      %swap3A_87 = arith.constant 80 : index
      %swap3A_88 = tpu.vector_load %arg6[%swap3A_86, %swap3A_87] {strides = array<i32>} : memref<128x128xf32, #tpu.memory_space<vmem>>, vector<1x16xf32>,
      %swap3A_89 = vector.shape_cast %swap3A_88 : vector<1x16xf32> to vector<16xf32>
      %swap3A_90 = vector.shape_cast %broadcast_in_dim3A_22 : vector<16xf32> to vector<1x16xf32>
      tpu.vector_store %arg6[%swap3A_86, %swap3A_87], %swap3A_90 {strides = array<i32>} : memref<128x128xf32, #tpu.memory_space<vmem>>, vector<1x16xf32>,
      %swap3A_91 = arith.index_cast %scan3A_61 : i32 to index
      %swap3A_92 = arith.constant 96 : index
      %swap3A_93 = tpu.vector_load %arg6[%swap3A_91, %swap3A_92] {strides = array<i32>} : memref<128x128xf32, #tpu.memory_space<vmem>>, vector<1x16xf32>,
      %swap3A_94 = vector.shape_cast %swap3A_93 : vector<1x16xf32> to vector<16xf32>
      %swap3A_95 = vector.shape_cast %broadcast_in_dim3A_22 : vector<16xf32> to vector<1x16xf32>
      tpu.vector_store %arg6[%swap3A_91, %swap3A_92], %swap3A_95 {strides = array<i32>} : memref<128x128xf32, #tpu.memory_space<vmem>>, vector<1x16xf32>,
      %swap3A_96 = arith.index_cast %scan3A_61 : i32 to index
      %swap3A_97 = arith.constant 112 : index
      %swap3A_98 = tpu.vector_load %arg6[%swap3A_96, %swap3A_97] {strides = array<i32>} : memref<128x128xf32, #tpu.memory_space<vmem>>, vector<1x16xf32>,
      %swap3A_99 = vector.shape_cast %swap3A_98 : vector<1x16xf32> to vector<16xf32>
      %swap3A_100 = vector.shape_cast %broadcast_in_dim3A_22 : vector<16xf32> to vector<1x16xf32>
      tpu.vector_store %arg6[%swap3A_96, %swap3A_97], %swap3A_100 {strides = array<i32>} : memref<128x128xf32, #tpu.memory_space<vmem>>, vector<1x16xf32>,
    }
    %scan3A_28 = arith.constant 128 : i32
    %barrier3A = arith.constant 0 : index
    tpu.barrier barrier_id(%barrier3A)
    %add3A_29 = arith.constant 0 : i32
    %add3A_30 = arith.addi %mul3A_2, %add3A_29 : i32
    "tpu.region"() ({
      %run_scoped3A = tpu.sem_alloc : memref<!tpu.dma_semaphore, #tpu.memory_space<semaphore_mem>>
      %dma_start3A = arith.constant 0 : i32
      %dma_start3A_61 = arith.constant 0 : i32
      %dma_start3A_62 = tpu.memref_slice %arg2[%add3A_30, %dma_start3A, %dma_start3A_61] : memref<2560x2x128xi32, #tpu.memory_space<hbm>> -> memref<1x2x128xi32, #tpu.memory_space<hbm>>
      %dma_start3A_63 = tpu.memref_squeeze %dma_start3A_62 : memref<1x2x128xi32, #tpu.memory_space<hbm>> -> memref<2x128xi32, #tpu.memory_space<hbm>>
      %dma_start3A_64 = arith.constant 0 : i32
      %dma_start3A_65 = arith.constant 0 : i32
      %dma_start3A_66 = tpu.memref_slice %arg2[%add3A_30, %dma_start3A_64, %dma_start3A_65] : memref<2560x2x128xi32, #tpu.memory_space<hbm>> -> memref<1x2x128xi32, #tpu.memory_space<hbm>>
      %dma_start3A_67 = tpu.memref_squeeze %dma_start3A_66 : memref<1x2x128xi32, #tpu.memory_space<hbm>> -> memref<2x128xi32, #tpu.memory_space<hbm>>
      tpu.enqueue_dma source(%dma_start3A_67 : memref<2x128xi32, #tpu.memory_space<hbm>>) target(%arg4 : memref<2x128xi32, #tpu.memory_space<vmem>>) target_semaphore(%run_scoped3A : memref<!tpu.dma_semaphore, #tpu.memory_space<semaphore_mem>>)
      %dma_wait3A = arith.constant 0 : i32
      %dma_wait3A_68 = arith.constant 0 : i32
      %dma_wait3A_69 = tpu.memref_slice %arg2[%add3A_30, %dma_wait3A, %dma_wait3A_68] : memref<2560x2x128xi32, #tpu.memory_space<hbm>> -> memref<1x2x128xi32, #tpu.memory_space<hbm>>
      %dma_wait3A_70 = tpu.memref_squeeze %dma_wait3A_69 : memref<1x2x128xi32, #tpu.memory_space<hbm>> -> memref<2x128xi32, #tpu.memory_space<hbm>>
      %dma_wait3A_71 = arith.constant 0 : i32
      %dma_wait3A_72 = arith.constant 0 : i32
      %dma_wait3A_73 = tpu.memref_slice %arg2[%add3A_30, %dma_wait3A_71, %dma_wait3A_72] : memref<2560x2x128xi32, #tpu.memory_space<hbm>> -> memref<1x2x128xi32, #tpu.memory_space<hbm>>
      %dma_wait3A_74 = tpu.memref_squeeze %dma_wait3A_73 : memref<1x2x128xi32, #tpu.memory_space<hbm>> -> memref<2x128xi32, #tpu.memory_space<hbm>>
      tpu.wait_dma2 semaphore(%run_scoped3A : memref<!tpu.dma_semaphore, #tpu.memory_space<semaphore_mem>>) src(%dma_wait3A_74 : memref<2x128xi32, #tpu.memory_space<hbm>>) dst(%arg4 : memref<2x128xi32, #tpu.memory_space<vmem>>)
      tpu.yield
    }) : () -> ()
    %scan3A_31 = arith.constant 0 : i32
    %scan3A_32 = arith.constant 0 : i32
    %scan3A_33 = arith.constant 40 : i32
    %scan3A_34 = arith.addi %scan3A_32, %scan3A_33 : i32
    %scan3A_35 = arith.constant 1 : i32
    scf.for %scan3A_61 = %scan3A_32 to %scan3A_34 step %scan3A_35  : i32 {
      %mul3A_62 = arith.constant 2 : i32
      %mul3A_63 = arith.muli %mul3A_62, %scan3A_61 : i32
      %add3A_64 = arith.constant 1 : i32
      %add3A_65 = arith.addi %mul3A_63, %add3A_64 : i32
      %add3A_66 = arith.addi %mul3A_2, %add3A_65 : i32
      "tpu.region"() ({
        %run_scoped3A_72 = tpu.sem_alloc : memref<!tpu.dma_semaphore, #tpu.memory_space<semaphore_mem>>
        %dma_start3A = arith.constant 0 : i32
        %dma_start3A_73 = arith.constant 0 : i32
        %dma_start3A_74 = tpu.memref_slice %arg2[%add3A_66, %dma_start3A, %dma_start3A_73] : memref<2560x2x128xi32, #tpu.memory_space<hbm>> -> memref<1x2x128xi32, #tpu.memory_space<hbm>>
        %dma_start3A_75 = tpu.memref_squeeze %dma_start3A_74 : memref<1x2x128xi32, #tpu.memory_space<hbm>> -> memref<2x128xi32, #tpu.memory_space<hbm>>
        %dma_start3A_76 = arith.constant 0 : i32
        %dma_start3A_77 = arith.constant 0 : i32
        %dma_start3A_78 = tpu.memref_slice %arg2[%add3A_66, %dma_start3A_76, %dma_start3A_77] : memref<2560x2x128xi32, #tpu.memory_space<hbm>> -> memref<1x2x128xi32, #tpu.memory_space<hbm>>
        %dma_start3A_79 = tpu.memref_squeeze %dma_start3A_78 : memref<1x2x128xi32, #tpu.memory_space<hbm>> -> memref<2x128xi32, #tpu.memory_space<hbm>>
        tpu.enqueue_dma source(%dma_start3A_79 : memref<2x128xi32, #tpu.memory_space<hbm>>) target(%arg5 : memref<2x128xi32, #tpu.memory_space<vmem>>) target_semaphore(%run_scoped3A_72 : memref<!tpu.dma_semaphore, #tpu.memory_space<semaphore_mem>>)
        %dma_wait3A = arith.constant 0 : i32
        %dma_wait3A_80 = arith.constant 0 : i32
        %dma_wait3A_81 = tpu.memref_slice %arg2[%add3A_66, %dma_wait3A, %dma_wait3A_80] : memref<2560x2x128xi32, #tpu.memory_space<hbm>> -> memref<1x2x128xi32, #tpu.memory_space<hbm>>
        %dma_wait3A_82 = tpu.memref_squeeze %dma_wait3A_81 : memref<1x2x128xi32, #tpu.memory_space<hbm>> -> memref<2x128xi32, #tpu.memory_space<hbm>>
        %dma_wait3A_83 = arith.constant 0 : i32
        %dma_wait3A_84 = arith.constant 0 : i32
        %dma_wait3A_85 = tpu.memref_slice %arg2[%add3A_66, %dma_wait3A_83, %dma_wait3A_84] : memref<2560x2x128xi32, #tpu.memory_space<hbm>> -> memref<1x2x128xi32, #tpu.memory_space<hbm>>
        %dma_wait3A_86 = tpu.memref_squeeze %dma_wait3A_85 : memref<1x2x128xi32, #tpu.memory_space<hbm>> -> memref<2x128xi32, #tpu.memory_space<hbm>>
        tpu.wait_dma2 semaphore(%run_scoped3A_72 : memref<!tpu.dma_semaphore, #tpu.memory_space<semaphore_mem>>) src(%dma_wait3A_86 : memref<2x128xi32, #tpu.memory_space<hbm>>) dst(%arg5 : memref<2x128xi32, #tpu.memory_space<vmem>>)
        tpu.yield
      }) : () -> ()
      %run_scoped3A = arith.constant 1 : i32
      "tpu.region"() ({
        %run_scoped3A_72 = tpu.sem_alloc : memref<!tpu.dma_semaphore, #tpu.memory_space<semaphore_mem>>
        %dma_start3A = arith.constant 0 : i32
        %dma_start3A_73 = tpu.memref_slice %arg4[%run_scoped3A, %dma_start3A] : memref<2x128xi32, #tpu.memory_space<vmem>> -> memref<1x128xi32, #tpu.memory_space<vmem>>
        %dma_start3A_74 = tpu.memref_squeeze %dma_start3A_73 : memref<1x128xi32, #tpu.memory_space<vmem>> -> memref<128xi32, #tpu.memory_space<vmem>>
        %dma_start3A_75 = arith.constant 0 : i32
        %dma_start3A_76 = arith.constant 0 : i32
        %dma_start3A_77 = tpu.memref_slice %arg7[%dma_start3A_75, %dma_start3A_76] : memref<10240x128xf32, #tpu.memory_space<vmem_shared>> -> memref<10240x128xf32, #tpu.memory_space<vmem_shared>>
        tpu.enqueue_indirect_dma source(%arg6 : memref<128x128xf32, #tpu.memory_space<vmem>>) target(%dma_start3A_77 : memref<10240x128xf32, #tpu.memory_space<vmem_shared>>) offsets(%dma_start3A_74 : memref<128xi32, #tpu.memory_space<vmem>>) semaphore(%run_scoped3A_72 : memref<!tpu.dma_semaphore, #tpu.memory_space<semaphore_mem>>) {add = true}
        %dma_wait3A = arith.constant 0 : i32
        %dma_wait3A_78 = tpu.memref_slice %arg4[%run_scoped3A, %dma_wait3A] : memref<2x128xi32, #tpu.memory_space<vmem>> -> memref<1x128xi32, #tpu.memory_space<vmem>>
        %dma_wait3A_79 = tpu.memref_squeeze %dma_wait3A_78 : memref<1x128xi32, #tpu.memory_space<vmem>> -> memref<128xi32, #tpu.memory_space<vmem>>
        %dma_wait3A_80 = arith.constant 0 : i32
        %dma_wait3A_81 = arith.constant 0 : i32
        %dma_wait3A_82 = tpu.memref_slice %arg7[%dma_wait3A_80, %dma_wait3A_81] : memref<10240x128xf32, #tpu.memory_space<vmem_shared>> -> memref<10240x128xf32, #tpu.memory_space<vmem_shared>>
        tpu.wait_indirect_dma semaphore(%run_scoped3A_72 : memref<!tpu.dma_semaphore, #tpu.memory_space<semaphore_mem>>) src(%arg6 : memref<128x128xf32, #tpu.memory_space<vmem>>) dst(%dma_wait3A_82 : memref<10240x128xf32, #tpu.memory_space<vmem_shared>>)
        tpu.yield
      }) : () -> ()
      %add3A_67 = arith.constant 1 : i32
      %add3A_68 = arith.addi %scan3A_61, %add3A_67 : i32
      %lt3A = arith.constant 40 : i32
      %lt3A_69 = arith.cmpi slt, %add3A_68, %lt3A : i32
      %convert_element_type3A = arith.extui %lt3A_69 : i1 to i32
      %cond3A = arith.constant 0 : i32
      %cond3A_70 = arith.cmpi ne, %convert_element_type3A, %cond3A : i32
      scf.if %cond3A_70 {
        %add3A_72 = arith.constant 2 : i32
        %add3A_73 = arith.addi %mul3A_63, %add3A_72 : i32
        %add3A_74 = arith.addi %mul3A_2, %add3A_73 : i32
        "tpu.region"() ({
          %run_scoped3A_75 = tpu.sem_alloc : memref<!tpu.dma_semaphore, #tpu.memory_space<semaphore_mem>>
          %dma_start3A = arith.constant 0 : i32
          %dma_start3A_76 = arith.constant 0 : i32
          %dma_start3A_77 = tpu.memref_slice %arg2[%add3A_74, %dma_start3A, %dma_start3A_76] : memref<2560x2x128xi32, #tpu.memory_space<hbm>> -> memref<1x2x128xi32, #tpu.memory_space<hbm>>
          %dma_start3A_78 = tpu.memref_squeeze %dma_start3A_77 : memref<1x2x128xi32, #tpu.memory_space<hbm>> -> memref<2x128xi32, #tpu.memory_space<hbm>>
          %dma_start3A_79 = arith.constant 0 : i32
          %dma_start3A_80 = arith.constant 0 : i32
          %dma_start3A_81 = tpu.memref_slice %arg2[%add3A_74, %dma_start3A_79, %dma_start3A_80] : memref<2560x2x128xi32, #tpu.memory_space<hbm>> -> memref<1x2x128xi32, #tpu.memory_space<hbm>>
          %dma_start3A_82 = tpu.memref_squeeze %dma_start3A_81 : memref<1x2x128xi32, #tpu.memory_space<hbm>> -> memref<2x128xi32, #tpu.memory_space<hbm>>
          tpu.enqueue_dma source(%dma_start3A_82 : memref<2x128xi32, #tpu.memory_space<hbm>>) target(%arg4 : memref<2x128xi32, #tpu.memory_space<vmem>>) target_semaphore(%run_scoped3A_75 : memref<!tpu.dma_semaphore, #tpu.memory_space<semaphore_mem>>)
          %dma_wait3A = arith.constant 0 : i32
          %dma_wait3A_83 = arith.constant 0 : i32
          %dma_wait3A_84 = tpu.memref_slice %arg2[%add3A_74, %dma_wait3A, %dma_wait3A_83] : memref<2560x2x128xi32, #tpu.memory_space<hbm>> -> memref<1x2x128xi32, #tpu.memory_space<hbm>>
          %dma_wait3A_85 = tpu.memref_squeeze %dma_wait3A_84 : memref<1x2x128xi32, #tpu.memory_space<hbm>> -> memref<2x128xi32, #tpu.memory_space<hbm>>
          %dma_wait3A_86 = arith.constant 0 : i32
          %dma_wait3A_87 = arith.constant 0 : i32
          %dma_wait3A_88 = tpu.memref_slice %arg2[%add3A_74, %dma_wait3A_86, %dma_wait3A_87] : memref<2560x2x128xi32, #tpu.memory_space<hbm>> -> memref<1x2x128xi32, #tpu.memory_space<hbm>>
          %dma_wait3A_89 = tpu.memref_squeeze %dma_wait3A_88 : memref<1x2x128xi32, #tpu.memory_space<hbm>> -> memref<2x128xi32, #tpu.memory_space<hbm>>
          tpu.wait_dma2 semaphore(%run_scoped3A_75 : memref<!tpu.dma_semaphore, #tpu.memory_space<semaphore_mem>>) src(%dma_wait3A_89 : memref<2x128xi32, #tpu.memory_space<hbm>>) dst(%arg4 : memref<2x128xi32, #tpu.memory_space<vmem>>)
          tpu.yield
        }) : () -> ()
      } else {
      }
      %run_scoped3A_71 = arith.constant 1 : i32
      "tpu.region"() ({
        %run_scoped3A_72 = tpu.sem_alloc : memref<!tpu.dma_semaphore, #tpu.memory_space<semaphore_mem>>
        %dma_start3A = arith.constant 0 : i32
        %dma_start3A_73 = tpu.memref_slice %arg5[%run_scoped3A_71, %dma_start3A] : memref<2x128xi32, #tpu.memory_space<vmem>> -> memref<1x128xi32, #tpu.memory_space<vmem>>
        %dma_start3A_74 = tpu.memref_squeeze %dma_start3A_73 : memref<1x128xi32, #tpu.memory_space<vmem>> -> memref<128xi32, #tpu.memory_space<vmem>>
        %dma_start3A_75 = arith.constant 0 : i32
        %dma_start3A_76 = arith.constant 0 : i32
        %dma_start3A_77 = tpu.memref_slice %arg7[%dma_start3A_75, %dma_start3A_76] : memref<10240x128xf32, #tpu.memory_space<vmem_shared>> -> memref<10240x128xf32, #tpu.memory_space<vmem_shared>>
        tpu.enqueue_indirect_dma source(%arg6 : memref<128x128xf32, #tpu.memory_space<vmem>>) target(%dma_start3A_77 : memref<10240x128xf32, #tpu.memory_space<vmem_shared>>) offsets(%dma_start3A_74 : memref<128xi32, #tpu.memory_space<vmem>>) semaphore(%run_scoped3A_72 : memref<!tpu.dma_semaphore, #tpu.memory_space<semaphore_mem>>) {add = true}
        %dma_wait3A = arith.constant 0 : i32
        %dma_wait3A_78 = tpu.memref_slice %arg5[%run_scoped3A_71, %dma_wait3A] : memref<2x128xi32, #tpu.memory_space<vmem>> -> memref<1x128xi32, #tpu.memory_space<vmem>>
        %dma_wait3A_79 = tpu.memref_squeeze %dma_wait3A_78 : memref<1x128xi32, #tpu.memory_space<vmem>> -> memref<128xi32, #tpu.memory_space<vmem>>
        %dma_wait3A_80 = arith.constant 0 : i32
        %dma_wait3A_81 = arith.constant 0 : i32
        %dma_wait3A_82 = tpu.memref_slice %arg7[%dma_wait3A_80, %dma_wait3A_81] : memref<10240x128xf32, #tpu.memory_space<vmem_shared>> -> memref<10240x128xf32, #tpu.memory_space<vmem_shared>>
        tpu.wait_indirect_dma semaphore(%run_scoped3A_72 : memref<!tpu.dma_semaphore, #tpu.memory_space<semaphore_mem>>) src(%arg6 : memref<128x128xf32, #tpu.memory_space<vmem>>) dst(%dma_wait3A_82 : memref<10240x128xf32, #tpu.memory_space<vmem_shared>>)
        tpu.yield
      }) : () -> ()
    }
    %scan3A_36 = arith.constant 40 : i32
    %barrier3A_37 = arith.constant 0 : index
    tpu.barrier barrier_id(%barrier3A_37)
    %mul3A_38 = arith.constant 10240 : i32
    %mul3A_39 = arith.muli %arg0, %mul3A_38 : i32
    %add3A_40 = arith.addi %mul3A_39, %mul3A_4 : i32
    %add3A_41 = arith.constant 0 : i32
    %add3A_42 = arith.addi %mul3A_4, %add3A_41 : i32
    "tpu.region"() ({
      %run_scoped3A = tpu.sem_alloc : memref<!tpu.dma_semaphore, #tpu.memory_space<semaphore_mem>>
      %dma_start3A = arith.constant 0 : i32
      %dma_start3A_61 = tpu.memref_slice %arg7[%add3A_42, %dma_start3A] : memref<10240x128xf32, #tpu.memory_space<vmem_shared>> -> memref<128x128xf32, #tpu.memory_space<vmem_shared>>
      %dma_start3A_62 = arith.constant 0 : i32
      %dma_start3A_63 = tpu.memref_slice %arg7[%add3A_42, %dma_start3A_62] : memref<10240x128xf32, #tpu.memory_space<vmem_shared>> -> memref<128x128xf32, #tpu.memory_space<vmem_shared>>
      tpu.enqueue_dma source(%dma_start3A_63 : memref<128x128xf32, #tpu.memory_space<vmem_shared>>) target(%arg6 : memref<128x128xf32, #tpu.memory_space<vmem>>) target_semaphore(%run_scoped3A : memref<!tpu.dma_semaphore, #tpu.memory_space<semaphore_mem>>)
      %dma_wait3A = arith.constant 0 : i32
      %dma_wait3A_64 = tpu.memref_slice %arg7[%add3A_42, %dma_wait3A] : memref<10240x128xf32, #tpu.memory_space<vmem_shared>> -> memref<128x128xf32, #tpu.memory_space<vmem_shared>>
      %dma_wait3A_65 = arith.constant 0 : i32
      %dma_wait3A_66 = tpu.memref_slice %arg7[%add3A_42, %dma_wait3A_65] : memref<10240x128xf32, #tpu.memory_space<vmem_shared>> -> memref<128x128xf32, #tpu.memory_space<vmem_shared>>
      tpu.wait_dma2 semaphore(%run_scoped3A : memref<!tpu.dma_semaphore, #tpu.memory_space<semaphore_mem>>) src(%dma_wait3A_66 : memref<128x128xf32, #tpu.memory_space<vmem_shared>>) dst(%arg6 : memref<128x128xf32, #tpu.memory_space<vmem>>)
      tpu.yield
    }) : () -> ()
    %add3A_43 = arith.constant 0 : i32
    %add3A_44 = arith.addi %add3A_40, %add3A_43 : i32
    "tpu.region"() ({
      %run_scoped3A = tpu.sem_alloc : memref<!tpu.dma_semaphore, #tpu.memory_space<semaphore_mem>>
      %dma_start3A = arith.constant 0 : i32
      %dma_start3A_61 = tpu.memref_slice %arg3[%add3A_44, %dma_start3A] : memref<20480x128xf32, #tpu.memory_space<hbm>> -> memref<128x128xf32, #tpu.memory_space<hbm>>
      %dma_start3A_62 = arith.constant 0 : i32
      %dma_start3A_63 = tpu.memref_slice %arg3[%add3A_44, %dma_start3A_62] : memref<20480x128xf32, #tpu.memory_space<hbm>> -> memref<128x128xf32, #tpu.memory_space<hbm>>
      tpu.enqueue_dma source(%arg6 : memref<128x128xf32, #tpu.memory_space<vmem>>) target(%dma_start3A_63 : memref<128x128xf32, #tpu.memory_space<hbm>>) target_semaphore(%run_scoped3A : memref<!tpu.dma_semaphore, #tpu.memory_space<semaphore_mem>>)
      %dma_wait3A = arith.constant 0 : i32
      %dma_wait3A_64 = tpu.memref_slice %arg3[%add3A_44, %dma_wait3A] : memref<20480x128xf32, #tpu.memory_space<hbm>> -> memref<128x128xf32, #tpu.memory_space<hbm>>
      %dma_wait3A_65 = arith.constant 0 : i32
      %dma_wait3A_66 = tpu.memref_slice %arg3[%add3A_44, %dma_wait3A_65] : memref<20480x128xf32, #tpu.memory_space<hbm>> -> memref<128x128xf32, #tpu.memory_space<hbm>>
      tpu.wait_dma2 semaphore(%run_scoped3A : memref<!tpu.dma_semaphore, #tpu.memory_space<semaphore_mem>>) src(%arg6 : memref<128x128xf32, #tpu.memory_space<vmem>>) dst(%dma_wait3A_66 : memref<128x128xf32, #tpu.memory_space<hbm>>)
      tpu.yield
    }) : () -> ()
    %add3A_45 = arith.constant 128 : i32
    %add3A_46 = arith.addi %mul3A_4, %add3A_45 : i32
    "tpu.region"() ({
      %run_scoped3A = tpu.sem_alloc : memref<!tpu.dma_semaphore, #tpu.memory_space<semaphore_mem>>
      %dma_start3A = arith.constant 0 : i32
      %dma_start3A_61 = tpu.memref_slice %arg7[%add3A_46, %dma_start3A] : memref<10240x128xf32, #tpu.memory_space<vmem_shared>> -> memref<128x128xf32, #tpu.memory_space<vmem_shared>>
      %dma_start3A_62 = arith.constant 0 : i32
      %dma_start3A_63 = tpu.memref_slice %arg7[%add3A_46, %dma_start3A_62] : memref<10240x128xf32, #tpu.memory_space<vmem_shared>> -> memref<128x128xf32, #tpu.memory_space<vmem_shared>>
      tpu.enqueue_dma source(%dma_start3A_63 : memref<128x128xf32, #tpu.memory_space<vmem_shared>>) target(%arg6 : memref<128x128xf32, #tpu.memory_space<vmem>>) target_semaphore(%run_scoped3A : memref<!tpu.dma_semaphore, #tpu.memory_space<semaphore_mem>>)
      %dma_wait3A = arith.constant 0 : i32
      %dma_wait3A_64 = tpu.memref_slice %arg7[%add3A_46, %dma_wait3A] : memref<10240x128xf32, #tpu.memory_space<vmem_shared>> -> memref<128x128xf32, #tpu.memory_space<vmem_shared>>
      %dma_wait3A_65 = arith.constant 0 : i32
      %dma_wait3A_66 = tpu.memref_slice %arg7[%add3A_46, %dma_wait3A_65] : memref<10240x128xf32, #tpu.memory_space<vmem_shared>> -> memref<128x128xf32, #tpu.memory_space<vmem_shared>>
      tpu.wait_dma2 semaphore(%run_scoped3A : memref<!tpu.dma_semaphore, #tpu.memory_space<semaphore_mem>>) src(%dma_wait3A_66 : memref<128x128xf32, #tpu.memory_space<vmem_shared>>) dst(%arg6 : memref<128x128xf32, #tpu.memory_space<vmem>>)
      tpu.yield
    }) : () -> ()
    %add3A_47 = arith.constant 128 : i32
    %add3A_48 = arith.addi %add3A_40, %add3A_47 : i32
    "tpu.region"() ({
      %run_scoped3A = tpu.sem_alloc : memref<!tpu.dma_semaphore, #tpu.memory_space<semaphore_mem>>
      %dma_start3A = arith.constant 0 : i32
      %dma_start3A_61 = tpu.memref_slice %arg3[%add3A_48, %dma_start3A] : memref<20480x128xf32, #tpu.memory_space<hbm>> -> memref<128x128xf32, #tpu.memory_space<hbm>>
      %dma_start3A_62 = arith.constant 0 : i32
      %dma_start3A_63 = tpu.memref_slice %arg3[%add3A_48, %dma_start3A_62] : memref<20480x128xf32, #tpu.memory_space<hbm>> -> memref<128x128xf32, #tpu.memory_space<hbm>>
      tpu.enqueue_dma source(%arg6 : memref<128x128xf32, #tpu.memory_space<vmem>>) target(%dma_start3A_63 : memref<128x128xf32, #tpu.memory_space<hbm>>) target_semaphore(%run_scoped3A : memref<!tpu.dma_semaphore, #tpu.memory_space<semaphore_mem>>)
      %dma_wait3A = arith.constant 0 : i32
      %dma_wait3A_64 = tpu.memref_slice %arg3[%add3A_48, %dma_wait3A] : memref<20480x128xf32, #tpu.memory_space<hbm>> -> memref<128x128xf32, #tpu.memory_space<hbm>>
      %dma_wait3A_65 = arith.constant 0 : i32
      %dma_wait3A_66 = tpu.memref_slice %arg3[%add3A_48, %dma_wait3A_65] : memref<20480x128xf32, #tpu.memory_space<hbm>> -> memref<128x128xf32, #tpu.memory_space<hbm>>
      tpu.wait_dma2 semaphore(%run_scoped3A : memref<!tpu.dma_semaphore, #tpu.memory_space<semaphore_mem>>) src(%arg6 : memref<128x128xf32, #tpu.memory_space<vmem>>) dst(%dma_wait3A_66 : memref<128x128xf32, #tpu.memory_space<hbm>>)
      tpu.yield
    }) : () -> ()
    %add3A_49 = arith.constant 256 : i32
    %add3A_50 = arith.addi %mul3A_4, %add3A_49 : i32
    "tpu.region"() ({
      %run_scoped3A = tpu.sem_alloc : memref<!tpu.dma_semaphore, #tpu.memory_space<semaphore_mem>>
      %dma_start3A = arith.constant 0 : i32
      %dma_start3A_61 = tpu.memref_slice %arg7[%add3A_50, %dma_start3A] : memref<10240x128xf32, #tpu.memory_space<vmem_shared>> -> memref<128x128xf32, #tpu.memory_space<vmem_shared>>
      %dma_start3A_62 = arith.constant 0 : i32
      %dma_start3A_63 = tpu.memref_slice %arg7[%add3A_50, %dma_start3A_62] : memref<10240x128xf32, #tpu.memory_space<vmem_shared>> -> memref<128x128xf32, #tpu.memory_space<vmem_shared>>
      tpu.enqueue_dma source(%dma_start3A_63 : memref<128x128xf32, #tpu.memory_space<vmem_shared>>) target(%arg6 : memref<128x128xf32, #tpu.memory_space<vmem>>) target_semaphore(%run_scoped3A : memref<!tpu.dma_semaphore, #tpu.memory_space<semaphore_mem>>)
      %dma_wait3A = arith.constant 0 : i32
      %dma_wait3A_64 = tpu.memref_slice %arg7[%add3A_50, %dma_wait3A] : memref<10240x128xf32, #tpu.memory_space<vmem_shared>> -> memref<128x128xf32, #tpu.memory_space<vmem_shared>>
      %dma_wait3A_65 = arith.constant 0 : i32
      %dma_wait3A_66 = tpu.memref_slice %arg7[%add3A_50, %dma_wait3A_65] : memref<10240x128xf32, #tpu.memory_space<vmem_shared>> -> memref<128x128xf32, #tpu.memory_space<vmem_shared>>
      tpu.wait_dma2 semaphore(%run_scoped3A : memref<!tpu.dma_semaphore, #tpu.memory_space<semaphore_mem>>) src(%dma_wait3A_66 : memref<128x128xf32, #tpu.memory_space<vmem_shared>>) dst(%arg6 : memref<128x128xf32, #tpu.memory_space<vmem>>)
      tpu.yield
    }) : () -> ()
    %add3A_51 = arith.constant 256 : i32
    %add3A_52 = arith.addi %add3A_40, %add3A_51 : i32
    "tpu.region"() ({
      %run_scoped3A = tpu.sem_alloc : memref<!tpu.dma_semaphore, #tpu.memory_space<semaphore_mem>>
      %dma_start3A = arith.constant 0 : i32
      %dma_start3A_61 = tpu.memref_slice %arg3[%add3A_52, %dma_start3A] : memref<20480x128xf32, #tpu.memory_space<hbm>> -> memref<128x128xf32, #tpu.memory_space<hbm>>
      %dma_start3A_62 = arith.constant 0 : i32
      %dma_start3A_63 = tpu.memref_slice %arg3[%add3A_52, %dma_start3A_62] : memref<20480x128xf32, #tpu.memory_space<hbm>> -> memref<128x128xf32, #tpu.memory_space<hbm>>
      tpu.enqueue_dma source(%arg6 : memref<128x128xf32, #tpu.memory_space<vmem>>) target(%dma_start3A_63 : memref<128x128xf32, #tpu.memory_space<hbm>>) target_semaphore(%run_scoped3A : memref<!tpu.dma_semaphore, #tpu.memory_space<semaphore_mem>>)
      %dma_wait3A = arith.constant 0 : i32
      %dma_wait3A_64 = tpu.memref_slice %arg3[%add3A_52, %dma_wait3A] : memref<20480x128xf32, #tpu.memory_space<hbm>> -> memref<128x128xf32, #tpu.memory_space<hbm>>
      %dma_wait3A_65 = arith.constant 0 : i32
      %dma_wait3A_66 = tpu.memref_slice %arg3[%add3A_52, %dma_wait3A_65] : memref<20480x128xf32, #tpu.memory_space<hbm>> -> memref<128x128xf32, #tpu.memory_space<hbm>>
      tpu.wait_dma2 semaphore(%run_scoped3A : memref<!tpu.dma_semaphore, #tpu.memory_space<semaphore_mem>>) src(%arg6 : memref<128x128xf32, #tpu.memory_space<vmem>>) dst(%dma_wait3A_66 : memref<128x128xf32, #tpu.memory_space<hbm>>)
      tpu.yield
    }) : () -> ()
    %add3A_53 = arith.constant 384 : i32
    %add3A_54 = arith.addi %mul3A_4, %add3A_53 : i32
    "tpu.region"() ({
      %run_scoped3A = tpu.sem_alloc : memref<!tpu.dma_semaphore, #tpu.memory_space<semaphore_mem>>
      %dma_start3A = arith.constant 0 : i32
      %dma_start3A_61 = tpu.memref_slice %arg7[%add3A_54, %dma_start3A] : memref<10240x128xf32, #tpu.memory_space<vmem_shared>> -> memref<128x128xf32, #tpu.memory_space<vmem_shared>>
      %dma_start3A_62 = arith.constant 0 : i32
      %dma_start3A_63 = tpu.memref_slice %arg7[%add3A_54, %dma_start3A_62] : memref<10240x128xf32, #tpu.memory_space<vmem_shared>> -> memref<128x128xf32, #tpu.memory_space<vmem_shared>>
      tpu.enqueue_dma source(%dma_start3A_63 : memref<128x128xf32, #tpu.memory_space<vmem_shared>>) target(%arg6 : memref<128x128xf32, #tpu.memory_space<vmem>>) target_semaphore(%run_scoped3A : memref<!tpu.dma_semaphore, #tpu.memory_space<semaphore_mem>>)
      %dma_wait3A = arith.constant 0 : i32
      %dma_wait3A_64 = tpu.memref_slice %arg7[%add3A_54, %dma_wait3A] : memref<10240x128xf32, #tpu.memory_space<vmem_shared>> -> memref<128x128xf32, #tpu.memory_space<vmem_shared>>
      %dma_wait3A_65 = arith.constant 0 : i32
      %dma_wait3A_66 = tpu.memref_slice %arg7[%add3A_54, %dma_wait3A_65] : memref<10240x128xf32, #tpu.memory_space<vmem_shared>> -> memref<128x128xf32, #tpu.memory_space<vmem_shared>>
      tpu.wait_dma2 semaphore(%run_scoped3A : memref<!tpu.dma_semaphore, #tpu.memory_space<semaphore_mem>>) src(%dma_wait3A_66 : memref<128x128xf32, #tpu.memory_space<vmem_shared>>) dst(%arg6 : memref<128x128xf32, #tpu.memory_space<vmem>>)
      tpu.yield
    }) : () -> ()
    %add3A_55 = arith.constant 384 : i32
    %add3A_56 = arith.addi %add3A_40, %add3A_55 : i32
    "tpu.region"() ({
      %run_scoped3A = tpu.sem_alloc : memref<!tpu.dma_semaphore, #tpu.memory_space<semaphore_mem>>
      %dma_start3A = arith.constant 0 : i32
      %dma_start3A_61 = tpu.memref_slice %arg3[%add3A_56, %dma_start3A] : memref<20480x128xf32, #tpu.memory_space<hbm>> -> memref<128x128xf32, #tpu.memory_space<hbm>>
      %dma_start3A_62 = arith.constant 0 : i32
      %dma_start3A_63 = tpu.memref_slice %arg3[%add3A_56, %dma_start3A_62] : memref<20480x128xf32, #tpu.memory_space<hbm>> -> memref<128x128xf32, #tpu.memory_space<hbm>>
      tpu.enqueue_dma source(%arg6 : memref<128x128xf32, #tpu.memory_space<vmem>>) target(%dma_start3A_63 : memref<128x128xf32, #tpu.memory_space<hbm>>) target_semaphore(%run_scoped3A : memref<!tpu.dma_semaphore, #tpu.memory_space<semaphore_mem>>)
      %dma_wait3A = arith.constant 0 : i32
      %dma_wait3A_64 = tpu.memref_slice %arg3[%add3A_56, %dma_wait3A] : memref<20480x128xf32, #tpu.memory_space<hbm>> -> memref<128x128xf32, #tpu.memory_space<hbm>>
      %dma_wait3A_65 = arith.constant 0 : i32
      %dma_wait3A_66 = tpu.memref_slice %arg3[%add3A_56, %dma_wait3A_65] : memref<20480x128xf32, #tpu.memory_space<hbm>> -> memref<128x128xf32, #tpu.memory_space<hbm>>
      tpu.wait_dma2 semaphore(%run_scoped3A : memref<!tpu.dma_semaphore, #tpu.memory_space<semaphore_mem>>) src(%arg6 : memref<128x128xf32, #tpu.memory_space<vmem>>) dst(%dma_wait3A_66 : memref<128x128xf32, #tpu.memory_space<hbm>>)
      tpu.yield
    }) : () -> ()
    %add3A_57 = arith.constant 512 : i32
    %add3A_58 = arith.addi %mul3A_4, %add3A_57 : i32
    "tpu.region"() ({
      %run_scoped3A = tpu.sem_alloc : memref<!tpu.dma_semaphore, #tpu.memory_space<semaphore_mem>>
      %dma_start3A = arith.constant 0 : i32
      %dma_start3A_61 = tpu.memref_slice %arg7[%add3A_58, %dma_start3A] : memref<10240x128xf32, #tpu.memory_space<vmem_shared>> -> memref<128x128xf32, #tpu.memory_space<vmem_shared>>
      %dma_start3A_62 = arith.constant 0 : i32
      %dma_start3A_63 = tpu.memref_slice %arg7[%add3A_58, %dma_start3A_62] : memref<10240x128xf32, #tpu.memory_space<vmem_shared>> -> memref<128x128xf32, #tpu.memory_space<vmem_shared>>
      tpu.enqueue_dma source(%dma_start3A_63 : memref<128x128xf32, #tpu.memory_space<vmem_shared>>) target(%arg6 : memref<128x128xf32, #tpu.memory_space<vmem>>) target_semaphore(%run_scoped3A : memref<!tpu.dma_semaphore, #tpu.memory_space<semaphore_mem>>)
      %dma_wait3A = arith.constant 0 : i32
      %dma_wait3A_64 = tpu.memref_slice %arg7[%add3A_58, %dma_wait3A] : memref<10240x128xf32, #tpu.memory_space<vmem_shared>> -> memref<128x128xf32, #tpu.memory_space<vmem_shared>>
      %dma_wait3A_65 = arith.constant 0 : i32
      %dma_wait3A_66 = tpu.memref_slice %arg7[%add3A_58, %dma_wait3A_65] : memref<10240x128xf32, #tpu.memory_space<vmem_shared>> -> memref<128x128xf32, #tpu.memory_space<vmem_shared>>
      tpu.wait_dma2 semaphore(%run_scoped3A : memref<!tpu.dma_semaphore, #tpu.memory_space<semaphore_mem>>) src(%dma_wait3A_66 : memref<128x128xf32, #tpu.memory_space<vmem_shared>>) dst(%arg6 : memref<128x128xf32, #tpu.memory_space<vmem>>)
      tpu.yield
    }) : () -> ()
    %add3A_59 = arith.constant 512 : i32
    %add3A_60 = arith.addi %add3A_40, %add3A_59 : i32
    "tpu.region"() ({
      %run_scoped3A = tpu.sem_alloc : memref<!tpu.dma_semaphore, #tpu.memory_space<semaphore_mem>>
      %dma_start3A = arith.constant 0 : i32
      %dma_start3A_61 = tpu.memref_slice %arg3[%add3A_60, %dma_start3A] : memref<20480x128xf32, #tpu.memory_space<hbm>> -> memref<128x128xf32, #tpu.memory_space<hbm>>
      %dma_start3A_62 = arith.constant 0 : i32
      %dma_start3A_63 = tpu.memref_slice %arg3[%add3A_60, %dma_start3A_62] : memref<20480x128xf32, #tpu.memory_space<hbm>> -> memref<128x128xf32, #tpu.memory_space<hbm>>
      tpu.enqueue_dma source(%arg6 : memref<128x128xf32, #tpu.memory_space<vmem>>) target(%dma_start3A_63 : memref<128x128xf32, #tpu.memory_space<hbm>>) target_semaphore(%run_scoped3A : memref<!tpu.dma_semaphore, #tpu.memory_space<semaphore_mem>>)
      %dma_wait3A = arith.constant 0 : i32
      %dma_wait3A_64 = tpu.memref_slice %arg3[%add3A_60, %dma_wait3A] : memref<20480x128xf32, #tpu.memory_space<hbm>> -> memref<128x128xf32, #tpu.memory_space<hbm>>
      %dma_wait3A_65 = arith.constant 0 : i32
      %dma_wait3A_66 = tpu.memref_slice %arg3[%add3A_60, %dma_wait3A_65] : memref<20480x128xf32, #tpu.memory_space<hbm>> -> memref<128x128xf32, #tpu.memory_space<hbm>>
      tpu.wait_dma2 semaphore(%run_scoped3A : memref<!tpu.dma_semaphore, #tpu.memory_space<semaphore_mem>>) src(%arg6 : memref<128x128xf32, #tpu.memory_space<vmem>>) dst(%dma_wait3A_66 : memref<128x128xf32, #tpu.memory_space<hbm>>)
      tpu.yield
    }) : () -> ()
    return
  }
}

#map = affine_map<(d0, d1) -> (0, 0)>
#map1 = affine_map<(d0, d1) -> (0, 0, 0)>
module attributes {stable_mosaic.version = 14 : i64} {
  func.func @_agg_body(%arg0: i32, %arg1: i32, %arg2: memref<10000x128xf32, #tpu.memory_space<hbm>>, %arg3: memref<2560x2x128xi32, #tpu.memory_space<hbm>>, %arg4: memref<20480x128xf32, #tpu.memory_space<hbm>>, %arg5: memref<2x128xi32, #tpu.memory_space<vmem>>, %arg6: memref<2x128xi32, #tpu.memory_space<vmem>>, %arg7: memref<128x128xf32, #tpu.memory_space<vmem>>, %arg8: memref<128x128xf32, #tpu.memory_space<vmem>>, %arg9: memref<10240x128xf32, #tpu.memory_space<vmem_shared>>, %arg10: memref<!tpu.dma_semaphore, #tpu.memory_space<semaphore_mem>>, %arg11: memref<!tpu.dma_semaphore, #tpu.memory_space<semaphore_mem>>) attributes {dimension_semantics = [#tpu.dimension_semantics<core_parallel>, #tpu.dimension_semantics<subcore_parallel>], iteration_bounds = array<i64: 2, 16>, scalar_prefetch = 0 : i64, scratch_operands = 7 : i64, tpu.core_type = #tpu.core_type<sc_vector_subcore>, window_params = [{transform_indices = #map}, {transform_indices = #map1}, {transform_indices = #map}]} {
    %mul3A = arith.constant 2 : i32
    %mul3A_0 = arith.muli %arg1, %mul3A : i32
    %add3A = arith.addi %mul3A_0, %arg0 : i32
    %mul3A_1 = arith.constant 80 : i32
    %mul3A_2 = arith.muli %add3A, %mul3A_1 : i32
    %mul3A_3 = arith.constant 640 : i32
    %mul3A_4 = arith.muli %arg1, %mul3A_3 : i32
    %broadcast_in_dim3A = arith.constant 0.000000e+00 : f32
    %broadcast_in_dim3A_5 = vector.broadcast %broadcast_in_dim3A : f32 to vector<16xf32>
    %scan3A = arith.constant 0 : i32
    %scan3A_6 = arith.constant 0 : i32
    %scan3A_7 = arith.constant 128 : i32
    %scan3A_8 = arith.addi %scan3A_6, %scan3A_7 : i32
    %scan3A_9 = arith.constant 1 : i32
    scf.for %scan3A_59 = %scan3A_6 to %scan3A_8 step %scan3A_9  : i32 {
      %swap3A = arith.index_cast %scan3A_59 : i32 to index
      %swap3A_60 = arith.constant 0 : index
      %swap3A_61 = tpu.vector_load %arg7[%swap3A, %swap3A_60] {strides = array<i32>} : memref<128x128xf32, #tpu.memory_space<vmem>>, vector<1x16xf32>,
      %swap3A_62 = vector.shape_cast %swap3A_61 : vector<1x16xf32> to vector<16xf32>
      %swap3A_63 = vector.shape_cast %broadcast_in_dim3A_5 : vector<16xf32> to vector<1x16xf32>
      tpu.vector_store %arg7[%swap3A, %swap3A_60], %swap3A_63 {strides = array<i32>} : memref<128x128xf32, #tpu.memory_space<vmem>>, vector<1x16xf32>,
      %swap3A_64 = arith.index_cast %scan3A_59 : i32 to index
      %swap3A_65 = arith.constant 16 : index
      %swap3A_66 = tpu.vector_load %arg7[%swap3A_64, %swap3A_65] {strides = array<i32>} : memref<128x128xf32, #tpu.memory_space<vmem>>, vector<1x16xf32>,
      %swap3A_67 = vector.shape_cast %swap3A_66 : vector<1x16xf32> to vector<16xf32>
      %swap3A_68 = vector.shape_cast %broadcast_in_dim3A_5 : vector<16xf32> to vector<1x16xf32>
      tpu.vector_store %arg7[%swap3A_64, %swap3A_65], %swap3A_68 {strides = array<i32>} : memref<128x128xf32, #tpu.memory_space<vmem>>, vector<1x16xf32>,
      %swap3A_69 = arith.index_cast %scan3A_59 : i32 to index
      %swap3A_70 = arith.constant 32 : index
      %swap3A_71 = tpu.vector_load %arg7[%swap3A_69, %swap3A_70] {strides = array<i32>} : memref<128x128xf32, #tpu.memory_space<vmem>>, vector<1x16xf32>,
      %swap3A_72 = vector.shape_cast %swap3A_71 : vector<1x16xf32> to vector<16xf32>
      %swap3A_73 = vector.shape_cast %broadcast_in_dim3A_5 : vector<16xf32> to vector<1x16xf32>
      tpu.vector_store %arg7[%swap3A_69, %swap3A_70], %swap3A_73 {strides = array<i32>} : memref<128x128xf32, #tpu.memory_space<vmem>>, vector<1x16xf32>,
      %swap3A_74 = arith.index_cast %scan3A_59 : i32 to index
      %swap3A_75 = arith.constant 48 : index
      %swap3A_76 = tpu.vector_load %arg7[%swap3A_74, %swap3A_75] {strides = array<i32>} : memref<128x128xf32, #tpu.memory_space<vmem>>, vector<1x16xf32>,
      %swap3A_77 = vector.shape_cast %swap3A_76 : vector<1x16xf32> to vector<16xf32>
      %swap3A_78 = vector.shape_cast %broadcast_in_dim3A_5 : vector<16xf32> to vector<1x16xf32>
      tpu.vector_store %arg7[%swap3A_74, %swap3A_75], %swap3A_78 {strides = array<i32>} : memref<128x128xf32, #tpu.memory_space<vmem>>, vector<1x16xf32>,
      %swap3A_79 = arith.index_cast %scan3A_59 : i32 to index
      %swap3A_80 = arith.constant 64 : index
      %swap3A_81 = tpu.vector_load %arg7[%swap3A_79, %swap3A_80] {strides = array<i32>} : memref<128x128xf32, #tpu.memory_space<vmem>>, vector<1x16xf32>,
      %swap3A_82 = vector.shape_cast %swap3A_81 : vector<1x16xf32> to vector<16xf32>
      %swap3A_83 = vector.shape_cast %broadcast_in_dim3A_5 : vector<16xf32> to vector<1x16xf32>
      tpu.vector_store %arg7[%swap3A_79, %swap3A_80], %swap3A_83 {strides = array<i32>} : memref<128x128xf32, #tpu.memory_space<vmem>>, vector<1x16xf32>,
      %swap3A_84 = arith.index_cast %scan3A_59 : i32 to index
      %swap3A_85 = arith.constant 80 : index
      %swap3A_86 = tpu.vector_load %arg7[%swap3A_84, %swap3A_85] {strides = array<i32>} : memref<128x128xf32, #tpu.memory_space<vmem>>, vector<1x16xf32>,
      %swap3A_87 = vector.shape_cast %swap3A_86 : vector<1x16xf32> to vector<16xf32>
      %swap3A_88 = vector.shape_cast %broadcast_in_dim3A_5 : vector<16xf32> to vector<1x16xf32>
      tpu.vector_store %arg7[%swap3A_84, %swap3A_85], %swap3A_88 {strides = array<i32>} : memref<128x128xf32, #tpu.memory_space<vmem>>, vector<1x16xf32>,
      %swap3A_89 = arith.index_cast %scan3A_59 : i32 to index
      %swap3A_90 = arith.constant 96 : index
      %swap3A_91 = tpu.vector_load %arg7[%swap3A_89, %swap3A_90] {strides = array<i32>} : memref<128x128xf32, #tpu.memory_space<vmem>>, vector<1x16xf32>,
      %swap3A_92 = vector.shape_cast %swap3A_91 : vector<1x16xf32> to vector<16xf32>
      %swap3A_93 = vector.shape_cast %broadcast_in_dim3A_5 : vector<16xf32> to vector<1x16xf32>
      tpu.vector_store %arg7[%swap3A_89, %swap3A_90], %swap3A_93 {strides = array<i32>} : memref<128x128xf32, #tpu.memory_space<vmem>>, vector<1x16xf32>,
      %swap3A_94 = arith.index_cast %scan3A_59 : i32 to index
      %swap3A_95 = arith.constant 112 : index
      %swap3A_96 = tpu.vector_load %arg7[%swap3A_94, %swap3A_95] {strides = array<i32>} : memref<128x128xf32, #tpu.memory_space<vmem>>, vector<1x16xf32>,
      %swap3A_97 = vector.shape_cast %swap3A_96 : vector<1x16xf32> to vector<16xf32>
      %swap3A_98 = vector.shape_cast %broadcast_in_dim3A_5 : vector<16xf32> to vector<1x16xf32>
      tpu.vector_store %arg7[%swap3A_94, %swap3A_95], %swap3A_98 {strides = array<i32>} : memref<128x128xf32, #tpu.memory_space<vmem>>, vector<1x16xf32>,
    }
    %scan3A_10 = arith.constant 128 : i32
    %add3A_11 = arith.constant 0 : i32
    %add3A_12 = arith.addi %mul3A_4, %add3A_11 : i32
    "tpu.region"() ({
      %run_scoped3A = tpu.sem_alloc : memref<!tpu.dma_semaphore, #tpu.memory_space<semaphore_mem>>
      %dma_start3A_59 = arith.constant 0 : i32
      %dma_start3A_60 = tpu.memref_slice %arg9[%add3A_12, %dma_start3A_59] : memref<10240x128xf32, #tpu.memory_space<vmem_shared>> -> memref<128x128xf32, #tpu.memory_space<vmem_shared>>
      %dma_start3A_61 = arith.constant 0 : i32
      %dma_start3A_62 = tpu.memref_slice %arg9[%add3A_12, %dma_start3A_61] : memref<10240x128xf32, #tpu.memory_space<vmem_shared>> -> memref<128x128xf32, #tpu.memory_space<vmem_shared>>
      tpu.enqueue_dma source(%arg7 : memref<128x128xf32, #tpu.memory_space<vmem>>) target(%dma_start3A_62 : memref<128x128xf32, #tpu.memory_space<vmem_shared>>) target_semaphore(%run_scoped3A : memref<!tpu.dma_semaphore, #tpu.memory_space<semaphore_mem>>)
      %dma_wait3A = arith.constant 0 : i32
      %dma_wait3A_63 = tpu.memref_slice %arg9[%add3A_12, %dma_wait3A] : memref<10240x128xf32, #tpu.memory_space<vmem_shared>> -> memref<128x128xf32, #tpu.memory_space<vmem_shared>>
      %dma_wait3A_64 = arith.constant 0 : i32
      %dma_wait3A_65 = tpu.memref_slice %arg9[%add3A_12, %dma_wait3A_64] : memref<10240x128xf32, #tpu.memory_space<vmem_shared>> -> memref<128x128xf32, #tpu.memory_space<vmem_shared>>
      tpu.wait_dma2 semaphore(%run_scoped3A : memref<!tpu.dma_semaphore, #tpu.memory_space<semaphore_mem>>) src(%arg7 : memref<128x128xf32, #tpu.memory_space<vmem>>) dst(%dma_wait3A_65 : memref<128x128xf32, #tpu.memory_space<vmem_shared>>)
      tpu.yield
    }) : () -> ()
    %add3A_13 = arith.constant 128 : i32
    %add3A_14 = arith.addi %mul3A_4, %add3A_13 : i32
    "tpu.region"() ({
      %run_scoped3A = tpu.sem_alloc : memref<!tpu.dma_semaphore, #tpu.memory_space<semaphore_mem>>
      %dma_start3A_59 = arith.constant 0 : i32
      %dma_start3A_60 = tpu.memref_slice %arg9[%add3A_14, %dma_start3A_59] : memref<10240x128xf32, #tpu.memory_space<vmem_shared>> -> memref<128x128xf32, #tpu.memory_space<vmem_shared>>
      %dma_start3A_61 = arith.constant 0 : i32
      %dma_start3A_62 = tpu.memref_slice %arg9[%add3A_14, %dma_start3A_61] : memref<10240x128xf32, #tpu.memory_space<vmem_shared>> -> memref<128x128xf32, #tpu.memory_space<vmem_shared>>
      tpu.enqueue_dma source(%arg7 : memref<128x128xf32, #tpu.memory_space<vmem>>) target(%dma_start3A_62 : memref<128x128xf32, #tpu.memory_space<vmem_shared>>) target_semaphore(%run_scoped3A : memref<!tpu.dma_semaphore, #tpu.memory_space<semaphore_mem>>)
      %dma_wait3A = arith.constant 0 : i32
      %dma_wait3A_63 = tpu.memref_slice %arg9[%add3A_14, %dma_wait3A] : memref<10240x128xf32, #tpu.memory_space<vmem_shared>> -> memref<128x128xf32, #tpu.memory_space<vmem_shared>>
      %dma_wait3A_64 = arith.constant 0 : i32
      %dma_wait3A_65 = tpu.memref_slice %arg9[%add3A_14, %dma_wait3A_64] : memref<10240x128xf32, #tpu.memory_space<vmem_shared>> -> memref<128x128xf32, #tpu.memory_space<vmem_shared>>
      tpu.wait_dma2 semaphore(%run_scoped3A : memref<!tpu.dma_semaphore, #tpu.memory_space<semaphore_mem>>) src(%arg7 : memref<128x128xf32, #tpu.memory_space<vmem>>) dst(%dma_wait3A_65 : memref<128x128xf32, #tpu.memory_space<vmem_shared>>)
      tpu.yield
    }) : () -> ()
    %add3A_15 = arith.constant 256 : i32
    %add3A_16 = arith.addi %mul3A_4, %add3A_15 : i32
    "tpu.region"() ({
      %run_scoped3A = tpu.sem_alloc : memref<!tpu.dma_semaphore, #tpu.memory_space<semaphore_mem>>
      %dma_start3A_59 = arith.constant 0 : i32
      %dma_start3A_60 = tpu.memref_slice %arg9[%add3A_16, %dma_start3A_59] : memref<10240x128xf32, #tpu.memory_space<vmem_shared>> -> memref<128x128xf32, #tpu.memory_space<vmem_shared>>
      %dma_start3A_61 = arith.constant 0 : i32
      %dma_start3A_62 = tpu.memref_slice %arg9[%add3A_16, %dma_start3A_61] : memref<10240x128xf32, #tpu.memory_space<vmem_shared>> -> memref<128x128xf32, #tpu.memory_space<vmem_shared>>
      tpu.enqueue_dma source(%arg7 : memref<128x128xf32, #tpu.memory_space<vmem>>) target(%dma_start3A_62 : memref<128x128xf32, #tpu.memory_space<vmem_shared>>) target_semaphore(%run_scoped3A : memref<!tpu.dma_semaphore, #tpu.memory_space<semaphore_mem>>)
      %dma_wait3A = arith.constant 0 : i32
      %dma_wait3A_63 = tpu.memref_slice %arg9[%add3A_16, %dma_wait3A] : memref<10240x128xf32, #tpu.memory_space<vmem_shared>> -> memref<128x128xf32, #tpu.memory_space<vmem_shared>>
      %dma_wait3A_64 = arith.constant 0 : i32
      %dma_wait3A_65 = tpu.memref_slice %arg9[%add3A_16, %dma_wait3A_64] : memref<10240x128xf32, #tpu.memory_space<vmem_shared>> -> memref<128x128xf32, #tpu.memory_space<vmem_shared>>
      tpu.wait_dma2 semaphore(%run_scoped3A : memref<!tpu.dma_semaphore, #tpu.memory_space<semaphore_mem>>) src(%arg7 : memref<128x128xf32, #tpu.memory_space<vmem>>) dst(%dma_wait3A_65 : memref<128x128xf32, #tpu.memory_space<vmem_shared>>)
      tpu.yield
    }) : () -> ()
    %add3A_17 = arith.constant 384 : i32
    %add3A_18 = arith.addi %mul3A_4, %add3A_17 : i32
    "tpu.region"() ({
      %run_scoped3A = tpu.sem_alloc : memref<!tpu.dma_semaphore, #tpu.memory_space<semaphore_mem>>
      %dma_start3A_59 = arith.constant 0 : i32
      %dma_start3A_60 = tpu.memref_slice %arg9[%add3A_18, %dma_start3A_59] : memref<10240x128xf32, #tpu.memory_space<vmem_shared>> -> memref<128x128xf32, #tpu.memory_space<vmem_shared>>
      %dma_start3A_61 = arith.constant 0 : i32
      %dma_start3A_62 = tpu.memref_slice %arg9[%add3A_18, %dma_start3A_61] : memref<10240x128xf32, #tpu.memory_space<vmem_shared>> -> memref<128x128xf32, #tpu.memory_space<vmem_shared>>
      tpu.enqueue_dma source(%arg7 : memref<128x128xf32, #tpu.memory_space<vmem>>) target(%dma_start3A_62 : memref<128x128xf32, #tpu.memory_space<vmem_shared>>) target_semaphore(%run_scoped3A : memref<!tpu.dma_semaphore, #tpu.memory_space<semaphore_mem>>)
      %dma_wait3A = arith.constant 0 : i32
      %dma_wait3A_63 = tpu.memref_slice %arg9[%add3A_18, %dma_wait3A] : memref<10240x128xf32, #tpu.memory_space<vmem_shared>> -> memref<128x128xf32, #tpu.memory_space<vmem_shared>>
      %dma_wait3A_64 = arith.constant 0 : i32
      %dma_wait3A_65 = tpu.memref_slice %arg9[%add3A_18, %dma_wait3A_64] : memref<10240x128xf32, #tpu.memory_space<vmem_shared>> -> memref<128x128xf32, #tpu.memory_space<vmem_shared>>
      tpu.wait_dma2 semaphore(%run_scoped3A : memref<!tpu.dma_semaphore, #tpu.memory_space<semaphore_mem>>) src(%arg7 : memref<128x128xf32, #tpu.memory_space<vmem>>) dst(%dma_wait3A_65 : memref<128x128xf32, #tpu.memory_space<vmem_shared>>)
      tpu.yield
    }) : () -> ()
    %add3A_19 = arith.constant 512 : i32
    %add3A_20 = arith.addi %mul3A_4, %add3A_19 : i32
    "tpu.region"() ({
      %run_scoped3A = tpu.sem_alloc : memref<!tpu.dma_semaphore, #tpu.memory_space<semaphore_mem>>
      %dma_start3A_59 = arith.constant 0 : i32
      %dma_start3A_60 = tpu.memref_slice %arg9[%add3A_20, %dma_start3A_59] : memref<10240x128xf32, #tpu.memory_space<vmem_shared>> -> memref<128x128xf32, #tpu.memory_space<vmem_shared>>
      %dma_start3A_61 = arith.constant 0 : i32
      %dma_start3A_62 = tpu.memref_slice %arg9[%add3A_20, %dma_start3A_61] : memref<10240x128xf32, #tpu.memory_space<vmem_shared>> -> memref<128x128xf32, #tpu.memory_space<vmem_shared>>
      tpu.enqueue_dma source(%arg7 : memref<128x128xf32, #tpu.memory_space<vmem>>) target(%dma_start3A_62 : memref<128x128xf32, #tpu.memory_space<vmem_shared>>) target_semaphore(%run_scoped3A : memref<!tpu.dma_semaphore, #tpu.memory_space<semaphore_mem>>)
      %dma_wait3A = arith.constant 0 : i32
      %dma_wait3A_63 = tpu.memref_slice %arg9[%add3A_20, %dma_wait3A] : memref<10240x128xf32, #tpu.memory_space<vmem_shared>> -> memref<128x128xf32, #tpu.memory_space<vmem_shared>>
      %dma_wait3A_64 = arith.constant 0 : i32
      %dma_wait3A_65 = tpu.memref_slice %arg9[%add3A_20, %dma_wait3A_64] : memref<10240x128xf32, #tpu.memory_space<vmem_shared>> -> memref<128x128xf32, #tpu.memory_space<vmem_shared>>
      tpu.wait_dma2 semaphore(%run_scoped3A : memref<!tpu.dma_semaphore, #tpu.memory_space<semaphore_mem>>) src(%arg7 : memref<128x128xf32, #tpu.memory_space<vmem>>) dst(%dma_wait3A_65 : memref<128x128xf32, #tpu.memory_space<vmem_shared>>)
      tpu.yield
    }) : () -> ()
    %barrier3A = arith.constant 0 : index
    tpu.barrier barrier_id(%barrier3A)
    %add3A_21 = arith.constant 0 : i32
    %add3A_22 = arith.addi %mul3A_2, %add3A_21 : i32
    "tpu.region"() ({
      %run_scoped3A = tpu.sem_alloc : memref<!tpu.dma_semaphore, #tpu.memory_space<semaphore_mem>>
      %dma_start3A_59 = arith.constant 0 : i32
      %dma_start3A_60 = arith.constant 0 : i32
      %dma_start3A_61 = tpu.memref_slice %arg3[%add3A_22, %dma_start3A_59, %dma_start3A_60] : memref<2560x2x128xi32, #tpu.memory_space<hbm>> -> memref<1x2x128xi32, #tpu.memory_space<hbm>>
      %dma_start3A_62 = tpu.memref_squeeze %dma_start3A_61 : memref<1x2x128xi32, #tpu.memory_space<hbm>> -> memref<2x128xi32, #tpu.memory_space<hbm>>
      %dma_start3A_63 = arith.constant 0 : i32
      %dma_start3A_64 = arith.constant 0 : i32
      %dma_start3A_65 = tpu.memref_slice %arg3[%add3A_22, %dma_start3A_63, %dma_start3A_64] : memref<2560x2x128xi32, #tpu.memory_space<hbm>> -> memref<1x2x128xi32, #tpu.memory_space<hbm>>
      %dma_start3A_66 = tpu.memref_squeeze %dma_start3A_65 : memref<1x2x128xi32, #tpu.memory_space<hbm>> -> memref<2x128xi32, #tpu.memory_space<hbm>>
      tpu.enqueue_dma source(%dma_start3A_66 : memref<2x128xi32, #tpu.memory_space<hbm>>) target(%arg5 : memref<2x128xi32, #tpu.memory_space<vmem>>) target_semaphore(%run_scoped3A : memref<!tpu.dma_semaphore, #tpu.memory_space<semaphore_mem>>)
      %dma_wait3A = arith.constant 0 : i32
      %dma_wait3A_67 = arith.constant 0 : i32
      %dma_wait3A_68 = tpu.memref_slice %arg3[%add3A_22, %dma_wait3A, %dma_wait3A_67] : memref<2560x2x128xi32, #tpu.memory_space<hbm>> -> memref<1x2x128xi32, #tpu.memory_space<hbm>>
      %dma_wait3A_69 = tpu.memref_squeeze %dma_wait3A_68 : memref<1x2x128xi32, #tpu.memory_space<hbm>> -> memref<2x128xi32, #tpu.memory_space<hbm>>
      %dma_wait3A_70 = arith.constant 0 : i32
      %dma_wait3A_71 = arith.constant 0 : i32
      %dma_wait3A_72 = tpu.memref_slice %arg3[%add3A_22, %dma_wait3A_70, %dma_wait3A_71] : memref<2560x2x128xi32, #tpu.memory_space<hbm>> -> memref<1x2x128xi32, #tpu.memory_space<hbm>>
      %dma_wait3A_73 = tpu.memref_squeeze %dma_wait3A_72 : memref<1x2x128xi32, #tpu.memory_space<hbm>> -> memref<2x128xi32, #tpu.memory_space<hbm>>
      tpu.wait_dma2 semaphore(%run_scoped3A : memref<!tpu.dma_semaphore, #tpu.memory_space<semaphore_mem>>) src(%dma_wait3A_73 : memref<2x128xi32, #tpu.memory_space<hbm>>) dst(%arg5 : memref<2x128xi32, #tpu.memory_space<vmem>>)
      tpu.yield
    }) : () -> ()
    %dma_start3A = arith.constant 0 : i32
    %dma_start3A_23 = arith.constant 0 : i32
    %dma_start3A_24 = tpu.memref_slice %arg5[%dma_start3A, %dma_start3A_23] : memref<2x128xi32, #tpu.memory_space<vmem>> -> memref<1x128xi32, #tpu.memory_space<vmem>>
    %dma_start3A_25 = tpu.memref_squeeze %dma_start3A_24 : memref<1x128xi32, #tpu.memory_space<vmem>> -> memref<128xi32, #tpu.memory_space<vmem>>
    %dma_start3A_26 = arith.constant 0 : i32
    %dma_start3A_27 = arith.constant 0 : i32
    %dma_start3A_28 = tpu.memref_slice %arg2[%dma_start3A_26, %dma_start3A_27] : memref<10000x128xf32, #tpu.memory_space<hbm>> -> memref<10000x128xf32, #tpu.memory_space<hbm>>
    tpu.enqueue_indirect_dma source(%dma_start3A_28 : memref<10000x128xf32, #tpu.memory_space<hbm>>) target(%arg7 : memref<128x128xf32, #tpu.memory_space<vmem>>) offsets(%dma_start3A_25 : memref<128xi32, #tpu.memory_space<vmem>>) semaphore(%arg10 : memref<!tpu.dma_semaphore, #tpu.memory_space<semaphore_mem>>)
    %scan3A_29 = arith.constant 0 : i32
    %scan3A_30 = arith.constant 0 : i32
    %scan3A_31 = arith.constant 40 : i32
    %scan3A_32 = arith.addi %scan3A_30, %scan3A_31 : i32
    %scan3A_33 = arith.constant 1 : i32
    scf.for %scan3A_59 = %scan3A_30 to %scan3A_32 step %scan3A_33  : i32 {
      %mul3A_60 = arith.constant 2 : i32
      %mul3A_61 = arith.muli %mul3A_60, %scan3A_59 : i32
      %add3A_62 = arith.constant 1 : i32
      %add3A_63 = arith.addi %mul3A_61, %add3A_62 : i32
      %add3A_64 = arith.addi %mul3A_2, %add3A_63 : i32
      "tpu.region"() ({
        %run_scoped3A_90 = tpu.sem_alloc : memref<!tpu.dma_semaphore, #tpu.memory_space<semaphore_mem>>
        %dma_start3A_91 = arith.constant 0 : i32
        %dma_start3A_92 = arith.constant 0 : i32
        %dma_start3A_93 = tpu.memref_slice %arg3[%add3A_64, %dma_start3A_91, %dma_start3A_92] : memref<2560x2x128xi32, #tpu.memory_space<hbm>> -> memref<1x2x128xi32, #tpu.memory_space<hbm>>
        %dma_start3A_94 = tpu.memref_squeeze %dma_start3A_93 : memref<1x2x128xi32, #tpu.memory_space<hbm>> -> memref<2x128xi32, #tpu.memory_space<hbm>>
        %dma_start3A_95 = arith.constant 0 : i32
        %dma_start3A_96 = arith.constant 0 : i32
        %dma_start3A_97 = tpu.memref_slice %arg3[%add3A_64, %dma_start3A_95, %dma_start3A_96] : memref<2560x2x128xi32, #tpu.memory_space<hbm>> -> memref<1x2x128xi32, #tpu.memory_space<hbm>>
        %dma_start3A_98 = tpu.memref_squeeze %dma_start3A_97 : memref<1x2x128xi32, #tpu.memory_space<hbm>> -> memref<2x128xi32, #tpu.memory_space<hbm>>
        tpu.enqueue_dma source(%dma_start3A_98 : memref<2x128xi32, #tpu.memory_space<hbm>>) target(%arg6 : memref<2x128xi32, #tpu.memory_space<vmem>>) target_semaphore(%run_scoped3A_90 : memref<!tpu.dma_semaphore, #tpu.memory_space<semaphore_mem>>)
        %dma_wait3A_99 = arith.constant 0 : i32
        %dma_wait3A_100 = arith.constant 0 : i32
        %dma_wait3A_101 = tpu.memref_slice %arg3[%add3A_64, %dma_wait3A_99, %dma_wait3A_100] : memref<2560x2x128xi32, #tpu.memory_space<hbm>> -> memref<1x2x128xi32, #tpu.memory_space<hbm>>
        %dma_wait3A_102 = tpu.memref_squeeze %dma_wait3A_101 : memref<1x2x128xi32, #tpu.memory_space<hbm>> -> memref<2x128xi32, #tpu.memory_space<hbm>>
        %dma_wait3A_103 = arith.constant 0 : i32
        %dma_wait3A_104 = arith.constant 0 : i32
        %dma_wait3A_105 = tpu.memref_slice %arg3[%add3A_64, %dma_wait3A_103, %dma_wait3A_104] : memref<2560x2x128xi32, #tpu.memory_space<hbm>> -> memref<1x2x128xi32, #tpu.memory_space<hbm>>
        %dma_wait3A_106 = tpu.memref_squeeze %dma_wait3A_105 : memref<1x2x128xi32, #tpu.memory_space<hbm>> -> memref<2x128xi32, #tpu.memory_space<hbm>>
        tpu.wait_dma2 semaphore(%run_scoped3A_90 : memref<!tpu.dma_semaphore, #tpu.memory_space<semaphore_mem>>) src(%dma_wait3A_106 : memref<2x128xi32, #tpu.memory_space<hbm>>) dst(%arg6 : memref<2x128xi32, #tpu.memory_space<vmem>>)
        tpu.yield
      }) : () -> ()
      %dma_start3A_65 = arith.constant 0 : i32
      %dma_start3A_66 = arith.constant 0 : i32
      %dma_start3A_67 = tpu.memref_slice %arg6[%dma_start3A_65, %dma_start3A_66] : memref<2x128xi32, #tpu.memory_space<vmem>> -> memref<1x128xi32, #tpu.memory_space<vmem>>
      %dma_start3A_68 = tpu.memref_squeeze %dma_start3A_67 : memref<1x128xi32, #tpu.memory_space<vmem>> -> memref<128xi32, #tpu.memory_space<vmem>>
      %dma_start3A_69 = arith.constant 0 : i32
      %dma_start3A_70 = arith.constant 0 : i32
      %dma_start3A_71 = tpu.memref_slice %arg2[%dma_start3A_69, %dma_start3A_70] : memref<10000x128xf32, #tpu.memory_space<hbm>> -> memref<10000x128xf32, #tpu.memory_space<hbm>>
      tpu.enqueue_indirect_dma source(%dma_start3A_71 : memref<10000x128xf32, #tpu.memory_space<hbm>>) target(%arg8 : memref<128x128xf32, #tpu.memory_space<vmem>>) offsets(%dma_start3A_68 : memref<128xi32, #tpu.memory_space<vmem>>) semaphore(%arg11 : memref<!tpu.dma_semaphore, #tpu.memory_space<semaphore_mem>>)
      %dma_wait3A = arith.constant 0 : i32
      %dma_wait3A_72 = arith.constant 0 : i32
      %dma_wait3A_73 = tpu.memref_slice %arg5[%dma_wait3A, %dma_wait3A_72] : memref<2x128xi32, #tpu.memory_space<vmem>> -> memref<1x128xi32, #tpu.memory_space<vmem>>
      %dma_wait3A_74 = tpu.memref_squeeze %dma_wait3A_73 : memref<1x128xi32, #tpu.memory_space<vmem>> -> memref<128xi32, #tpu.memory_space<vmem>>
      %dma_wait3A_75 = arith.constant 0 : i32
      %dma_wait3A_76 = arith.constant 0 : i32
      %dma_wait3A_77 = tpu.memref_slice %arg2[%dma_wait3A_75, %dma_wait3A_76] : memref<10000x128xf32, #tpu.memory_space<hbm>> -> memref<10000x128xf32, #tpu.memory_space<hbm>>
      tpu.wait_indirect_dma semaphore(%arg10 : memref<!tpu.dma_semaphore, #tpu.memory_space<semaphore_mem>>) src(%dma_wait3A_77 : memref<10000x128xf32, #tpu.memory_space<hbm>>) dst(%arg7 : memref<128x128xf32, #tpu.memory_space<vmem>>)
      %run_scoped3A = arith.constant 1 : i32
      "tpu.region"() ({
        %run_scoped3A_90 = tpu.sem_alloc : memref<!tpu.dma_semaphore, #tpu.memory_space<semaphore_mem>>
        %dma_start3A_91 = arith.constant 0 : i32
        %dma_start3A_92 = tpu.memref_slice %arg5[%run_scoped3A, %dma_start3A_91] : memref<2x128xi32, #tpu.memory_space<vmem>> -> memref<1x128xi32, #tpu.memory_space<vmem>>
        %dma_start3A_93 = tpu.memref_squeeze %dma_start3A_92 : memref<1x128xi32, #tpu.memory_space<vmem>> -> memref<128xi32, #tpu.memory_space<vmem>>
        %dma_start3A_94 = arith.constant 0 : i32
        %dma_start3A_95 = arith.constant 0 : i32
        %dma_start3A_96 = tpu.memref_slice %arg9[%dma_start3A_94, %dma_start3A_95] : memref<10240x128xf32, #tpu.memory_space<vmem_shared>> -> memref<10240x128xf32, #tpu.memory_space<vmem_shared>>
        tpu.enqueue_indirect_dma source(%arg7 : memref<128x128xf32, #tpu.memory_space<vmem>>) target(%dma_start3A_96 : memref<10240x128xf32, #tpu.memory_space<vmem_shared>>) offsets(%dma_start3A_93 : memref<128xi32, #tpu.memory_space<vmem>>) semaphore(%run_scoped3A_90 : memref<!tpu.dma_semaphore, #tpu.memory_space<semaphore_mem>>) {add = true}
        %dma_wait3A_97 = arith.constant 0 : i32
        %dma_wait3A_98 = tpu.memref_slice %arg5[%run_scoped3A, %dma_wait3A_97] : memref<2x128xi32, #tpu.memory_space<vmem>> -> memref<1x128xi32, #tpu.memory_space<vmem>>
        %dma_wait3A_99 = tpu.memref_squeeze %dma_wait3A_98 : memref<1x128xi32, #tpu.memory_space<vmem>> -> memref<128xi32, #tpu.memory_space<vmem>>
        %dma_wait3A_100 = arith.constant 0 : i32
        %dma_wait3A_101 = arith.constant 0 : i32
        %dma_wait3A_102 = tpu.memref_slice %arg9[%dma_wait3A_100, %dma_wait3A_101] : memref<10240x128xf32, #tpu.memory_space<vmem_shared>> -> memref<10240x128xf32, #tpu.memory_space<vmem_shared>>
        tpu.wait_indirect_dma semaphore(%run_scoped3A_90 : memref<!tpu.dma_semaphore, #tpu.memory_space<semaphore_mem>>) src(%arg7 : memref<128x128xf32, #tpu.memory_space<vmem>>) dst(%dma_wait3A_102 : memref<10240x128xf32, #tpu.memory_space<vmem_shared>>)
        tpu.yield
      }) : () -> ()
      %add3A_78 = arith.constant 1 : i32
      %add3A_79 = arith.addi %scan3A_59, %add3A_78 : i32
      %lt3A = arith.constant 40 : i32
      %lt3A_80 = arith.cmpi slt, %add3A_79, %lt3A : i32
      %convert_element_type3A = arith.extui %lt3A_80 : i1 to i32
      %cond3A = arith.constant 0 : i32
      %cond3A_81 = arith.cmpi ne, %convert_element_type3A, %cond3A : i32
      scf.if %cond3A_81 {
        %add3A_90 = arith.constant 2 : i32
        %add3A_91 = arith.addi %mul3A_61, %add3A_90 : i32
        %add3A_92 = arith.addi %mul3A_2, %add3A_91 : i32
        "tpu.region"() ({
          %run_scoped3A_100 = tpu.sem_alloc : memref<!tpu.dma_semaphore, #tpu.memory_space<semaphore_mem>>
          %dma_start3A_101 = arith.constant 0 : i32
          %dma_start3A_102 = arith.constant 0 : i32
          %dma_start3A_103 = tpu.memref_slice %arg3[%add3A_92, %dma_start3A_101, %dma_start3A_102] : memref<2560x2x128xi32, #tpu.memory_space<hbm>> -> memref<1x2x128xi32, #tpu.memory_space<hbm>>
          %dma_start3A_104 = tpu.memref_squeeze %dma_start3A_103 : memref<1x2x128xi32, #tpu.memory_space<hbm>> -> memref<2x128xi32, #tpu.memory_space<hbm>>
          %dma_start3A_105 = arith.constant 0 : i32
          %dma_start3A_106 = arith.constant 0 : i32
          %dma_start3A_107 = tpu.memref_slice %arg3[%add3A_92, %dma_start3A_105, %dma_start3A_106] : memref<2560x2x128xi32, #tpu.memory_space<hbm>> -> memref<1x2x128xi32, #tpu.memory_space<hbm>>
          %dma_start3A_108 = tpu.memref_squeeze %dma_start3A_107 : memref<1x2x128xi32, #tpu.memory_space<hbm>> -> memref<2x128xi32, #tpu.memory_space<hbm>>
          tpu.enqueue_dma source(%dma_start3A_108 : memref<2x128xi32, #tpu.memory_space<hbm>>) target(%arg5 : memref<2x128xi32, #tpu.memory_space<vmem>>) target_semaphore(%run_scoped3A_100 : memref<!tpu.dma_semaphore, #tpu.memory_space<semaphore_mem>>)
          %dma_wait3A_109 = arith.constant 0 : i32
          %dma_wait3A_110 = arith.constant 0 : i32
          %dma_wait3A_111 = tpu.memref_slice %arg3[%add3A_92, %dma_wait3A_109, %dma_wait3A_110] : memref<2560x2x128xi32, #tpu.memory_space<hbm>> -> memref<1x2x128xi32, #tpu.memory_space<hbm>>
          %dma_wait3A_112 = tpu.memref_squeeze %dma_wait3A_111 : memref<1x2x128xi32, #tpu.memory_space<hbm>> -> memref<2x128xi32, #tpu.memory_space<hbm>>
          %dma_wait3A_113 = arith.constant 0 : i32
          %dma_wait3A_114 = arith.constant 0 : i32
          %dma_wait3A_115 = tpu.memref_slice %arg3[%add3A_92, %dma_wait3A_113, %dma_wait3A_114] : memref<2560x2x128xi32, #tpu.memory_space<hbm>> -> memref<1x2x128xi32, #tpu.memory_space<hbm>>
          %dma_wait3A_116 = tpu.memref_squeeze %dma_wait3A_115 : memref<1x2x128xi32, #tpu.memory_space<hbm>> -> memref<2x128xi32, #tpu.memory_space<hbm>>
          tpu.wait_dma2 semaphore(%run_scoped3A_100 : memref<!tpu.dma_semaphore, #tpu.memory_space<semaphore_mem>>) src(%dma_wait3A_116 : memref<2x128xi32, #tpu.memory_space<hbm>>) dst(%arg5 : memref<2x128xi32, #tpu.memory_space<vmem>>)
          tpu.yield
        }) : () -> ()
        %dma_start3A_93 = arith.constant 0 : i32
        %dma_start3A_94 = arith.constant 0 : i32
        %dma_start3A_95 = tpu.memref_slice %arg5[%dma_start3A_93, %dma_start3A_94] : memref<2x128xi32, #tpu.memory_space<vmem>> -> memref<1x128xi32, #tpu.memory_space<vmem>>
        %dma_start3A_96 = tpu.memref_squeeze %dma_start3A_95 : memref<1x128xi32, #tpu.memory_space<vmem>> -> memref<128xi32, #tpu.memory_space<vmem>>
        %dma_start3A_97 = arith.constant 0 : i32
        %dma_start3A_98 = arith.constant 0 : i32
        %dma_start3A_99 = tpu.memref_slice %arg2[%dma_start3A_97, %dma_start3A_98] : memref<10000x128xf32, #tpu.memory_space<hbm>> -> memref<10000x128xf32, #tpu.memory_space<hbm>>
        tpu.enqueue_indirect_dma source(%dma_start3A_99 : memref<10000x128xf32, #tpu.memory_space<hbm>>) target(%arg7 : memref<128x128xf32, #tpu.memory_space<vmem>>) offsets(%dma_start3A_96 : memref<128xi32, #tpu.memory_space<vmem>>) semaphore(%arg10 : memref<!tpu.dma_semaphore, #tpu.memory_space<semaphore_mem>>)
      } else {
      }
      %dma_wait3A_82 = arith.constant 0 : i32
      %dma_wait3A_83 = arith.constant 0 : i32
      %dma_wait3A_84 = tpu.memref_slice %arg6[%dma_wait3A_82, %dma_wait3A_83] : memref<2x128xi32, #tpu.memory_space<vmem>> -> memref<1x128xi32, #tpu.memory_space<vmem>>
      %dma_wait3A_85 = tpu.memref_squeeze %dma_wait3A_84 : memref<1x128xi32, #tpu.memory_space<vmem>> -> memref<128xi32, #tpu.memory_space<vmem>>
      %dma_wait3A_86 = arith.constant 0 : i32
      %dma_wait3A_87 = arith.constant 0 : i32
      %dma_wait3A_88 = tpu.memref_slice %arg2[%dma_wait3A_86, %dma_wait3A_87] : memref<10000x128xf32, #tpu.memory_space<hbm>> -> memref<10000x128xf32, #tpu.memory_space<hbm>>
      tpu.wait_indirect_dma semaphore(%arg11 : memref<!tpu.dma_semaphore, #tpu.memory_space<semaphore_mem>>) src(%dma_wait3A_88 : memref<10000x128xf32, #tpu.memory_space<hbm>>) dst(%arg8 : memref<128x128xf32, #tpu.memory_space<vmem>>)
      %run_scoped3A_89 = arith.constant 1 : i32
      "tpu.region"() ({
        %run_scoped3A_90 = tpu.sem_alloc : memref<!tpu.dma_semaphore, #tpu.memory_space<semaphore_mem>>
        %dma_start3A_91 = arith.constant 0 : i32
        %dma_start3A_92 = tpu.memref_slice %arg6[%run_scoped3A_89, %dma_start3A_91] : memref<2x128xi32, #tpu.memory_space<vmem>> -> memref<1x128xi32, #tpu.memory_space<vmem>>
        %dma_start3A_93 = tpu.memref_squeeze %dma_start3A_92 : memref<1x128xi32, #tpu.memory_space<vmem>> -> memref<128xi32, #tpu.memory_space<vmem>>
        %dma_start3A_94 = arith.constant 0 : i32
        %dma_start3A_95 = arith.constant 0 : i32
        %dma_start3A_96 = tpu.memref_slice %arg9[%dma_start3A_94, %dma_start3A_95] : memref<10240x128xf32, #tpu.memory_space<vmem_shared>> -> memref<10240x128xf32, #tpu.memory_space<vmem_shared>>
        tpu.enqueue_indirect_dma source(%arg8 : memref<128x128xf32, #tpu.memory_space<vmem>>) target(%dma_start3A_96 : memref<10240x128xf32, #tpu.memory_space<vmem_shared>>) offsets(%dma_start3A_93 : memref<128xi32, #tpu.memory_space<vmem>>) semaphore(%run_scoped3A_90 : memref<!tpu.dma_semaphore, #tpu.memory_space<semaphore_mem>>) {add = true}
        %dma_wait3A_97 = arith.constant 0 : i32
        %dma_wait3A_98 = tpu.memref_slice %arg6[%run_scoped3A_89, %dma_wait3A_97] : memref<2x128xi32, #tpu.memory_space<vmem>> -> memref<1x128xi32, #tpu.memory_space<vmem>>
        %dma_wait3A_99 = tpu.memref_squeeze %dma_wait3A_98 : memref<1x128xi32, #tpu.memory_space<vmem>> -> memref<128xi32, #tpu.memory_space<vmem>>
        %dma_wait3A_100 = arith.constant 0 : i32
        %dma_wait3A_101 = arith.constant 0 : i32
        %dma_wait3A_102 = tpu.memref_slice %arg9[%dma_wait3A_100, %dma_wait3A_101] : memref<10240x128xf32, #tpu.memory_space<vmem_shared>> -> memref<10240x128xf32, #tpu.memory_space<vmem_shared>>
        tpu.wait_indirect_dma semaphore(%run_scoped3A_90 : memref<!tpu.dma_semaphore, #tpu.memory_space<semaphore_mem>>) src(%arg8 : memref<128x128xf32, #tpu.memory_space<vmem>>) dst(%dma_wait3A_102 : memref<10240x128xf32, #tpu.memory_space<vmem_shared>>)
        tpu.yield
      }) : () -> ()
    }
    %scan3A_34 = arith.constant 40 : i32
    %barrier3A_35 = arith.constant 0 : index
    tpu.barrier barrier_id(%barrier3A_35)
    %mul3A_36 = arith.constant 10240 : i32
    %mul3A_37 = arith.muli %arg0, %mul3A_36 : i32
    %add3A_38 = arith.addi %mul3A_37, %mul3A_4 : i32
    %add3A_39 = arith.constant 0 : i32
    %add3A_40 = arith.addi %mul3A_4, %add3A_39 : i32
    "tpu.region"() ({
      %run_scoped3A = tpu.sem_alloc : memref<!tpu.dma_semaphore, #tpu.memory_space<semaphore_mem>>
      %dma_start3A_59 = arith.constant 0 : i32
      %dma_start3A_60 = tpu.memref_slice %arg9[%add3A_40, %dma_start3A_59] : memref<10240x128xf32, #tpu.memory_space<vmem_shared>> -> memref<128x128xf32, #tpu.memory_space<vmem_shared>>
      %dma_start3A_61 = arith.constant 0 : i32
      %dma_start3A_62 = tpu.memref_slice %arg9[%add3A_40, %dma_start3A_61] : memref<10240x128xf32, #tpu.memory_space<vmem_shared>> -> memref<128x128xf32, #tpu.memory_space<vmem_shared>>
      tpu.enqueue_dma source(%dma_start3A_62 : memref<128x128xf32, #tpu.memory_space<vmem_shared>>) target(%arg7 : memref<128x128xf32, #tpu.memory_space<vmem>>) target_semaphore(%run_scoped3A : memref<!tpu.dma_semaphore, #tpu.memory_space<semaphore_mem>>)
      %dma_wait3A = arith.constant 0 : i32
      %dma_wait3A_63 = tpu.memref_slice %arg9[%add3A_40, %dma_wait3A] : memref<10240x128xf32, #tpu.memory_space<vmem_shared>> -> memref<128x128xf32, #tpu.memory_space<vmem_shared>>
      %dma_wait3A_64 = arith.constant 0 : i32
      %dma_wait3A_65 = tpu.memref_slice %arg9[%add3A_40, %dma_wait3A_64] : memref<10240x128xf32, #tpu.memory_space<vmem_shared>> -> memref<128x128xf32, #tpu.memory_space<vmem_shared>>
      tpu.wait_dma2 semaphore(%run_scoped3A : memref<!tpu.dma_semaphore, #tpu.memory_space<semaphore_mem>>) src(%dma_wait3A_65 : memref<128x128xf32, #tpu.memory_space<vmem_shared>>) dst(%arg7 : memref<128x128xf32, #tpu.memory_space<vmem>>)
      tpu.yield
    }) : () -> ()
    %add3A_41 = arith.constant 0 : i32
    %add3A_42 = arith.addi %add3A_38, %add3A_41 : i32
    "tpu.region"() ({
      %run_scoped3A = tpu.sem_alloc : memref<!tpu.dma_semaphore, #tpu.memory_space<semaphore_mem>>
      %dma_start3A_59 = arith.constant 0 : i32
      %dma_start3A_60 = tpu.memref_slice %arg4[%add3A_42, %dma_start3A_59] : memref<20480x128xf32, #tpu.memory_space<hbm>> -> memref<128x128xf32, #tpu.memory_space<hbm>>
      %dma_start3A_61 = arith.constant 0 : i32
      %dma_start3A_62 = tpu.memref_slice %arg4[%add3A_42, %dma_start3A_61] : memref<20480x128xf32, #tpu.memory_space<hbm>> -> memref<128x128xf32, #tpu.memory_space<hbm>>
      tpu.enqueue_dma source(%arg7 : memref<128x128xf32, #tpu.memory_space<vmem>>) target(%dma_start3A_62 : memref<128x128xf32, #tpu.memory_space<hbm>>) target_semaphore(%run_scoped3A : memref<!tpu.dma_semaphore, #tpu.memory_space<semaphore_mem>>)
      %dma_wait3A = arith.constant 0 : i32
      %dma_wait3A_63 = tpu.memref_slice %arg4[%add3A_42, %dma_wait3A] : memref<20480x128xf32, #tpu.memory_space<hbm>> -> memref<128x128xf32, #tpu.memory_space<hbm>>
      %dma_wait3A_64 = arith.constant 0 : i32
      %dma_wait3A_65 = tpu.memref_slice %arg4[%add3A_42, %dma_wait3A_64] : memref<20480x128xf32, #tpu.memory_space<hbm>> -> memref<128x128xf32, #tpu.memory_space<hbm>>
      tpu.wait_dma2 semaphore(%run_scoped3A : memref<!tpu.dma_semaphore, #tpu.memory_space<semaphore_mem>>) src(%arg7 : memref<128x128xf32, #tpu.memory_space<vmem>>) dst(%dma_wait3A_65 : memref<128x128xf32, #tpu.memory_space<hbm>>)
      tpu.yield
    }) : () -> ()
    %add3A_43 = arith.constant 128 : i32
    %add3A_44 = arith.addi %mul3A_4, %add3A_43 : i32
    "tpu.region"() ({
      %run_scoped3A = tpu.sem_alloc : memref<!tpu.dma_semaphore, #tpu.memory_space<semaphore_mem>>
      %dma_start3A_59 = arith.constant 0 : i32
      %dma_start3A_60 = tpu.memref_slice %arg9[%add3A_44, %dma_start3A_59] : memref<10240x128xf32, #tpu.memory_space<vmem_shared>> -> memref<128x128xf32, #tpu.memory_space<vmem_shared>>
      %dma_start3A_61 = arith.constant 0 : i32
      %dma_start3A_62 = tpu.memref_slice %arg9[%add3A_44, %dma_start3A_61] : memref<10240x128xf32, #tpu.memory_space<vmem_shared>> -> memref<128x128xf32, #tpu.memory_space<vmem_shared>>
      tpu.enqueue_dma source(%dma_start3A_62 : memref<128x128xf32, #tpu.memory_space<vmem_shared>>) target(%arg7 : memref<128x128xf32, #tpu.memory_space<vmem>>) target_semaphore(%run_scoped3A : memref<!tpu.dma_semaphore, #tpu.memory_space<semaphore_mem>>)
      %dma_wait3A = arith.constant 0 : i32
      %dma_wait3A_63 = tpu.memref_slice %arg9[%add3A_44, %dma_wait3A] : memref<10240x128xf32, #tpu.memory_space<vmem_shared>> -> memref<128x128xf32, #tpu.memory_space<vmem_shared>>
      %dma_wait3A_64 = arith.constant 0 : i32
      %dma_wait3A_65 = tpu.memref_slice %arg9[%add3A_44, %dma_wait3A_64] : memref<10240x128xf32, #tpu.memory_space<vmem_shared>> -> memref<128x128xf32, #tpu.memory_space<vmem_shared>>
      tpu.wait_dma2 semaphore(%run_scoped3A : memref<!tpu.dma_semaphore, #tpu.memory_space<semaphore_mem>>) src(%dma_wait3A_65 : memref<128x128xf32, #tpu.memory_space<vmem_shared>>) dst(%arg7 : memref<128x128xf32, #tpu.memory_space<vmem>>)
      tpu.yield
    }) : () -> ()
    %add3A_45 = arith.constant 128 : i32
    %add3A_46 = arith.addi %add3A_38, %add3A_45 : i32
    "tpu.region"() ({
      %run_scoped3A = tpu.sem_alloc : memref<!tpu.dma_semaphore, #tpu.memory_space<semaphore_mem>>
      %dma_start3A_59 = arith.constant 0 : i32
      %dma_start3A_60 = tpu.memref_slice %arg4[%add3A_46, %dma_start3A_59] : memref<20480x128xf32, #tpu.memory_space<hbm>> -> memref<128x128xf32, #tpu.memory_space<hbm>>
      %dma_start3A_61 = arith.constant 0 : i32
      %dma_start3A_62 = tpu.memref_slice %arg4[%add3A_46, %dma_start3A_61] : memref<20480x128xf32, #tpu.memory_space<hbm>> -> memref<128x128xf32, #tpu.memory_space<hbm>>
      tpu.enqueue_dma source(%arg7 : memref<128x128xf32, #tpu.memory_space<vmem>>) target(%dma_start3A_62 : memref<128x128xf32, #tpu.memory_space<hbm>>) target_semaphore(%run_scoped3A : memref<!tpu.dma_semaphore, #tpu.memory_space<semaphore_mem>>)
      %dma_wait3A = arith.constant 0 : i32
      %dma_wait3A_63 = tpu.memref_slice %arg4[%add3A_46, %dma_wait3A] : memref<20480x128xf32, #tpu.memory_space<hbm>> -> memref<128x128xf32, #tpu.memory_space<hbm>>
      %dma_wait3A_64 = arith.constant 0 : i32
      %dma_wait3A_65 = tpu.memref_slice %arg4[%add3A_46, %dma_wait3A_64] : memref<20480x128xf32, #tpu.memory_space<hbm>> -> memref<128x128xf32, #tpu.memory_space<hbm>>
      tpu.wait_dma2 semaphore(%run_scoped3A : memref<!tpu.dma_semaphore, #tpu.memory_space<semaphore_mem>>) src(%arg7 : memref<128x128xf32, #tpu.memory_space<vmem>>) dst(%dma_wait3A_65 : memref<128x128xf32, #tpu.memory_space<hbm>>)
      tpu.yield
    }) : () -> ()
    %add3A_47 = arith.constant 256 : i32
    %add3A_48 = arith.addi %mul3A_4, %add3A_47 : i32
    "tpu.region"() ({
      %run_scoped3A = tpu.sem_alloc : memref<!tpu.dma_semaphore, #tpu.memory_space<semaphore_mem>>
      %dma_start3A_59 = arith.constant 0 : i32
      %dma_start3A_60 = tpu.memref_slice %arg9[%add3A_48, %dma_start3A_59] : memref<10240x128xf32, #tpu.memory_space<vmem_shared>> -> memref<128x128xf32, #tpu.memory_space<vmem_shared>>
      %dma_start3A_61 = arith.constant 0 : i32
      %dma_start3A_62 = tpu.memref_slice %arg9[%add3A_48, %dma_start3A_61] : memref<10240x128xf32, #tpu.memory_space<vmem_shared>> -> memref<128x128xf32, #tpu.memory_space<vmem_shared>>
      tpu.enqueue_dma source(%dma_start3A_62 : memref<128x128xf32, #tpu.memory_space<vmem_shared>>) target(%arg7 : memref<128x128xf32, #tpu.memory_space<vmem>>) target_semaphore(%run_scoped3A : memref<!tpu.dma_semaphore, #tpu.memory_space<semaphore_mem>>)
      %dma_wait3A = arith.constant 0 : i32
      %dma_wait3A_63 = tpu.memref_slice %arg9[%add3A_48, %dma_wait3A] : memref<10240x128xf32, #tpu.memory_space<vmem_shared>> -> memref<128x128xf32, #tpu.memory_space<vmem_shared>>
      %dma_wait3A_64 = arith.constant 0 : i32
      %dma_wait3A_65 = tpu.memref_slice %arg9[%add3A_48, %dma_wait3A_64] : memref<10240x128xf32, #tpu.memory_space<vmem_shared>> -> memref<128x128xf32, #tpu.memory_space<vmem_shared>>
      tpu.wait_dma2 semaphore(%run_scoped3A : memref<!tpu.dma_semaphore, #tpu.memory_space<semaphore_mem>>) src(%dma_wait3A_65 : memref<128x128xf32, #tpu.memory_space<vmem_shared>>) dst(%arg7 : memref<128x128xf32, #tpu.memory_space<vmem>>)
      tpu.yield
    }) : () -> ()
    %add3A_49 = arith.constant 256 : i32
    %add3A_50 = arith.addi %add3A_38, %add3A_49 : i32
    "tpu.region"() ({
      %run_scoped3A = tpu.sem_alloc : memref<!tpu.dma_semaphore, #tpu.memory_space<semaphore_mem>>
      %dma_start3A_59 = arith.constant 0 : i32
      %dma_start3A_60 = tpu.memref_slice %arg4[%add3A_50, %dma_start3A_59] : memref<20480x128xf32, #tpu.memory_space<hbm>> -> memref<128x128xf32, #tpu.memory_space<hbm>>
      %dma_start3A_61 = arith.constant 0 : i32
      %dma_start3A_62 = tpu.memref_slice %arg4[%add3A_50, %dma_start3A_61] : memref<20480x128xf32, #tpu.memory_space<hbm>> -> memref<128x128xf32, #tpu.memory_space<hbm>>
      tpu.enqueue_dma source(%arg7 : memref<128x128xf32, #tpu.memory_space<vmem>>) target(%dma_start3A_62 : memref<128x128xf32, #tpu.memory_space<hbm>>) target_semaphore(%run_scoped3A : memref<!tpu.dma_semaphore, #tpu.memory_space<semaphore_mem>>)
      %dma_wait3A = arith.constant 0 : i32
      %dma_wait3A_63 = tpu.memref_slice %arg4[%add3A_50, %dma_wait3A] : memref<20480x128xf32, #tpu.memory_space<hbm>> -> memref<128x128xf32, #tpu.memory_space<hbm>>
      %dma_wait3A_64 = arith.constant 0 : i32
      %dma_wait3A_65 = tpu.memref_slice %arg4[%add3A_50, %dma_wait3A_64] : memref<20480x128xf32, #tpu.memory_space<hbm>> -> memref<128x128xf32, #tpu.memory_space<hbm>>
      tpu.wait_dma2 semaphore(%run_scoped3A : memref<!tpu.dma_semaphore, #tpu.memory_space<semaphore_mem>>) src(%arg7 : memref<128x128xf32, #tpu.memory_space<vmem>>) dst(%dma_wait3A_65 : memref<128x128xf32, #tpu.memory_space<hbm>>)
      tpu.yield
    }) : () -> ()
    %add3A_51 = arith.constant 384 : i32
    %add3A_52 = arith.addi %mul3A_4, %add3A_51 : i32
    "tpu.region"() ({
      %run_scoped3A = tpu.sem_alloc : memref<!tpu.dma_semaphore, #tpu.memory_space<semaphore_mem>>
      %dma_start3A_59 = arith.constant 0 : i32
      %dma_start3A_60 = tpu.memref_slice %arg9[%add3A_52, %dma_start3A_59] : memref<10240x128xf32, #tpu.memory_space<vmem_shared>> -> memref<128x128xf32, #tpu.memory_space<vmem_shared>>
      %dma_start3A_61 = arith.constant 0 : i32
      %dma_start3A_62 = tpu.memref_slice %arg9[%add3A_52, %dma_start3A_61] : memref<10240x128xf32, #tpu.memory_space<vmem_shared>> -> memref<128x128xf32, #tpu.memory_space<vmem_shared>>
      tpu.enqueue_dma source(%dma_start3A_62 : memref<128x128xf32, #tpu.memory_space<vmem_shared>>) target(%arg7 : memref<128x128xf32, #tpu.memory_space<vmem>>) target_semaphore(%run_scoped3A : memref<!tpu.dma_semaphore, #tpu.memory_space<semaphore_mem>>)
      %dma_wait3A = arith.constant 0 : i32
      %dma_wait3A_63 = tpu.memref_slice %arg9[%add3A_52, %dma_wait3A] : memref<10240x128xf32, #tpu.memory_space<vmem_shared>> -> memref<128x128xf32, #tpu.memory_space<vmem_shared>>
      %dma_wait3A_64 = arith.constant 0 : i32
      %dma_wait3A_65 = tpu.memref_slice %arg9[%add3A_52, %dma_wait3A_64] : memref<10240x128xf32, #tpu.memory_space<vmem_shared>> -> memref<128x128xf32, #tpu.memory_space<vmem_shared>>
      tpu.wait_dma2 semaphore(%run_scoped3A : memref<!tpu.dma_semaphore, #tpu.memory_space<semaphore_mem>>) src(%dma_wait3A_65 : memref<128x128xf32, #tpu.memory_space<vmem_shared>>) dst(%arg7 : memref<128x128xf32, #tpu.memory_space<vmem>>)
      tpu.yield
    }) : () -> ()
    %add3A_53 = arith.constant 384 : i32
    %add3A_54 = arith.addi %add3A_38, %add3A_53 : i32
    "tpu.region"() ({
      %run_scoped3A = tpu.sem_alloc : memref<!tpu.dma_semaphore, #tpu.memory_space<semaphore_mem>>
      %dma_start3A_59 = arith.constant 0 : i32
      %dma_start3A_60 = tpu.memref_slice %arg4[%add3A_54, %dma_start3A_59] : memref<20480x128xf32, #tpu.memory_space<hbm>> -> memref<128x128xf32, #tpu.memory_space<hbm>>
      %dma_start3A_61 = arith.constant 0 : i32
      %dma_start3A_62 = tpu.memref_slice %arg4[%add3A_54, %dma_start3A_61] : memref<20480x128xf32, #tpu.memory_space<hbm>> -> memref<128x128xf32, #tpu.memory_space<hbm>>
      tpu.enqueue_dma source(%arg7 : memref<128x128xf32, #tpu.memory_space<vmem>>) target(%dma_start3A_62 : memref<128x128xf32, #tpu.memory_space<hbm>>) target_semaphore(%run_scoped3A : memref<!tpu.dma_semaphore, #tpu.memory_space<semaphore_mem>>)
      %dma_wait3A = arith.constant 0 : i32
      %dma_wait3A_63 = tpu.memref_slice %arg4[%add3A_54, %dma_wait3A] : memref<20480x128xf32, #tpu.memory_space<hbm>> -> memref<128x128xf32, #tpu.memory_space<hbm>>
      %dma_wait3A_64 = arith.constant 0 : i32
      %dma_wait3A_65 = tpu.memref_slice %arg4[%add3A_54, %dma_wait3A_64] : memref<20480x128xf32, #tpu.memory_space<hbm>> -> memref<128x128xf32, #tpu.memory_space<hbm>>
      tpu.wait_dma2 semaphore(%run_scoped3A : memref<!tpu.dma_semaphore, #tpu.memory_space<semaphore_mem>>) src(%arg7 : memref<128x128xf32, #tpu.memory_space<vmem>>) dst(%dma_wait3A_65 : memref<128x128xf32, #tpu.memory_space<hbm>>)
      tpu.yield
    }) : () -> ()
    %add3A_55 = arith.constant 512 : i32
    %add3A_56 = arith.addi %mul3A_4, %add3A_55 : i32
    "tpu.region"() ({
      %run_scoped3A = tpu.sem_alloc : memref<!tpu.dma_semaphore, #tpu.memory_space<semaphore_mem>>
      %dma_start3A_59 = arith.constant 0 : i32
      %dma_start3A_60 = tpu.memref_slice %arg9[%add3A_56, %dma_start3A_59] : memref<10240x128xf32, #tpu.memory_space<vmem_shared>> -> memref<128x128xf32, #tpu.memory_space<vmem_shared>>
      %dma_start3A_61 = arith.constant 0 : i32
      %dma_start3A_62 = tpu.memref_slice %arg9[%add3A_56, %dma_start3A_61] : memref<10240x128xf32, #tpu.memory_space<vmem_shared>> -> memref<128x128xf32, #tpu.memory_space<vmem_shared>>
      tpu.enqueue_dma source(%dma_start3A_62 : memref<128x128xf32, #tpu.memory_space<vmem_shared>>) target(%arg7 : memref<128x128xf32, #tpu.memory_space<vmem>>) target_semaphore(%run_scoped3A : memref<!tpu.dma_semaphore, #tpu.memory_space<semaphore_mem>>)
      %dma_wait3A = arith.constant 0 : i32
      %dma_wait3A_63 = tpu.memref_slice %arg9[%add3A_56, %dma_wait3A] : memref<10240x128xf32, #tpu.memory_space<vmem_shared>> -> memref<128x128xf32, #tpu.memory_space<vmem_shared>>
      %dma_wait3A_64 = arith.constant 0 : i32
      %dma_wait3A_65 = tpu.memref_slice %arg9[%add3A_56, %dma_wait3A_64] : memref<10240x128xf32, #tpu.memory_space<vmem_shared>> -> memref<128x128xf32, #tpu.memory_space<vmem_shared>>
      tpu.wait_dma2 semaphore(%run_scoped3A : memref<!tpu.dma_semaphore, #tpu.memory_space<semaphore_mem>>) src(%dma_wait3A_65 : memref<128x128xf32, #tpu.memory_space<vmem_shared>>) dst(%arg7 : memref<128x128xf32, #tpu.memory_space<vmem>>)
      tpu.yield
    }) : () -> ()
    %add3A_57 = arith.constant 512 : i32
    %add3A_58 = arith.addi %add3A_38, %add3A_57 : i32
    "tpu.region"() ({
      %run_scoped3A = tpu.sem_alloc : memref<!tpu.dma_semaphore, #tpu.memory_space<semaphore_mem>>
      %dma_start3A_59 = arith.constant 0 : i32
      %dma_start3A_60 = tpu.memref_slice %arg4[%add3A_58, %dma_start3A_59] : memref<20480x128xf32, #tpu.memory_space<hbm>> -> memref<128x128xf32, #tpu.memory_space<hbm>>
      %dma_start3A_61 = arith.constant 0 : i32
      %dma_start3A_62 = tpu.memref_slice %arg4[%add3A_58, %dma_start3A_61] : memref<20480x128xf32, #tpu.memory_space<hbm>> -> memref<128x128xf32, #tpu.memory_space<hbm>>
      tpu.enqueue_dma source(%arg7 : memref<128x128xf32, #tpu.memory_space<vmem>>) target(%dma_start3A_62 : memref<128x128xf32, #tpu.memory_space<hbm>>) target_semaphore(%run_scoped3A : memref<!tpu.dma_semaphore, #tpu.memory_space<semaphore_mem>>)
      %dma_wait3A = arith.constant 0 : i32
      %dma_wait3A_63 = tpu.memref_slice %arg4[%add3A_58, %dma_wait3A] : memref<20480x128xf32, #tpu.memory_space<hbm>> -> memref<128x128xf32, #tpu.memory_space<hbm>>
      %dma_wait3A_64 = arith.constant 0 : i32
      %dma_wait3A_65 = tpu.memref_slice %arg4[%add3A_58, %dma_wait3A_64] : memref<20480x128xf32, #tpu.memory_space<hbm>> -> memref<128x128xf32, #tpu.memory_space<hbm>>
      tpu.wait_dma2 semaphore(%run_scoped3A : memref<!tpu.dma_semaphore, #tpu.memory_space<semaphore_mem>>) src(%arg7 : memref<128x128xf32, #tpu.memory_space<vmem>>) dst(%dma_wait3A_65 : memref<128x128xf32, #tpu.memory_space<hbm>>)
      tpu.yield
    }) : () -> ()
    return
  }
}

#map = affine_map<(d0, d1) -> (0, 0)>
#map1 = affine_map<(d0, d1) -> (0, 0, 0)>
module attributes {stable_mosaic.version = 14 : i64} {
  func.func @_agg_body(%arg0: i32, %arg1: i32, %arg2: memref<10000x128xf32, #tpu.memory_space<hbm>>, %arg3: memref<2560x2x128xi32, #tpu.memory_space<hbm>>, %arg4: memref<20480x128xf32, #tpu.memory_space<hbm>>, %arg5: memref<2x128xi32, #tpu.memory_space<vmem>>, %arg6: memref<2x128xi32, #tpu.memory_space<vmem>>, %arg7: memref<128x128xf32, #tpu.memory_space<vmem>>, %arg8: memref<128x128xf32, #tpu.memory_space<vmem>>, %arg9: memref<10240x128xf32, #tpu.memory_space<vmem_shared>>, %arg10: memref<!tpu.dma_semaphore, #tpu.memory_space<semaphore_mem>>, %arg11: memref<!tpu.dma_semaphore, #tpu.memory_space<semaphore_mem>>) attributes {dimension_semantics = [#tpu.dimension_semantics<core_parallel>, #tpu.dimension_semantics<subcore_parallel>], iteration_bounds = array<i64: 2, 16>, scalar_prefetch = 0 : i64, scratch_operands = 7 : i64, tpu.core_type = #tpu.core_type<sc_vector_subcore>, window_params = [{transform_indices = #map}, {transform_indices = #map1}, {transform_indices = #map}]} {
    %mul3A = arith.constant 2 : i32
    %mul3A_0 = arith.muli %arg1, %mul3A : i32
    %add3A = arith.addi %mul3A_0, %arg0 : i32
    %mul3A_1 = arith.constant 80 : i32
    %mul3A_2 = arith.muli %add3A, %mul3A_1 : i32
    %mul3A_3 = arith.constant 640 : i32
    %mul3A_4 = arith.muli %arg1, %mul3A_3 : i32
    %broadcast_in_dim3A = arith.constant 0.000000e+00 : f32
    %broadcast_in_dim3A_5 = vector.broadcast %broadcast_in_dim3A : f32 to vector<16xf32>
    %scan3A = arith.constant 0 : i32
    %scan3A_6 = arith.constant 0 : i32
    %scan3A_7 = arith.constant 128 : i32
    %scan3A_8 = arith.addi %scan3A_6, %scan3A_7 : i32
    %scan3A_9 = arith.constant 1 : i32
    scf.for %scan3A_59 = %scan3A_6 to %scan3A_8 step %scan3A_9  : i32 {
      %swap3A = arith.index_cast %scan3A_59 : i32 to index
      %swap3A_60 = arith.constant 0 : index
      %swap3A_61 = tpu.vector_load %arg7[%swap3A, %swap3A_60] {strides = array<i32>} : memref<128x128xf32, #tpu.memory_space<vmem>>, vector<1x16xf32>,
      %swap3A_62 = vector.shape_cast %swap3A_61 : vector<1x16xf32> to vector<16xf32>
      %swap3A_63 = vector.shape_cast %broadcast_in_dim3A_5 : vector<16xf32> to vector<1x16xf32>
      tpu.vector_store %arg7[%swap3A, %swap3A_60], %swap3A_63 {strides = array<i32>} : memref<128x128xf32, #tpu.memory_space<vmem>>, vector<1x16xf32>,
      %swap3A_64 = arith.index_cast %scan3A_59 : i32 to index
      %swap3A_65 = arith.constant 16 : index
      %swap3A_66 = tpu.vector_load %arg7[%swap3A_64, %swap3A_65] {strides = array<i32>} : memref<128x128xf32, #tpu.memory_space<vmem>>, vector<1x16xf32>,
      %swap3A_67 = vector.shape_cast %swap3A_66 : vector<1x16xf32> to vector<16xf32>
      %swap3A_68 = vector.shape_cast %broadcast_in_dim3A_5 : vector<16xf32> to vector<1x16xf32>
      tpu.vector_store %arg7[%swap3A_64, %swap3A_65], %swap3A_68 {strides = array<i32>} : memref<128x128xf32, #tpu.memory_space<vmem>>, vector<1x16xf32>,
      %swap3A_69 = arith.index_cast %scan3A_59 : i32 to index
      %swap3A_70 = arith.constant 32 : index
      %swap3A_71 = tpu.vector_load %arg7[%swap3A_69, %swap3A_70] {strides = array<i32>} : memref<128x128xf32, #tpu.memory_space<vmem>>, vector<1x16xf32>,
      %swap3A_72 = vector.shape_cast %swap3A_71 : vector<1x16xf32> to vector<16xf32>
      %swap3A_73 = vector.shape_cast %broadcast_in_dim3A_5 : vector<16xf32> to vector<1x16xf32>
      tpu.vector_store %arg7[%swap3A_69, %swap3A_70], %swap3A_73 {strides = array<i32>} : memref<128x128xf32, #tpu.memory_space<vmem>>, vector<1x16xf32>,
      %swap3A_74 = arith.index_cast %scan3A_59 : i32 to index
      %swap3A_75 = arith.constant 48 : index
      %swap3A_76 = tpu.vector_load %arg7[%swap3A_74, %swap3A_75] {strides = array<i32>} : memref<128x128xf32, #tpu.memory_space<vmem>>, vector<1x16xf32>,
      %swap3A_77 = vector.shape_cast %swap3A_76 : vector<1x16xf32> to vector<16xf32>
      %swap3A_78 = vector.shape_cast %broadcast_in_dim3A_5 : vector<16xf32> to vector<1x16xf32>
      tpu.vector_store %arg7[%swap3A_74, %swap3A_75], %swap3A_78 {strides = array<i32>} : memref<128x128xf32, #tpu.memory_space<vmem>>, vector<1x16xf32>,
      %swap3A_79 = arith.index_cast %scan3A_59 : i32 to index
      %swap3A_80 = arith.constant 64 : index
      %swap3A_81 = tpu.vector_load %arg7[%swap3A_79, %swap3A_80] {strides = array<i32>} : memref<128x128xf32, #tpu.memory_space<vmem>>, vector<1x16xf32>,
      %swap3A_82 = vector.shape_cast %swap3A_81 : vector<1x16xf32> to vector<16xf32>
      %swap3A_83 = vector.shape_cast %broadcast_in_dim3A_5 : vector<16xf32> to vector<1x16xf32>
      tpu.vector_store %arg7[%swap3A_79, %swap3A_80], %swap3A_83 {strides = array<i32>} : memref<128x128xf32, #tpu.memory_space<vmem>>, vector<1x16xf32>,
      %swap3A_84 = arith.index_cast %scan3A_59 : i32 to index
      %swap3A_85 = arith.constant 80 : index
      %swap3A_86 = tpu.vector_load %arg7[%swap3A_84, %swap3A_85] {strides = array<i32>} : memref<128x128xf32, #tpu.memory_space<vmem>>, vector<1x16xf32>,
      %swap3A_87 = vector.shape_cast %swap3A_86 : vector<1x16xf32> to vector<16xf32>
      %swap3A_88 = vector.shape_cast %broadcast_in_dim3A_5 : vector<16xf32> to vector<1x16xf32>
      tpu.vector_store %arg7[%swap3A_84, %swap3A_85], %swap3A_88 {strides = array<i32>} : memref<128x128xf32, #tpu.memory_space<vmem>>, vector<1x16xf32>,
      %swap3A_89 = arith.index_cast %scan3A_59 : i32 to index
      %swap3A_90 = arith.constant 96 : index
      %swap3A_91 = tpu.vector_load %arg7[%swap3A_89, %swap3A_90] {strides = array<i32>} : memref<128x128xf32, #tpu.memory_space<vmem>>, vector<1x16xf32>,
      %swap3A_92 = vector.shape_cast %swap3A_91 : vector<1x16xf32> to vector<16xf32>
      %swap3A_93 = vector.shape_cast %broadcast_in_dim3A_5 : vector<16xf32> to vector<1x16xf32>
      tpu.vector_store %arg7[%swap3A_89, %swap3A_90], %swap3A_93 {strides = array<i32>} : memref<128x128xf32, #tpu.memory_space<vmem>>, vector<1x16xf32>,
      %swap3A_94 = arith.index_cast %scan3A_59 : i32 to index
      %swap3A_95 = arith.constant 112 : index
      %swap3A_96 = tpu.vector_load %arg7[%swap3A_94, %swap3A_95] {strides = array<i32>} : memref<128x128xf32, #tpu.memory_space<vmem>>, vector<1x16xf32>,
      %swap3A_97 = vector.shape_cast %swap3A_96 : vector<1x16xf32> to vector<16xf32>
      %swap3A_98 = vector.shape_cast %broadcast_in_dim3A_5 : vector<16xf32> to vector<1x16xf32>
      tpu.vector_store %arg7[%swap3A_94, %swap3A_95], %swap3A_98 {strides = array<i32>} : memref<128x128xf32, #tpu.memory_space<vmem>>, vector<1x16xf32>,
    }
    %scan3A_10 = arith.constant 128 : i32
    %add3A_11 = arith.constant 0 : i32
    %add3A_12 = arith.addi %mul3A_4, %add3A_11 : i32
    "tpu.region"() ({
      %run_scoped3A = tpu.sem_alloc : memref<!tpu.dma_semaphore, #tpu.memory_space<semaphore_mem>>
      %dma_start3A_59 = arith.constant 0 : i32
      %dma_start3A_60 = tpu.memref_slice %arg9[%add3A_12, %dma_start3A_59] : memref<10240x128xf32, #tpu.memory_space<vmem_shared>> -> memref<128x128xf32, #tpu.memory_space<vmem_shared>>
      %dma_start3A_61 = arith.constant 0 : i32
      %dma_start3A_62 = tpu.memref_slice %arg9[%add3A_12, %dma_start3A_61] : memref<10240x128xf32, #tpu.memory_space<vmem_shared>> -> memref<128x128xf32, #tpu.memory_space<vmem_shared>>
      tpu.enqueue_dma source(%arg7 : memref<128x128xf32, #tpu.memory_space<vmem>>) target(%dma_start3A_62 : memref<128x128xf32, #tpu.memory_space<vmem_shared>>) target_semaphore(%run_scoped3A : memref<!tpu.dma_semaphore, #tpu.memory_space<semaphore_mem>>)
      %dma_wait3A = arith.constant 0 : i32
      %dma_wait3A_63 = tpu.memref_slice %arg9[%add3A_12, %dma_wait3A] : memref<10240x128xf32, #tpu.memory_space<vmem_shared>> -> memref<128x128xf32, #tpu.memory_space<vmem_shared>>
      %dma_wait3A_64 = arith.constant 0 : i32
      %dma_wait3A_65 = tpu.memref_slice %arg9[%add3A_12, %dma_wait3A_64] : memref<10240x128xf32, #tpu.memory_space<vmem_shared>> -> memref<128x128xf32, #tpu.memory_space<vmem_shared>>
      tpu.wait_dma2 semaphore(%run_scoped3A : memref<!tpu.dma_semaphore, #tpu.memory_space<semaphore_mem>>) src(%arg7 : memref<128x128xf32, #tpu.memory_space<vmem>>) dst(%dma_wait3A_65 : memref<128x128xf32, #tpu.memory_space<vmem_shared>>)
      tpu.yield
    }) : () -> ()
    %add3A_13 = arith.constant 128 : i32
    %add3A_14 = arith.addi %mul3A_4, %add3A_13 : i32
    "tpu.region"() ({
      %run_scoped3A = tpu.sem_alloc : memref<!tpu.dma_semaphore, #tpu.memory_space<semaphore_mem>>
      %dma_start3A_59 = arith.constant 0 : i32
      %dma_start3A_60 = tpu.memref_slice %arg9[%add3A_14, %dma_start3A_59] : memref<10240x128xf32, #tpu.memory_space<vmem_shared>> -> memref<128x128xf32, #tpu.memory_space<vmem_shared>>
      %dma_start3A_61 = arith.constant 0 : i32
      %dma_start3A_62 = tpu.memref_slice %arg9[%add3A_14, %dma_start3A_61] : memref<10240x128xf32, #tpu.memory_space<vmem_shared>> -> memref<128x128xf32, #tpu.memory_space<vmem_shared>>
      tpu.enqueue_dma source(%arg7 : memref<128x128xf32, #tpu.memory_space<vmem>>) target(%dma_start3A_62 : memref<128x128xf32, #tpu.memory_space<vmem_shared>>) target_semaphore(%run_scoped3A : memref<!tpu.dma_semaphore, #tpu.memory_space<semaphore_mem>>)
      %dma_wait3A = arith.constant 0 : i32
      %dma_wait3A_63 = tpu.memref_slice %arg9[%add3A_14, %dma_wait3A] : memref<10240x128xf32, #tpu.memory_space<vmem_shared>> -> memref<128x128xf32, #tpu.memory_space<vmem_shared>>
      %dma_wait3A_64 = arith.constant 0 : i32
      %dma_wait3A_65 = tpu.memref_slice %arg9[%add3A_14, %dma_wait3A_64] : memref<10240x128xf32, #tpu.memory_space<vmem_shared>> -> memref<128x128xf32, #tpu.memory_space<vmem_shared>>
      tpu.wait_dma2 semaphore(%run_scoped3A : memref<!tpu.dma_semaphore, #tpu.memory_space<semaphore_mem>>) src(%arg7 : memref<128x128xf32, #tpu.memory_space<vmem>>) dst(%dma_wait3A_65 : memref<128x128xf32, #tpu.memory_space<vmem_shared>>)
      tpu.yield
    }) : () -> ()
    %add3A_15 = arith.constant 256 : i32
    %add3A_16 = arith.addi %mul3A_4, %add3A_15 : i32
    "tpu.region"() ({
      %run_scoped3A = tpu.sem_alloc : memref<!tpu.dma_semaphore, #tpu.memory_space<semaphore_mem>>
      %dma_start3A_59 = arith.constant 0 : i32
      %dma_start3A_60 = tpu.memref_slice %arg9[%add3A_16, %dma_start3A_59] : memref<10240x128xf32, #tpu.memory_space<vmem_shared>> -> memref<128x128xf32, #tpu.memory_space<vmem_shared>>
      %dma_start3A_61 = arith.constant 0 : i32
      %dma_start3A_62 = tpu.memref_slice %arg9[%add3A_16, %dma_start3A_61] : memref<10240x128xf32, #tpu.memory_space<vmem_shared>> -> memref<128x128xf32, #tpu.memory_space<vmem_shared>>
      tpu.enqueue_dma source(%arg7 : memref<128x128xf32, #tpu.memory_space<vmem>>) target(%dma_start3A_62 : memref<128x128xf32, #tpu.memory_space<vmem_shared>>) target_semaphore(%run_scoped3A : memref<!tpu.dma_semaphore, #tpu.memory_space<semaphore_mem>>)
      %dma_wait3A = arith.constant 0 : i32
      %dma_wait3A_63 = tpu.memref_slice %arg9[%add3A_16, %dma_wait3A] : memref<10240x128xf32, #tpu.memory_space<vmem_shared>> -> memref<128x128xf32, #tpu.memory_space<vmem_shared>>
      %dma_wait3A_64 = arith.constant 0 : i32
      %dma_wait3A_65 = tpu.memref_slice %arg9[%add3A_16, %dma_wait3A_64] : memref<10240x128xf32, #tpu.memory_space<vmem_shared>> -> memref<128x128xf32, #tpu.memory_space<vmem_shared>>
      tpu.wait_dma2 semaphore(%run_scoped3A : memref<!tpu.dma_semaphore, #tpu.memory_space<semaphore_mem>>) src(%arg7 : memref<128x128xf32, #tpu.memory_space<vmem>>) dst(%dma_wait3A_65 : memref<128x128xf32, #tpu.memory_space<vmem_shared>>)
      tpu.yield
    }) : () -> ()
    %add3A_17 = arith.constant 384 : i32
    %add3A_18 = arith.addi %mul3A_4, %add3A_17 : i32
    "tpu.region"() ({
      %run_scoped3A = tpu.sem_alloc : memref<!tpu.dma_semaphore, #tpu.memory_space<semaphore_mem>>
      %dma_start3A_59 = arith.constant 0 : i32
      %dma_start3A_60 = tpu.memref_slice %arg9[%add3A_18, %dma_start3A_59] : memref<10240x128xf32, #tpu.memory_space<vmem_shared>> -> memref<128x128xf32, #tpu.memory_space<vmem_shared>>
      %dma_start3A_61 = arith.constant 0 : i32
      %dma_start3A_62 = tpu.memref_slice %arg9[%add3A_18, %dma_start3A_61] : memref<10240x128xf32, #tpu.memory_space<vmem_shared>> -> memref<128x128xf32, #tpu.memory_space<vmem_shared>>
      tpu.enqueue_dma source(%arg7 : memref<128x128xf32, #tpu.memory_space<vmem>>) target(%dma_start3A_62 : memref<128x128xf32, #tpu.memory_space<vmem_shared>>) target_semaphore(%run_scoped3A : memref<!tpu.dma_semaphore, #tpu.memory_space<semaphore_mem>>)
      %dma_wait3A = arith.constant 0 : i32
      %dma_wait3A_63 = tpu.memref_slice %arg9[%add3A_18, %dma_wait3A] : memref<10240x128xf32, #tpu.memory_space<vmem_shared>> -> memref<128x128xf32, #tpu.memory_space<vmem_shared>>
      %dma_wait3A_64 = arith.constant 0 : i32
      %dma_wait3A_65 = tpu.memref_slice %arg9[%add3A_18, %dma_wait3A_64] : memref<10240x128xf32, #tpu.memory_space<vmem_shared>> -> memref<128x128xf32, #tpu.memory_space<vmem_shared>>
      tpu.wait_dma2 semaphore(%run_scoped3A : memref<!tpu.dma_semaphore, #tpu.memory_space<semaphore_mem>>) src(%arg7 : memref<128x128xf32, #tpu.memory_space<vmem>>) dst(%dma_wait3A_65 : memref<128x128xf32, #tpu.memory_space<vmem_shared>>)
      tpu.yield
    }) : () -> ()
    %add3A_19 = arith.constant 512 : i32
    %add3A_20 = arith.addi %mul3A_4, %add3A_19 : i32
    "tpu.region"() ({
      %run_scoped3A = tpu.sem_alloc : memref<!tpu.dma_semaphore, #tpu.memory_space<semaphore_mem>>
      %dma_start3A_59 = arith.constant 0 : i32
      %dma_start3A_60 = tpu.memref_slice %arg9[%add3A_20, %dma_start3A_59] : memref<10240x128xf32, #tpu.memory_space<vmem_shared>> -> memref<128x128xf32, #tpu.memory_space<vmem_shared>>
      %dma_start3A_61 = arith.constant 0 : i32
      %dma_start3A_62 = tpu.memref_slice %arg9[%add3A_20, %dma_start3A_61] : memref<10240x128xf32, #tpu.memory_space<vmem_shared>> -> memref<128x128xf32, #tpu.memory_space<vmem_shared>>
      tpu.enqueue_dma source(%arg7 : memref<128x128xf32, #tpu.memory_space<vmem>>) target(%dma_start3A_62 : memref<128x128xf32, #tpu.memory_space<vmem_shared>>) target_semaphore(%run_scoped3A : memref<!tpu.dma_semaphore, #tpu.memory_space<semaphore_mem>>)
      %dma_wait3A = arith.constant 0 : i32
      %dma_wait3A_63 = tpu.memref_slice %arg9[%add3A_20, %dma_wait3A] : memref<10240x128xf32, #tpu.memory_space<vmem_shared>> -> memref<128x128xf32, #tpu.memory_space<vmem_shared>>
      %dma_wait3A_64 = arith.constant 0 : i32
      %dma_wait3A_65 = tpu.memref_slice %arg9[%add3A_20, %dma_wait3A_64] : memref<10240x128xf32, #tpu.memory_space<vmem_shared>> -> memref<128x128xf32, #tpu.memory_space<vmem_shared>>
      tpu.wait_dma2 semaphore(%run_scoped3A : memref<!tpu.dma_semaphore, #tpu.memory_space<semaphore_mem>>) src(%arg7 : memref<128x128xf32, #tpu.memory_space<vmem>>) dst(%dma_wait3A_65 : memref<128x128xf32, #tpu.memory_space<vmem_shared>>)
      tpu.yield
    }) : () -> ()
    %barrier3A = arith.constant 0 : index
    tpu.barrier barrier_id(%barrier3A)
    %add3A_21 = arith.constant 0 : i32
    %add3A_22 = arith.addi %mul3A_2, %add3A_21 : i32
    "tpu.region"() ({
      %run_scoped3A = tpu.sem_alloc : memref<!tpu.dma_semaphore, #tpu.memory_space<semaphore_mem>>
      %dma_start3A_59 = arith.constant 0 : i32
      %dma_start3A_60 = arith.constant 0 : i32
      %dma_start3A_61 = tpu.memref_slice %arg3[%add3A_22, %dma_start3A_59, %dma_start3A_60] : memref<2560x2x128xi32, #tpu.memory_space<hbm>> -> memref<1x2x128xi32, #tpu.memory_space<hbm>>
      %dma_start3A_62 = tpu.memref_squeeze %dma_start3A_61 : memref<1x2x128xi32, #tpu.memory_space<hbm>> -> memref<2x128xi32, #tpu.memory_space<hbm>>
      %dma_start3A_63 = arith.constant 0 : i32
      %dma_start3A_64 = arith.constant 0 : i32
      %dma_start3A_65 = tpu.memref_slice %arg3[%add3A_22, %dma_start3A_63, %dma_start3A_64] : memref<2560x2x128xi32, #tpu.memory_space<hbm>> -> memref<1x2x128xi32, #tpu.memory_space<hbm>>
      %dma_start3A_66 = tpu.memref_squeeze %dma_start3A_65 : memref<1x2x128xi32, #tpu.memory_space<hbm>> -> memref<2x128xi32, #tpu.memory_space<hbm>>
      tpu.enqueue_dma source(%dma_start3A_66 : memref<2x128xi32, #tpu.memory_space<hbm>>) target(%arg5 : memref<2x128xi32, #tpu.memory_space<vmem>>) target_semaphore(%run_scoped3A : memref<!tpu.dma_semaphore, #tpu.memory_space<semaphore_mem>>)
      %dma_wait3A = arith.constant 0 : i32
      %dma_wait3A_67 = arith.constant 0 : i32
      %dma_wait3A_68 = tpu.memref_slice %arg3[%add3A_22, %dma_wait3A, %dma_wait3A_67] : memref<2560x2x128xi32, #tpu.memory_space<hbm>> -> memref<1x2x128xi32, #tpu.memory_space<hbm>>
      %dma_wait3A_69 = tpu.memref_squeeze %dma_wait3A_68 : memref<1x2x128xi32, #tpu.memory_space<hbm>> -> memref<2x128xi32, #tpu.memory_space<hbm>>
      %dma_wait3A_70 = arith.constant 0 : i32
      %dma_wait3A_71 = arith.constant 0 : i32
      %dma_wait3A_72 = tpu.memref_slice %arg3[%add3A_22, %dma_wait3A_70, %dma_wait3A_71] : memref<2560x2x128xi32, #tpu.memory_space<hbm>> -> memref<1x2x128xi32, #tpu.memory_space<hbm>>
      %dma_wait3A_73 = tpu.memref_squeeze %dma_wait3A_72 : memref<1x2x128xi32, #tpu.memory_space<hbm>> -> memref<2x128xi32, #tpu.memory_space<hbm>>
      tpu.wait_dma2 semaphore(%run_scoped3A : memref<!tpu.dma_semaphore, #tpu.memory_space<semaphore_mem>>) src(%dma_wait3A_73 : memref<2x128xi32, #tpu.memory_space<hbm>>) dst(%arg5 : memref<2x128xi32, #tpu.memory_space<vmem>>)
      tpu.yield
    }) : () -> ()
    %dma_start3A = arith.constant 0 : i32
    %dma_start3A_23 = arith.constant 0 : i32
    %dma_start3A_24 = tpu.memref_slice %arg5[%dma_start3A, %dma_start3A_23] : memref<2x128xi32, #tpu.memory_space<vmem>> -> memref<1x128xi32, #tpu.memory_space<vmem>>
    %dma_start3A_25 = tpu.memref_squeeze %dma_start3A_24 : memref<1x128xi32, #tpu.memory_space<vmem>> -> memref<128xi32, #tpu.memory_space<vmem>>
    %dma_start3A_26 = arith.constant 0 : i32
    %dma_start3A_27 = arith.constant 0 : i32
    %dma_start3A_28 = tpu.memref_slice %arg2[%dma_start3A_26, %dma_start3A_27] : memref<10000x128xf32, #tpu.memory_space<hbm>> -> memref<10000x128xf32, #tpu.memory_space<hbm>>
    tpu.enqueue_indirect_dma source(%dma_start3A_28 : memref<10000x128xf32, #tpu.memory_space<hbm>>) target(%arg7 : memref<128x128xf32, #tpu.memory_space<vmem>>) offsets(%dma_start3A_25 : memref<128xi32, #tpu.memory_space<vmem>>) semaphore(%arg10 : memref<!tpu.dma_semaphore, #tpu.memory_space<semaphore_mem>>)
    %scan3A_29 = arith.constant 0 : i32
    %scan3A_30 = arith.constant 0 : i32
    %scan3A_31 = arith.constant 40 : i32
    %scan3A_32 = arith.addi %scan3A_30, %scan3A_31 : i32
    %scan3A_33 = arith.constant 1 : i32
    scf.for %scan3A_59 = %scan3A_30 to %scan3A_32 step %scan3A_33  : i32 {
      %mul3A_60 = arith.constant 2 : i32
      %mul3A_61 = arith.muli %mul3A_60, %scan3A_59 : i32
      %add3A_62 = arith.constant 1 : i32
      %add3A_63 = arith.addi %mul3A_61, %add3A_62 : i32
      %add3A_64 = arith.addi %mul3A_2, %add3A_63 : i32
      "tpu.region"() ({
        %run_scoped3A_90 = tpu.sem_alloc : memref<!tpu.dma_semaphore, #tpu.memory_space<semaphore_mem>>
        %dma_start3A_91 = arith.constant 0 : i32
        %dma_start3A_92 = arith.constant 0 : i32
        %dma_start3A_93 = tpu.memref_slice %arg3[%add3A_64, %dma_start3A_91, %dma_start3A_92] : memref<2560x2x128xi32, #tpu.memory_space<hbm>> -> memref<1x2x128xi32, #tpu.memory_space<hbm>>
        %dma_start3A_94 = tpu.memref_squeeze %dma_start3A_93 : memref<1x2x128xi32, #tpu.memory_space<hbm>> -> memref<2x128xi32, #tpu.memory_space<hbm>>
        %dma_start3A_95 = arith.constant 0 : i32
        %dma_start3A_96 = arith.constant 0 : i32
        %dma_start3A_97 = tpu.memref_slice %arg3[%add3A_64, %dma_start3A_95, %dma_start3A_96] : memref<2560x2x128xi32, #tpu.memory_space<hbm>> -> memref<1x2x128xi32, #tpu.memory_space<hbm>>
        %dma_start3A_98 = tpu.memref_squeeze %dma_start3A_97 : memref<1x2x128xi32, #tpu.memory_space<hbm>> -> memref<2x128xi32, #tpu.memory_space<hbm>>
        tpu.enqueue_dma source(%dma_start3A_98 : memref<2x128xi32, #tpu.memory_space<hbm>>) target(%arg6 : memref<2x128xi32, #tpu.memory_space<vmem>>) target_semaphore(%run_scoped3A_90 : memref<!tpu.dma_semaphore, #tpu.memory_space<semaphore_mem>>)
        %dma_wait3A_99 = arith.constant 0 : i32
        %dma_wait3A_100 = arith.constant 0 : i32
        %dma_wait3A_101 = tpu.memref_slice %arg3[%add3A_64, %dma_wait3A_99, %dma_wait3A_100] : memref<2560x2x128xi32, #tpu.memory_space<hbm>> -> memref<1x2x128xi32, #tpu.memory_space<hbm>>
        %dma_wait3A_102 = tpu.memref_squeeze %dma_wait3A_101 : memref<1x2x128xi32, #tpu.memory_space<hbm>> -> memref<2x128xi32, #tpu.memory_space<hbm>>
        %dma_wait3A_103 = arith.constant 0 : i32
        %dma_wait3A_104 = arith.constant 0 : i32
        %dma_wait3A_105 = tpu.memref_slice %arg3[%add3A_64, %dma_wait3A_103, %dma_wait3A_104] : memref<2560x2x128xi32, #tpu.memory_space<hbm>> -> memref<1x2x128xi32, #tpu.memory_space<hbm>>
        %dma_wait3A_106 = tpu.memref_squeeze %dma_wait3A_105 : memref<1x2x128xi32, #tpu.memory_space<hbm>> -> memref<2x128xi32, #tpu.memory_space<hbm>>
        tpu.wait_dma2 semaphore(%run_scoped3A_90 : memref<!tpu.dma_semaphore, #tpu.memory_space<semaphore_mem>>) src(%dma_wait3A_106 : memref<2x128xi32, #tpu.memory_space<hbm>>) dst(%arg6 : memref<2x128xi32, #tpu.memory_space<vmem>>)
        tpu.yield
      }) : () -> ()
      %dma_start3A_65 = arith.constant 0 : i32
      %dma_start3A_66 = arith.constant 0 : i32
      %dma_start3A_67 = tpu.memref_slice %arg6[%dma_start3A_65, %dma_start3A_66] : memref<2x128xi32, #tpu.memory_space<vmem>> -> memref<1x128xi32, #tpu.memory_space<vmem>>
      %dma_start3A_68 = tpu.memref_squeeze %dma_start3A_67 : memref<1x128xi32, #tpu.memory_space<vmem>> -> memref<128xi32, #tpu.memory_space<vmem>>
      %dma_start3A_69 = arith.constant 0 : i32
      %dma_start3A_70 = arith.constant 0 : i32
      %dma_start3A_71 = tpu.memref_slice %arg2[%dma_start3A_69, %dma_start3A_70] : memref<10000x128xf32, #tpu.memory_space<hbm>> -> memref<10000x128xf32, #tpu.memory_space<hbm>>
      tpu.enqueue_indirect_dma source(%dma_start3A_71 : memref<10000x128xf32, #tpu.memory_space<hbm>>) target(%arg8 : memref<128x128xf32, #tpu.memory_space<vmem>>) offsets(%dma_start3A_68 : memref<128xi32, #tpu.memory_space<vmem>>) semaphore(%arg11 : memref<!tpu.dma_semaphore, #tpu.memory_space<semaphore_mem>>)
      %dma_wait3A = arith.constant 0 : i32
      %dma_wait3A_72 = arith.constant 0 : i32
      %dma_wait3A_73 = tpu.memref_slice %arg5[%dma_wait3A, %dma_wait3A_72] : memref<2x128xi32, #tpu.memory_space<vmem>> -> memref<1x128xi32, #tpu.memory_space<vmem>>
      %dma_wait3A_74 = tpu.memref_squeeze %dma_wait3A_73 : memref<1x128xi32, #tpu.memory_space<vmem>> -> memref<128xi32, #tpu.memory_space<vmem>>
      %dma_wait3A_75 = arith.constant 0 : i32
      %dma_wait3A_76 = arith.constant 0 : i32
      %dma_wait3A_77 = tpu.memref_slice %arg2[%dma_wait3A_75, %dma_wait3A_76] : memref<10000x128xf32, #tpu.memory_space<hbm>> -> memref<10000x128xf32, #tpu.memory_space<hbm>>
      tpu.wait_indirect_dma semaphore(%arg10 : memref<!tpu.dma_semaphore, #tpu.memory_space<semaphore_mem>>) src(%dma_wait3A_77 : memref<10000x128xf32, #tpu.memory_space<hbm>>) dst(%arg7 : memref<128x128xf32, #tpu.memory_space<vmem>>)
      %run_scoped3A = arith.constant 1 : i32
      "tpu.region"() ({
        %run_scoped3A_90 = tpu.sem_alloc : memref<!tpu.dma_semaphore, #tpu.memory_space<semaphore_mem>>
        %dma_start3A_91 = arith.constant 0 : i32
        %dma_start3A_92 = tpu.memref_slice %arg5[%run_scoped3A, %dma_start3A_91] : memref<2x128xi32, #tpu.memory_space<vmem>> -> memref<1x128xi32, #tpu.memory_space<vmem>>
        %dma_start3A_93 = tpu.memref_squeeze %dma_start3A_92 : memref<1x128xi32, #tpu.memory_space<vmem>> -> memref<128xi32, #tpu.memory_space<vmem>>
        %dma_start3A_94 = arith.constant 0 : i32
        %dma_start3A_95 = arith.constant 0 : i32
        %dma_start3A_96 = tpu.memref_slice %arg9[%dma_start3A_94, %dma_start3A_95] : memref<10240x128xf32, #tpu.memory_space<vmem_shared>> -> memref<10240x128xf32, #tpu.memory_space<vmem_shared>>
        tpu.enqueue_indirect_dma source(%arg7 : memref<128x128xf32, #tpu.memory_space<vmem>>) target(%dma_start3A_96 : memref<10240x128xf32, #tpu.memory_space<vmem_shared>>) offsets(%dma_start3A_93 : memref<128xi32, #tpu.memory_space<vmem>>) semaphore(%run_scoped3A_90 : memref<!tpu.dma_semaphore, #tpu.memory_space<semaphore_mem>>) {add = true}
        %dma_wait3A_97 = arith.constant 0 : i32
        %dma_wait3A_98 = tpu.memref_slice %arg5[%run_scoped3A, %dma_wait3A_97] : memref<2x128xi32, #tpu.memory_space<vmem>> -> memref<1x128xi32, #tpu.memory_space<vmem>>
        %dma_wait3A_99 = tpu.memref_squeeze %dma_wait3A_98 : memref<1x128xi32, #tpu.memory_space<vmem>> -> memref<128xi32, #tpu.memory_space<vmem>>
        %dma_wait3A_100 = arith.constant 0 : i32
        %dma_wait3A_101 = arith.constant 0 : i32
        %dma_wait3A_102 = tpu.memref_slice %arg9[%dma_wait3A_100, %dma_wait3A_101] : memref<10240x128xf32, #tpu.memory_space<vmem_shared>> -> memref<10240x128xf32, #tpu.memory_space<vmem_shared>>
        tpu.wait_indirect_dma semaphore(%run_scoped3A_90 : memref<!tpu.dma_semaphore, #tpu.memory_space<semaphore_mem>>) src(%arg7 : memref<128x128xf32, #tpu.memory_space<vmem>>) dst(%dma_wait3A_102 : memref<10240x128xf32, #tpu.memory_space<vmem_shared>>)
        tpu.yield
      }) : () -> ()
      %add3A_78 = arith.constant 1 : i32
      %add3A_79 = arith.addi %scan3A_59, %add3A_78 : i32
      %lt3A = arith.constant 40 : i32
      %lt3A_80 = arith.cmpi slt, %add3A_79, %lt3A : i32
      %convert_element_type3A = arith.extui %lt3A_80 : i1 to i32
      %cond3A = arith.constant 0 : i32
      %cond3A_81 = arith.cmpi ne, %convert_element_type3A, %cond3A : i32
      scf.if %cond3A_81 {
        %add3A_90 = arith.constant 2 : i32
        %add3A_91 = arith.addi %mul3A_61, %add3A_90 : i32
        %add3A_92 = arith.addi %mul3A_2, %add3A_91 : i32
        "tpu.region"() ({
          %run_scoped3A_100 = tpu.sem_alloc : memref<!tpu.dma_semaphore, #tpu.memory_space<semaphore_mem>>
          %dma_start3A_101 = arith.constant 0 : i32
          %dma_start3A_102 = arith.constant 0 : i32
          %dma_start3A_103 = tpu.memref_slice %arg3[%add3A_92, %dma_start3A_101, %dma_start3A_102] : memref<2560x2x128xi32, #tpu.memory_space<hbm>> -> memref<1x2x128xi32, #tpu.memory_space<hbm>>
          %dma_start3A_104 = tpu.memref_squeeze %dma_start3A_103 : memref<1x2x128xi32, #tpu.memory_space<hbm>> -> memref<2x128xi32, #tpu.memory_space<hbm>>
          %dma_start3A_105 = arith.constant 0 : i32
          %dma_start3A_106 = arith.constant 0 : i32
          %dma_start3A_107 = tpu.memref_slice %arg3[%add3A_92, %dma_start3A_105, %dma_start3A_106] : memref<2560x2x128xi32, #tpu.memory_space<hbm>> -> memref<1x2x128xi32, #tpu.memory_space<hbm>>
          %dma_start3A_108 = tpu.memref_squeeze %dma_start3A_107 : memref<1x2x128xi32, #tpu.memory_space<hbm>> -> memref<2x128xi32, #tpu.memory_space<hbm>>
          tpu.enqueue_dma source(%dma_start3A_108 : memref<2x128xi32, #tpu.memory_space<hbm>>) target(%arg5 : memref<2x128xi32, #tpu.memory_space<vmem>>) target_semaphore(%run_scoped3A_100 : memref<!tpu.dma_semaphore, #tpu.memory_space<semaphore_mem>>)
          %dma_wait3A_109 = arith.constant 0 : i32
          %dma_wait3A_110 = arith.constant 0 : i32
          %dma_wait3A_111 = tpu.memref_slice %arg3[%add3A_92, %dma_wait3A_109, %dma_wait3A_110] : memref<2560x2x128xi32, #tpu.memory_space<hbm>> -> memref<1x2x128xi32, #tpu.memory_space<hbm>>
          %dma_wait3A_112 = tpu.memref_squeeze %dma_wait3A_111 : memref<1x2x128xi32, #tpu.memory_space<hbm>> -> memref<2x128xi32, #tpu.memory_space<hbm>>
          %dma_wait3A_113 = arith.constant 0 : i32
          %dma_wait3A_114 = arith.constant 0 : i32
          %dma_wait3A_115 = tpu.memref_slice %arg3[%add3A_92, %dma_wait3A_113, %dma_wait3A_114] : memref<2560x2x128xi32, #tpu.memory_space<hbm>> -> memref<1x2x128xi32, #tpu.memory_space<hbm>>
          %dma_wait3A_116 = tpu.memref_squeeze %dma_wait3A_115 : memref<1x2x128xi32, #tpu.memory_space<hbm>> -> memref<2x128xi32, #tpu.memory_space<hbm>>
          tpu.wait_dma2 semaphore(%run_scoped3A_100 : memref<!tpu.dma_semaphore, #tpu.memory_space<semaphore_mem>>) src(%dma_wait3A_116 : memref<2x128xi32, #tpu.memory_space<hbm>>) dst(%arg5 : memref<2x128xi32, #tpu.memory_space<vmem>>)
          tpu.yield
        }) : () -> ()
        %dma_start3A_93 = arith.constant 0 : i32
        %dma_start3A_94 = arith.constant 0 : i32
        %dma_start3A_95 = tpu.memref_slice %arg5[%dma_start3A_93, %dma_start3A_94] : memref<2x128xi32, #tpu.memory_space<vmem>> -> memref<1x128xi32, #tpu.memory_space<vmem>>
        %dma_start3A_96 = tpu.memref_squeeze %dma_start3A_95 : memref<1x128xi32, #tpu.memory_space<vmem>> -> memref<128xi32, #tpu.memory_space<vmem>>
        %dma_start3A_97 = arith.constant 0 : i32
        %dma_start3A_98 = arith.constant 0 : i32
        %dma_start3A_99 = tpu.memref_slice %arg2[%dma_start3A_97, %dma_start3A_98] : memref<10000x128xf32, #tpu.memory_space<hbm>> -> memref<10000x128xf32, #tpu.memory_space<hbm>>
        tpu.enqueue_indirect_dma source(%dma_start3A_99 : memref<10000x128xf32, #tpu.memory_space<hbm>>) target(%arg7 : memref<128x128xf32, #tpu.memory_space<vmem>>) offsets(%dma_start3A_96 : memref<128xi32, #tpu.memory_space<vmem>>) semaphore(%arg10 : memref<!tpu.dma_semaphore, #tpu.memory_space<semaphore_mem>>)
      } else {
      }
      %dma_wait3A_82 = arith.constant 0 : i32
      %dma_wait3A_83 = arith.constant 0 : i32
      %dma_wait3A_84 = tpu.memref_slice %arg6[%dma_wait3A_82, %dma_wait3A_83] : memref<2x128xi32, #tpu.memory_space<vmem>> -> memref<1x128xi32, #tpu.memory_space<vmem>>
      %dma_wait3A_85 = tpu.memref_squeeze %dma_wait3A_84 : memref<1x128xi32, #tpu.memory_space<vmem>> -> memref<128xi32, #tpu.memory_space<vmem>>
      %dma_wait3A_86 = arith.constant 0 : i32
      %dma_wait3A_87 = arith.constant 0 : i32
      %dma_wait3A_88 = tpu.memref_slice %arg2[%dma_wait3A_86, %dma_wait3A_87] : memref<10000x128xf32, #tpu.memory_space<hbm>> -> memref<10000x128xf32, #tpu.memory_space<hbm>>
      tpu.wait_indirect_dma semaphore(%arg11 : memref<!tpu.dma_semaphore, #tpu.memory_space<semaphore_mem>>) src(%dma_wait3A_88 : memref<10000x128xf32, #tpu.memory_space<hbm>>) dst(%arg8 : memref<128x128xf32, #tpu.memory_space<vmem>>)
      %run_scoped3A_89 = arith.constant 1 : i32
      "tpu.region"() ({
        %run_scoped3A_90 = tpu.sem_alloc : memref<!tpu.dma_semaphore, #tpu.memory_space<semaphore_mem>>
        %dma_start3A_91 = arith.constant 0 : i32
        %dma_start3A_92 = tpu.memref_slice %arg6[%run_scoped3A_89, %dma_start3A_91] : memref<2x128xi32, #tpu.memory_space<vmem>> -> memref<1x128xi32, #tpu.memory_space<vmem>>
        %dma_start3A_93 = tpu.memref_squeeze %dma_start3A_92 : memref<1x128xi32, #tpu.memory_space<vmem>> -> memref<128xi32, #tpu.memory_space<vmem>>
        %dma_start3A_94 = arith.constant 0 : i32
        %dma_start3A_95 = arith.constant 0 : i32
        %dma_start3A_96 = tpu.memref_slice %arg9[%dma_start3A_94, %dma_start3A_95] : memref<10240x128xf32, #tpu.memory_space<vmem_shared>> -> memref<10240x128xf32, #tpu.memory_space<vmem_shared>>
        tpu.enqueue_indirect_dma source(%arg8 : memref<128x128xf32, #tpu.memory_space<vmem>>) target(%dma_start3A_96 : memref<10240x128xf32, #tpu.memory_space<vmem_shared>>) offsets(%dma_start3A_93 : memref<128xi32, #tpu.memory_space<vmem>>) semaphore(%run_scoped3A_90 : memref<!tpu.dma_semaphore, #tpu.memory_space<semaphore_mem>>) {add = true}
        %dma_wait3A_97 = arith.constant 0 : i32
        %dma_wait3A_98 = tpu.memref_slice %arg6[%run_scoped3A_89, %dma_wait3A_97] : memref<2x128xi32, #tpu.memory_space<vmem>> -> memref<1x128xi32, #tpu.memory_space<vmem>>
        %dma_wait3A_99 = tpu.memref_squeeze %dma_wait3A_98 : memref<1x128xi32, #tpu.memory_space<vmem>> -> memref<128xi32, #tpu.memory_space<vmem>>
        %dma_wait3A_100 = arith.constant 0 : i32
        %dma_wait3A_101 = arith.constant 0 : i32
        %dma_wait3A_102 = tpu.memref_slice %arg9[%dma_wait3A_100, %dma_wait3A_101] : memref<10240x128xf32, #tpu.memory_space<vmem_shared>> -> memref<10240x128xf32, #tpu.memory_space<vmem_shared>>
        tpu.wait_indirect_dma semaphore(%run_scoped3A_90 : memref<!tpu.dma_semaphore, #tpu.memory_space<semaphore_mem>>) src(%arg8 : memref<128x128xf32, #tpu.memory_space<vmem>>) dst(%dma_wait3A_102 : memref<10240x128xf32, #tpu.memory_space<vmem_shared>>)
        tpu.yield
      }) : () -> ()
    }
    %scan3A_34 = arith.constant 40 : i32
    %barrier3A_35 = arith.constant 0 : index
    tpu.barrier barrier_id(%barrier3A_35)
    %mul3A_36 = arith.constant 10240 : i32
    %mul3A_37 = arith.muli %arg0, %mul3A_36 : i32
    %add3A_38 = arith.addi %mul3A_37, %mul3A_4 : i32
    %add3A_39 = arith.constant 0 : i32
    %add3A_40 = arith.addi %mul3A_4, %add3A_39 : i32
    "tpu.region"() ({
      %run_scoped3A = tpu.sem_alloc : memref<!tpu.dma_semaphore, #tpu.memory_space<semaphore_mem>>
      %dma_start3A_59 = arith.constant 0 : i32
      %dma_start3A_60 = tpu.memref_slice %arg9[%add3A_40, %dma_start3A_59] : memref<10240x128xf32, #tpu.memory_space<vmem_shared>> -> memref<128x128xf32, #tpu.memory_space<vmem_shared>>
      %dma_start3A_61 = arith.constant 0 : i32
      %dma_start3A_62 = tpu.memref_slice %arg9[%add3A_40, %dma_start3A_61] : memref<10240x128xf32, #tpu.memory_space<vmem_shared>> -> memref<128x128xf32, #tpu.memory_space<vmem_shared>>
      tpu.enqueue_dma source(%dma_start3A_62 : memref<128x128xf32, #tpu.memory_space<vmem_shared>>) target(%arg7 : memref<128x128xf32, #tpu.memory_space<vmem>>) target_semaphore(%run_scoped3A : memref<!tpu.dma_semaphore, #tpu.memory_space<semaphore_mem>>)
      %dma_wait3A = arith.constant 0 : i32
      %dma_wait3A_63 = tpu.memref_slice %arg9[%add3A_40, %dma_wait3A] : memref<10240x128xf32, #tpu.memory_space<vmem_shared>> -> memref<128x128xf32, #tpu.memory_space<vmem_shared>>
      %dma_wait3A_64 = arith.constant 0 : i32
      %dma_wait3A_65 = tpu.memref_slice %arg9[%add3A_40, %dma_wait3A_64] : memref<10240x128xf32, #tpu.memory_space<vmem_shared>> -> memref<128x128xf32, #tpu.memory_space<vmem_shared>>
      tpu.wait_dma2 semaphore(%run_scoped3A : memref<!tpu.dma_semaphore, #tpu.memory_space<semaphore_mem>>) src(%dma_wait3A_65 : memref<128x128xf32, #tpu.memory_space<vmem_shared>>) dst(%arg7 : memref<128x128xf32, #tpu.memory_space<vmem>>)
      tpu.yield
    }) : () -> ()
    %add3A_41 = arith.constant 0 : i32
    %add3A_42 = arith.addi %add3A_38, %add3A_41 : i32
    "tpu.region"() ({
      %run_scoped3A = tpu.sem_alloc : memref<!tpu.dma_semaphore, #tpu.memory_space<semaphore_mem>>
      %dma_start3A_59 = arith.constant 0 : i32
      %dma_start3A_60 = tpu.memref_slice %arg4[%add3A_42, %dma_start3A_59] : memref<20480x128xf32, #tpu.memory_space<hbm>> -> memref<128x128xf32, #tpu.memory_space<hbm>>
      %dma_start3A_61 = arith.constant 0 : i32
      %dma_start3A_62 = tpu.memref_slice %arg4[%add3A_42, %dma_start3A_61] : memref<20480x128xf32, #tpu.memory_space<hbm>> -> memref<128x128xf32, #tpu.memory_space<hbm>>
      tpu.enqueue_dma source(%arg7 : memref<128x128xf32, #tpu.memory_space<vmem>>) target(%dma_start3A_62 : memref<128x128xf32, #tpu.memory_space<hbm>>) target_semaphore(%run_scoped3A : memref<!tpu.dma_semaphore, #tpu.memory_space<semaphore_mem>>)
      %dma_wait3A = arith.constant 0 : i32
      %dma_wait3A_63 = tpu.memref_slice %arg4[%add3A_42, %dma_wait3A] : memref<20480x128xf32, #tpu.memory_space<hbm>> -> memref<128x128xf32, #tpu.memory_space<hbm>>
      %dma_wait3A_64 = arith.constant 0 : i32
      %dma_wait3A_65 = tpu.memref_slice %arg4[%add3A_42, %dma_wait3A_64] : memref<20480x128xf32, #tpu.memory_space<hbm>> -> memref<128x128xf32, #tpu.memory_space<hbm>>
      tpu.wait_dma2 semaphore(%run_scoped3A : memref<!tpu.dma_semaphore, #tpu.memory_space<semaphore_mem>>) src(%arg7 : memref<128x128xf32, #tpu.memory_space<vmem>>) dst(%dma_wait3A_65 : memref<128x128xf32, #tpu.memory_space<hbm>>)
      tpu.yield
    }) : () -> ()
    %add3A_43 = arith.constant 128 : i32
    %add3A_44 = arith.addi %mul3A_4, %add3A_43 : i32
    "tpu.region"() ({
      %run_scoped3A = tpu.sem_alloc : memref<!tpu.dma_semaphore, #tpu.memory_space<semaphore_mem>>
      %dma_start3A_59 = arith.constant 0 : i32
      %dma_start3A_60 = tpu.memref_slice %arg9[%add3A_44, %dma_start3A_59] : memref<10240x128xf32, #tpu.memory_space<vmem_shared>> -> memref<128x128xf32, #tpu.memory_space<vmem_shared>>
      %dma_start3A_61 = arith.constant 0 : i32
      %dma_start3A_62 = tpu.memref_slice %arg9[%add3A_44, %dma_start3A_61] : memref<10240x128xf32, #tpu.memory_space<vmem_shared>> -> memref<128x128xf32, #tpu.memory_space<vmem_shared>>
      tpu.enqueue_dma source(%dma_start3A_62 : memref<128x128xf32, #tpu.memory_space<vmem_shared>>) target(%arg7 : memref<128x128xf32, #tpu.memory_space<vmem>>) target_semaphore(%run_scoped3A : memref<!tpu.dma_semaphore, #tpu.memory_space<semaphore_mem>>)
      %dma_wait3A = arith.constant 0 : i32
      %dma_wait3A_63 = tpu.memref_slice %arg9[%add3A_44, %dma_wait3A] : memref<10240x128xf32, #tpu.memory_space<vmem_shared>> -> memref<128x128xf32, #tpu.memory_space<vmem_shared>>
      %dma_wait3A_64 = arith.constant 0 : i32
      %dma_wait3A_65 = tpu.memref_slice %arg9[%add3A_44, %dma_wait3A_64] : memref<10240x128xf32, #tpu.memory_space<vmem_shared>> -> memref<128x128xf32, #tpu.memory_space<vmem_shared>>
      tpu.wait_dma2 semaphore(%run_scoped3A : memref<!tpu.dma_semaphore, #tpu.memory_space<semaphore_mem>>) src(%dma_wait3A_65 : memref<128x128xf32, #tpu.memory_space<vmem_shared>>) dst(%arg7 : memref<128x128xf32, #tpu.memory_space<vmem>>)
      tpu.yield
    }) : () -> ()
    %add3A_45 = arith.constant 128 : i32
    %add3A_46 = arith.addi %add3A_38, %add3A_45 : i32
    "tpu.region"() ({
      %run_scoped3A = tpu.sem_alloc : memref<!tpu.dma_semaphore, #tpu.memory_space<semaphore_mem>>
      %dma_start3A_59 = arith.constant 0 : i32
      %dma_start3A_60 = tpu.memref_slice %arg4[%add3A_46, %dma_start3A_59] : memref<20480x128xf32, #tpu.memory_space<hbm>> -> memref<128x128xf32, #tpu.memory_space<hbm>>
      %dma_start3A_61 = arith.constant 0 : i32
      %dma_start3A_62 = tpu.memref_slice %arg4[%add3A_46, %dma_start3A_61] : memref<20480x128xf32, #tpu.memory_space<hbm>> -> memref<128x128xf32, #tpu.memory_space<hbm>>
      tpu.enqueue_dma source(%arg7 : memref<128x128xf32, #tpu.memory_space<vmem>>) target(%dma_start3A_62 : memref<128x128xf32, #tpu.memory_space<hbm>>) target_semaphore(%run_scoped3A : memref<!tpu.dma_semaphore, #tpu.memory_space<semaphore_mem>>)
      %dma_wait3A = arith.constant 0 : i32
      %dma_wait3A_63 = tpu.memref_slice %arg4[%add3A_46, %dma_wait3A] : memref<20480x128xf32, #tpu.memory_space<hbm>> -> memref<128x128xf32, #tpu.memory_space<hbm>>
      %dma_wait3A_64 = arith.constant 0 : i32
      %dma_wait3A_65 = tpu.memref_slice %arg4[%add3A_46, %dma_wait3A_64] : memref<20480x128xf32, #tpu.memory_space<hbm>> -> memref<128x128xf32, #tpu.memory_space<hbm>>
      tpu.wait_dma2 semaphore(%run_scoped3A : memref<!tpu.dma_semaphore, #tpu.memory_space<semaphore_mem>>) src(%arg7 : memref<128x128xf32, #tpu.memory_space<vmem>>) dst(%dma_wait3A_65 : memref<128x128xf32, #tpu.memory_space<hbm>>)
      tpu.yield
    }) : () -> ()
    %add3A_47 = arith.constant 256 : i32
    %add3A_48 = arith.addi %mul3A_4, %add3A_47 : i32
    "tpu.region"() ({
      %run_scoped3A = tpu.sem_alloc : memref<!tpu.dma_semaphore, #tpu.memory_space<semaphore_mem>>
      %dma_start3A_59 = arith.constant 0 : i32
      %dma_start3A_60 = tpu.memref_slice %arg9[%add3A_48, %dma_start3A_59] : memref<10240x128xf32, #tpu.memory_space<vmem_shared>> -> memref<128x128xf32, #tpu.memory_space<vmem_shared>>
      %dma_start3A_61 = arith.constant 0 : i32
      %dma_start3A_62 = tpu.memref_slice %arg9[%add3A_48, %dma_start3A_61] : memref<10240x128xf32, #tpu.memory_space<vmem_shared>> -> memref<128x128xf32, #tpu.memory_space<vmem_shared>>
      tpu.enqueue_dma source(%dma_start3A_62 : memref<128x128xf32, #tpu.memory_space<vmem_shared>>) target(%arg7 : memref<128x128xf32, #tpu.memory_space<vmem>>) target_semaphore(%run_scoped3A : memref<!tpu.dma_semaphore, #tpu.memory_space<semaphore_mem>>)
      %dma_wait3A = arith.constant 0 : i32
      %dma_wait3A_63 = tpu.memref_slice %arg9[%add3A_48, %dma_wait3A] : memref<10240x128xf32, #tpu.memory_space<vmem_shared>> -> memref<128x128xf32, #tpu.memory_space<vmem_shared>>
      %dma_wait3A_64 = arith.constant 0 : i32
      %dma_wait3A_65 = tpu.memref_slice %arg9[%add3A_48, %dma_wait3A_64] : memref<10240x128xf32, #tpu.memory_space<vmem_shared>> -> memref<128x128xf32, #tpu.memory_space<vmem_shared>>
      tpu.wait_dma2 semaphore(%run_scoped3A : memref<!tpu.dma_semaphore, #tpu.memory_space<semaphore_mem>>) src(%dma_wait3A_65 : memref<128x128xf32, #tpu.memory_space<vmem_shared>>) dst(%arg7 : memref<128x128xf32, #tpu.memory_space<vmem>>)
      tpu.yield
    }) : () -> ()
    %add3A_49 = arith.constant 256 : i32
    %add3A_50 = arith.addi %add3A_38, %add3A_49 : i32
    "tpu.region"() ({
      %run_scoped3A = tpu.sem_alloc : memref<!tpu.dma_semaphore, #tpu.memory_space<semaphore_mem>>
      %dma_start3A_59 = arith.constant 0 : i32
      %dma_start3A_60 = tpu.memref_slice %arg4[%add3A_50, %dma_start3A_59] : memref<20480x128xf32, #tpu.memory_space<hbm>> -> memref<128x128xf32, #tpu.memory_space<hbm>>
      %dma_start3A_61 = arith.constant 0 : i32
      %dma_start3A_62 = tpu.memref_slice %arg4[%add3A_50, %dma_start3A_61] : memref<20480x128xf32, #tpu.memory_space<hbm>> -> memref<128x128xf32, #tpu.memory_space<hbm>>
      tpu.enqueue_dma source(%arg7 : memref<128x128xf32, #tpu.memory_space<vmem>>) target(%dma_start3A_62 : memref<128x128xf32, #tpu.memory_space<hbm>>) target_semaphore(%run_scoped3A : memref<!tpu.dma_semaphore, #tpu.memory_space<semaphore_mem>>)
      %dma_wait3A = arith.constant 0 : i32
      %dma_wait3A_63 = tpu.memref_slice %arg4[%add3A_50, %dma_wait3A] : memref<20480x128xf32, #tpu.memory_space<hbm>> -> memref<128x128xf32, #tpu.memory_space<hbm>>
      %dma_wait3A_64 = arith.constant 0 : i32
      %dma_wait3A_65 = tpu.memref_slice %arg4[%add3A_50, %dma_wait3A_64] : memref<20480x128xf32, #tpu.memory_space<hbm>> -> memref<128x128xf32, #tpu.memory_space<hbm>>
      tpu.wait_dma2 semaphore(%run_scoped3A : memref<!tpu.dma_semaphore, #tpu.memory_space<semaphore_mem>>) src(%arg7 : memref<128x128xf32, #tpu.memory_space<vmem>>) dst(%dma_wait3A_65 : memref<128x128xf32, #tpu.memory_space<hbm>>)
      tpu.yield
    }) : () -> ()
    %add3A_51 = arith.constant 384 : i32
    %add3A_52 = arith.addi %mul3A_4, %add3A_51 : i32
    "tpu.region"() ({
      %run_scoped3A = tpu.sem_alloc : memref<!tpu.dma_semaphore, #tpu.memory_space<semaphore_mem>>
      %dma_start3A_59 = arith.constant 0 : i32
      %dma_start3A_60 = tpu.memref_slice %arg9[%add3A_52, %dma_start3A_59] : memref<10240x128xf32, #tpu.memory_space<vmem_shared>> -> memref<128x128xf32, #tpu.memory_space<vmem_shared>>
      %dma_start3A_61 = arith.constant 0 : i32
      %dma_start3A_62 = tpu.memref_slice %arg9[%add3A_52, %dma_start3A_61] : memref<10240x128xf32, #tpu.memory_space<vmem_shared>> -> memref<128x128xf32, #tpu.memory_space<vmem_shared>>
      tpu.enqueue_dma source(%dma_start3A_62 : memref<128x128xf32, #tpu.memory_space<vmem_shared>>) target(%arg7 : memref<128x128xf32, #tpu.memory_space<vmem>>) target_semaphore(%run_scoped3A : memref<!tpu.dma_semaphore, #tpu.memory_space<semaphore_mem>>)
      %dma_wait3A = arith.constant 0 : i32
      %dma_wait3A_63 = tpu.memref_slice %arg9[%add3A_52, %dma_wait3A] : memref<10240x128xf32, #tpu.memory_space<vmem_shared>> -> memref<128x128xf32, #tpu.memory_space<vmem_shared>>
      %dma_wait3A_64 = arith.constant 0 : i32
      %dma_wait3A_65 = tpu.memref_slice %arg9[%add3A_52, %dma_wait3A_64] : memref<10240x128xf32, #tpu.memory_space<vmem_shared>> -> memref<128x128xf32, #tpu.memory_space<vmem_shared>>
      tpu.wait_dma2 semaphore(%run_scoped3A : memref<!tpu.dma_semaphore, #tpu.memory_space<semaphore_mem>>) src(%dma_wait3A_65 : memref<128x128xf32, #tpu.memory_space<vmem_shared>>) dst(%arg7 : memref<128x128xf32, #tpu.memory_space<vmem>>)
      tpu.yield
    }) : () -> ()
    %add3A_53 = arith.constant 384 : i32
    %add3A_54 = arith.addi %add3A_38, %add3A_53 : i32
    "tpu.region"() ({
      %run_scoped3A = tpu.sem_alloc : memref<!tpu.dma_semaphore, #tpu.memory_space<semaphore_mem>>
      %dma_start3A_59 = arith.constant 0 : i32
      %dma_start3A_60 = tpu.memref_slice %arg4[%add3A_54, %dma_start3A_59] : memref<20480x128xf32, #tpu.memory_space<hbm>> -> memref<128x128xf32, #tpu.memory_space<hbm>>
      %dma_start3A_61 = arith.constant 0 : i32
      %dma_start3A_62 = tpu.memref_slice %arg4[%add3A_54, %dma_start3A_61] : memref<20480x128xf32, #tpu.memory_space<hbm>> -> memref<128x128xf32, #tpu.memory_space<hbm>>
      tpu.enqueue_dma source(%arg7 : memref<128x128xf32, #tpu.memory_space<vmem>>) target(%dma_start3A_62 : memref<128x128xf32, #tpu.memory_space<hbm>>) target_semaphore(%run_scoped3A : memref<!tpu.dma_semaphore, #tpu.memory_space<semaphore_mem>>)
      %dma_wait3A = arith.constant 0 : i32
      %dma_wait3A_63 = tpu.memref_slice %arg4[%add3A_54, %dma_wait3A] : memref<20480x128xf32, #tpu.memory_space<hbm>> -> memref<128x128xf32, #tpu.memory_space<hbm>>
      %dma_wait3A_64 = arith.constant 0 : i32
      %dma_wait3A_65 = tpu.memref_slice %arg4[%add3A_54, %dma_wait3A_64] : memref<20480x128xf32, #tpu.memory_space<hbm>> -> memref<128x128xf32, #tpu.memory_space<hbm>>
      tpu.wait_dma2 semaphore(%run_scoped3A : memref<!tpu.dma_semaphore, #tpu.memory_space<semaphore_mem>>) src(%arg7 : memref<128x128xf32, #tpu.memory_space<vmem>>) dst(%dma_wait3A_65 : memref<128x128xf32, #tpu.memory_space<hbm>>)
      tpu.yield
    }) : () -> ()
    %add3A_55 = arith.constant 512 : i32
    %add3A_56 = arith.addi %mul3A_4, %add3A_55 : i32
    "tpu.region"() ({
      %run_scoped3A = tpu.sem_alloc : memref<!tpu.dma_semaphore, #tpu.memory_space<semaphore_mem>>
      %dma_start3A_59 = arith.constant 0 : i32
      %dma_start3A_60 = tpu.memref_slice %arg9[%add3A_56, %dma_start3A_59] : memref<10240x128xf32, #tpu.memory_space<vmem_shared>> -> memref<128x128xf32, #tpu.memory_space<vmem_shared>>
      %dma_start3A_61 = arith.constant 0 : i32
      %dma_start3A_62 = tpu.memref_slice %arg9[%add3A_56, %dma_start3A_61] : memref<10240x128xf32, #tpu.memory_space<vmem_shared>> -> memref<128x128xf32, #tpu.memory_space<vmem_shared>>
      tpu.enqueue_dma source(%dma_start3A_62 : memref<128x128xf32, #tpu.memory_space<vmem_shared>>) target(%arg7 : memref<128x128xf32, #tpu.memory_space<vmem>>) target_semaphore(%run_scoped3A : memref<!tpu.dma_semaphore, #tpu.memory_space<semaphore_mem>>)
      %dma_wait3A = arith.constant 0 : i32
      %dma_wait3A_63 = tpu.memref_slice %arg9[%add3A_56, %dma_wait3A] : memref<10240x128xf32, #tpu.memory_space<vmem_shared>> -> memref<128x128xf32, #tpu.memory_space<vmem_shared>>
      %dma_wait3A_64 = arith.constant 0 : i32
      %dma_wait3A_65 = tpu.memref_slice %arg9[%add3A_56, %dma_wait3A_64] : memref<10240x128xf32, #tpu.memory_space<vmem_shared>> -> memref<128x128xf32, #tpu.memory_space<vmem_shared>>
      tpu.wait_dma2 semaphore(%run_scoped3A : memref<!tpu.dma_semaphore, #tpu.memory_space<semaphore_mem>>) src(%dma_wait3A_65 : memref<128x128xf32, #tpu.memory_space<vmem_shared>>) dst(%arg7 : memref<128x128xf32, #tpu.memory_space<vmem>>)
      tpu.yield
    }) : () -> ()
    %add3A_57 = arith.constant 512 : i32
    %add3A_58 = arith.addi %add3A_38, %add3A_57 : i32
    "tpu.region"() ({
      %run_scoped3A = tpu.sem_alloc : memref<!tpu.dma_semaphore, #tpu.memory_space<semaphore_mem>>
      %dma_start3A_59 = arith.constant 0 : i32
      %dma_start3A_60 = tpu.memref_slice %arg4[%add3A_58, %dma_start3A_59] : memref<20480x128xf32, #tpu.memory_space<hbm>> -> memref<128x128xf32, #tpu.memory_space<hbm>>
      %dma_start3A_61 = arith.constant 0 : i32
      %dma_start3A_62 = tpu.memref_slice %arg4[%add3A_58, %dma_start3A_61] : memref<20480x128xf32, #tpu.memory_space<hbm>> -> memref<128x128xf32, #tpu.memory_space<hbm>>
      tpu.enqueue_dma source(%arg7 : memref<128x128xf32, #tpu.memory_space<vmem>>) target(%dma_start3A_62 : memref<128x128xf32, #tpu.memory_space<hbm>>) target_semaphore(%run_scoped3A : memref<!tpu.dma_semaphore, #tpu.memory_space<semaphore_mem>>)
      %dma_wait3A = arith.constant 0 : i32
      %dma_wait3A_63 = tpu.memref_slice %arg4[%add3A_58, %dma_wait3A] : memref<20480x128xf32, #tpu.memory_space<hbm>> -> memref<128x128xf32, #tpu.memory_space<hbm>>
      %dma_wait3A_64 = arith.constant 0 : i32
      %dma_wait3A_65 = tpu.memref_slice %arg4[%add3A_58, %dma_wait3A_64] : memref<20480x128xf32, #tpu.memory_space<hbm>> -> memref<128x128xf32, #tpu.memory_space<hbm>>
      tpu.wait_dma2 semaphore(%run_scoped3A : memref<!tpu.dma_semaphore, #tpu.memory_space<semaphore_mem>>) src(%arg7 : memref<128x128xf32, #tpu.memory_space<vmem>>) dst(%dma_wait3A_65 : memref<128x128xf32, #tpu.memory_space<hbm>>)
      tpu.yield
    }) : () -> ()
    return
  }
}

module attributes {stable_mosaic.version = 14 : i64} {
  func.func @_tc_pre_body(%arg0: memref<10000x128xf32, #tpu.memory_space<vmem>>, %arg1: memref<128x128xf32, #tpu.memory_space<vmem>>, %arg2: memref<128x128xf32, #tpu.memory_space<vmem>>, %arg3: memref<1x128xf32, #tpu.memory_space<vmem>>, %arg4: memref<1x128xf32, #tpu.memory_space<vmem>>, %arg5: memref<10000x128xf32, #tpu.memory_space<vmem>>, %arg6: memref<10000x128xf32, #tpu.memory_space<vmem>>) attributes {dimension_semantics = [], scalar_prefetch = 0 : i64, scratch_operands = 0 : i64, tpu.core_type = #tpu.core_type<tc>} {
    %get3A = arith.constant 0 : index
    %get3A_0 = arith.constant 0 : index
    %get3A_1 = vector.load %arg0[%get3A, %get3A_0] : memref<10000x128xf32, #tpu.memory_space<vmem>>, vector<10000x128xf32>
    %get3A_2 = arith.constant 0 : index
    %get3A_3 = arith.constant 0 : index
    %get3A_4 = vector.load %arg4[%get3A_2, %get3A_3] : memref<1x128xf32, #tpu.memory_space<vmem>>, vector<1x128xf32>
    %mul3A = arith.constant 0.000000e+00 : f32
    %mul3A_5 = vector.broadcast %mul3A : f32 to vector<1x128xf32>
    %mul3A_6 = arith.mulf %mul3A_5, %get3A_4 : vector<1x128xf32>
    %add3A = vector.broadcast %mul3A_6 : vector<1x128xf32> to vector<10000x128xf32>
    %add3A_7 = arith.addf %get3A_1, %add3A : vector<10000x128xf32>
    %get3A_8 = arith.constant 0 : index
    %get3A_9 = arith.constant 0 : index
    %get3A_10 = vector.load %arg1[%get3A_8, %get3A_9] : memref<128x128xf32, #tpu.memory_space<vmem>>, vector<128x128xf32>
    %dot_general3A = arith.constant dense<0.000000e+00> : vector<10000x128xf32>
    %dot_general3A_11 = tpu.matmul %add3A_7, %get3A_10, %dot_general3A {dimension_numbers = #tpu.dot_dimension_numbers<[1], [1], [0], [0], [0, 0, 1, 0], [], []>, transpose_lhs_hint = false} : vector<10000x128xf32>, vector<128x128xf32>, vector<10000x128xf32> -> vector<10000x128xf32>
    %swap3A = arith.constant 0 : index
    %swap3A_12 = arith.constant 0 : index
    %swap3A_13 = vector.load %arg5[%swap3A, %swap3A_12] : memref<10000x128xf32, #tpu.memory_space<vmem>>, vector<10000x128xf32>
    tpu.vector_store %arg5[%swap3A, %swap3A_12], %dot_general3A_11 {strides = array<i32>} : memref<10000x128xf32, #tpu.memory_space<vmem>>, vector<10000x128xf32>,
    %get3A_14 = arith.constant 0 : index
    %get3A_15 = arith.constant 0 : index
    %get3A_16 = vector.load %arg2[%get3A_14, %get3A_15] : memref<128x128xf32, #tpu.memory_space<vmem>>, vector<128x128xf32>
    %dot_general3A_17 = arith.constant dense<0.000000e+00> : vector<10000x128xf32>
    %dot_general3A_18 = tpu.matmul %add3A_7, %get3A_16, %dot_general3A_17 {dimension_numbers = #tpu.dot_dimension_numbers<[1], [1], [0], [0], [0, 0, 1, 0], [], []>, transpose_lhs_hint = false} : vector<10000x128xf32>, vector<128x128xf32>, vector<10000x128xf32> -> vector<10000x128xf32>
    %get3A_19 = arith.constant 0 : index
    %get3A_20 = arith.constant 0 : index
    %get3A_21 = vector.load %arg3[%get3A_19, %get3A_20] : memref<1x128xf32, #tpu.memory_space<vmem>>, vector<1x128xf32>
    %add3A_22 = vector.broadcast %get3A_21 : vector<1x128xf32> to vector<10000x128xf32>
    %add3A_23 = arith.addf %dot_general3A_18, %add3A_22 : vector<10000x128xf32>
    %swap3A_24 = arith.constant 0 : index
    %swap3A_25 = arith.constant 0 : index
    %swap3A_26 = vector.load %arg6[%swap3A_24, %swap3A_25] : memref<10000x128xf32, #tpu.memory_space<vmem>>, vector<10000x128xf32>
    tpu.vector_store %arg6[%swap3A_24, %swap3A_25], %add3A_23 {strides = array<i32>} : memref<10000x128xf32, #tpu.memory_space<vmem>>, vector<10000x128xf32>,
    return
  }
}

module attributes {stable_mosaic.version = 14 : i64} {
  func.func @_tc_mid_body(%arg0: memref<2x10000x128xf32, #tpu.memory_space<vmem>>, %arg1: memref<2x10000x128xf32, #tpu.memory_space<vmem>>, %arg2: memref<10000x128xf32, #tpu.memory_space<vmem>>, %arg3: memref<128x128xf32, #tpu.memory_space<vmem>>, %arg4: memref<128x128xf32, #tpu.memory_space<vmem>>, %arg5: memref<1x128xf32, #tpu.memory_space<vmem>>, %arg6: memref<10000x128xf32, #tpu.memory_space<vmem>>, %arg7: memref<10000x128xf32, #tpu.memory_space<vmem>>) attributes {dimension_semantics = [], scalar_prefetch = 0 : i64, scratch_operands = 0 : i64, tpu.core_type = #tpu.core_type<tc>} {
    %get3A = arith.constant 0 : index
    %get3A_0 = arith.constant 0 : index
    %get3A_1 = arith.constant 0 : index
    %get3A_2 = vector.load %arg0[%get3A, %get3A_0, %get3A_1] : memref<2x10000x128xf32, #tpu.memory_space<vmem>>, vector<1x10000x128xf32>
    %get3A_3 = vector.shape_cast %get3A_2 : vector<1x10000x128xf32> to vector<10000x128xf32>
    %get3A_4 = arith.constant 1 : index
    %get3A_5 = arith.constant 0 : index
    %get3A_6 = arith.constant 0 : index
    %get3A_7 = vector.load %arg0[%get3A_4, %get3A_5, %get3A_6] : memref<2x10000x128xf32, #tpu.memory_space<vmem>>, vector<1x10000x128xf32>
    %get3A_8 = vector.shape_cast %get3A_7 : vector<1x10000x128xf32> to vector<10000x128xf32>
    %add3A = arith.addf %get3A_3, %get3A_8 : vector<10000x128xf32>
    %get3A_9 = arith.constant 0 : index
    %get3A_10 = arith.constant 0 : index
    %get3A_11 = arith.constant 0 : index
    %get3A_12 = vector.load %arg1[%get3A_9, %get3A_10, %get3A_11] : memref<2x10000x128xf32, #tpu.memory_space<vmem>>, vector<1x10000x1xf32>
    %get3A_13 = vector.shape_cast %get3A_12 : vector<1x10000x1xf32> to vector<10000x1xf32>
    %get3A_14 = arith.constant 1 : index
    %get3A_15 = arith.constant 0 : index
    %get3A_16 = arith.constant 0 : index
    %get3A_17 = vector.load %arg1[%get3A_14, %get3A_15, %get3A_16] : memref<2x10000x128xf32, #tpu.memory_space<vmem>>, vector<1x10000x1xf32>
    %get3A_18 = vector.shape_cast %get3A_17 : vector<1x10000x1xf32> to vector<10000x1xf32>
    %add3A_19 = arith.addf %get3A_13, %get3A_18 : vector<10000x1xf32>
    %max3A = arith.constant 1.000000e+00 : f32
    %max3A_20 = vector.broadcast %max3A : f32 to vector<10000x1xf32>
    %max3A_21 = arith.maximumf %add3A_19, %max3A_20 : vector<10000x1xf32>
    %div3A = vector.broadcast %max3A_21 : vector<10000x1xf32> to vector<10000x128xf32>
    %div3A_22 = arith.divf %add3A, %div3A : vector<10000x128xf32>
    %get3A_23 = arith.constant 0 : index
    %get3A_24 = arith.constant 0 : index
    %get3A_25 = vector.load %arg2[%get3A_23, %get3A_24] : memref<10000x128xf32, #tpu.memory_space<vmem>>, vector<10000x128xf32>
    %add3A_26 = arith.addf %div3A_22, %get3A_25 : vector<10000x128xf32>
    %max3A_27 = arith.constant 0.000000e+00 : f32
    %max3A_28 = vector.broadcast %max3A_27 : f32 to vector<10000x128xf32>
    %max3A_29 = arith.maximumf %add3A_26, %max3A_28 : vector<10000x128xf32>
    %get3A_30 = arith.constant 0 : index
    %get3A_31 = arith.constant 0 : index
    %get3A_32 = vector.load %arg3[%get3A_30, %get3A_31] : memref<128x128xf32, #tpu.memory_space<vmem>>, vector<128x128xf32>
    %dot_general3A = arith.constant dense<0.000000e+00> : vector<10000x128xf32>
    %dot_general3A_33 = tpu.matmul %max3A_29, %get3A_32, %dot_general3A {dimension_numbers = #tpu.dot_dimension_numbers<[1], [1], [0], [0], [0, 0, 1, 0], [], []>, transpose_lhs_hint = false} : vector<10000x128xf32>, vector<128x128xf32>, vector<10000x128xf32> -> vector<10000x128xf32>
    %swap3A = arith.constant 0 : index
    %swap3A_34 = arith.constant 0 : index
    %swap3A_35 = vector.load %arg6[%swap3A, %swap3A_34] : memref<10000x128xf32, #tpu.memory_space<vmem>>, vector<10000x128xf32>
    tpu.vector_store %arg6[%swap3A, %swap3A_34], %dot_general3A_33 {strides = array<i32>} : memref<10000x128xf32, #tpu.memory_space<vmem>>, vector<10000x128xf32>,
    %get3A_36 = arith.constant 0 : index
    %get3A_37 = arith.constant 0 : index
    %get3A_38 = vector.load %arg4[%get3A_36, %get3A_37] : memref<128x128xf32, #tpu.memory_space<vmem>>, vector<128x128xf32>
    %dot_general3A_39 = arith.constant dense<0.000000e+00> : vector<10000x128xf32>
    %dot_general3A_40 = tpu.matmul %max3A_29, %get3A_38, %dot_general3A_39 {dimension_numbers = #tpu.dot_dimension_numbers<[1], [1], [0], [0], [0, 0, 1, 0], [], []>, transpose_lhs_hint = false} : vector<10000x128xf32>, vector<128x128xf32>, vector<10000x128xf32> -> vector<10000x128xf32>
    %get3A_41 = arith.constant 0 : index
    %get3A_42 = arith.constant 0 : index
    %get3A_43 = vector.load %arg5[%get3A_41, %get3A_42] : memref<1x128xf32, #tpu.memory_space<vmem>>, vector<1x128xf32>
    %add3A_44 = vector.broadcast %get3A_43 : vector<1x128xf32> to vector<10000x128xf32>
    %add3A_45 = arith.addf %dot_general3A_40, %add3A_44 : vector<10000x128xf32>
    %swap3A_46 = arith.constant 0 : index
    %swap3A_47 = arith.constant 0 : index
    %swap3A_48 = vector.load %arg7[%swap3A_46, %swap3A_47] : memref<10000x128xf32, #tpu.memory_space<vmem>>, vector<10000x128xf32>
    tpu.vector_store %arg7[%swap3A_46, %swap3A_47], %add3A_45 {strides = array<i32>} : memref<10000x128xf32, #tpu.memory_space<vmem>>, vector<10000x128xf32>,
    return
  }
}

module attributes {stable_mosaic.version = 14 : i64} {
  func.func @_tc_post_body(%arg0: memref<2x10000x128xf32, #tpu.memory_space<vmem>>, %arg1: memref<2x10000x128xf32, #tpu.memory_space<vmem>>, %arg2: memref<10000x128xf32, #tpu.memory_space<vmem>>, %arg3: memref<10000x128xf32, #tpu.memory_space<vmem>>) attributes {dimension_semantics = [], scalar_prefetch = 0 : i64, scratch_operands = 0 : i64, tpu.core_type = #tpu.core_type<tc>} {
    %get3A = arith.constant 0 : index
    %get3A_0 = arith.constant 0 : index
    %get3A_1 = arith.constant 0 : index
    %get3A_2 = vector.load %arg0[%get3A, %get3A_0, %get3A_1] : memref<2x10000x128xf32, #tpu.memory_space<vmem>>, vector<1x10000x128xf32>
    %get3A_3 = vector.shape_cast %get3A_2 : vector<1x10000x128xf32> to vector<10000x128xf32>
    %get3A_4 = arith.constant 1 : index
    %get3A_5 = arith.constant 0 : index
    %get3A_6 = arith.constant 0 : index
    %get3A_7 = vector.load %arg0[%get3A_4, %get3A_5, %get3A_6] : memref<2x10000x128xf32, #tpu.memory_space<vmem>>, vector<1x10000x128xf32>
    %get3A_8 = vector.shape_cast %get3A_7 : vector<1x10000x128xf32> to vector<10000x128xf32>
    %add3A = arith.addf %get3A_3, %get3A_8 : vector<10000x128xf32>
    %get3A_9 = arith.constant 0 : index
    %get3A_10 = arith.constant 0 : index
    %get3A_11 = arith.constant 0 : index
    %get3A_12 = vector.load %arg1[%get3A_9, %get3A_10, %get3A_11] : memref<2x10000x128xf32, #tpu.memory_space<vmem>>, vector<1x10000x1xf32>
    %get3A_13 = vector.shape_cast %get3A_12 : vector<1x10000x1xf32> to vector<10000x1xf32>
    %get3A_14 = arith.constant 1 : index
    %get3A_15 = arith.constant 0 : index
    %get3A_16 = arith.constant 0 : index
    %get3A_17 = vector.load %arg1[%get3A_14, %get3A_15, %get3A_16] : memref<2x10000x128xf32, #tpu.memory_space<vmem>>, vector<1x10000x1xf32>
    %get3A_18 = vector.shape_cast %get3A_17 : vector<1x10000x1xf32> to vector<10000x1xf32>
    %add3A_19 = arith.addf %get3A_13, %get3A_18 : vector<10000x1xf32>
    %max3A = arith.constant 1.000000e+00 : f32
    %max3A_20 = vector.broadcast %max3A : f32 to vector<10000x1xf32>
    %max3A_21 = arith.maximumf %add3A_19, %max3A_20 : vector<10000x1xf32>
    %div3A = vector.broadcast %max3A_21 : vector<10000x1xf32> to vector<10000x128xf32>
    %div3A_22 = arith.divf %add3A, %div3A : vector<10000x128xf32>
    %get3A_23 = arith.constant 0 : index
    %get3A_24 = arith.constant 0 : index
    %get3A_25 = vector.load %arg2[%get3A_23, %get3A_24] : memref<10000x128xf32, #tpu.memory_space<vmem>>, vector<10000x128xf32>
    %add3A_26 = arith.addf %div3A_22, %get3A_25 : vector<10000x128xf32>
    %swap3A = arith.constant 0 : index
    %swap3A_27 = arith.constant 0 : index
    %swap3A_28 = vector.load %arg3[%swap3A, %swap3A_27] : memref<10000x128xf32, #tpu.memory_space<vmem>>, vector<10000x128xf32>
    tpu.vector_store %arg3[%swap3A, %swap3A_27], %add3A_26 {strides = array<i32>} : memref<10000x128xf32, #tpu.memory_space<vmem>>, vector<10000x128xf32>,
    return
  }
}

</mosaic_0001>

<sc_bundles>
// kernel: kernel.11.cloned.1.call-start
scs
__scs_entry_jumppad:
0x0: {  	(pc) =	sbr.rel $0x88, $3  }
0x1: {  	(tag) =	ssettag $0x0;
	lr =	simm.s32 $0x1  }
0x2: {  	[smem:$0x3F99] =	sst lr;
	_ =	strace $0xD0000000  }
0x3: {  	_ = 	snop  }
0x4: {  	_ = 	snop  }
0x5: {  	_ = 	snop  }
0x6: {  	_ = 	snop  }
0x7: {  	_ = 	snop  }
__scs_overlays_trampoline_lowered:
0x8: {  	[smem:$0x3FA8] =	sst s0  }
0x9: {  	[smem:$0x3FA9] =	sst s1  }
0xa: {  	[smem:$0x3FAA] =	sst s2  }
0xb: {  	[smem:$0x3FAB] =	sst s3  }
0xc: {  	[smem:$0x3FAC] =	sst s4  }
0xd: {  	[smem:$0x3FAD] =	sst s5  }
0xe: {  	[smem:$0x3FAE] =	sst s6  }
0xf: {  	[smem:$0x3FAF] =	sst s7  }
0x10: {  	[smem:$0x3FB0] =	sst s8  }
0x11: {  	[smem:$0x3FB1] =	sst s9;
	s0 =	simm.s32 @!p0 $0x0  }
0x12: {  	s1 =	sld [smem:$0x3F97];
	s0 =	simm.s32 @p0 $0x1  }
0x13: {  	[smem:$0x3FB2] =	sst s0;
	s0 =	simm.s32 @!p1 $0x0  }
0x14: {  	s2 =	sld [smem:$0x3F96];
	s0 =	simm.s32 @p1 $0x1  }
0x15: {  	[smem:$0x3FB3] =	sst s0;
	s0 =	simm.s32 @!p2 $0x0  }
0x16: {  	s3 =	sld [smem:$0x3FDB];
	s0 =	simm.s32 @p2 $0x1  }
0x17: {  	s4 =	simm.s32 $0x1BF5;
	[smem:$0x3FB5] =	sst s0  }
0x18: {  	s0 =	sld [smem:$0x3F98];
	_ =	swait.ge [sflag:s4], $0x0  }
0x19: {  	s7 =	sld [smem:$0x3F99]  }
0x1a: {  	s8 =	sadd.s32 $0xFFFFE003, lr  }
0x1b: {  	s9 =	sadd.s32 $0xFFFFFEF7, lr;
	s5 =	simm.s32 $0xFFFFFFFF;
	p2 =	slt.u32 s8, $0xFFFFF086  }
0x1c: {  	p1 =	slt.u32 s9, $0xF7A;
	s5 =	simm.s32 @!p2 $0x0  }
0x1d: {  	s5 =	simm.s32 @p1 $0x1;
	p0 =	seq.s32 s7, s2  }
0x1e: {  	s7 =	smul.u32 @!p0 $0xF7A, s2;
	p2 =	seq.s32 @!p0 s5, $0x0  }
0x1f: {  	s9 =	smul.u32 $0xF7A, s1;
	s8 =	simm.s32 @!p0 $0x1BF5;
	p2 =	por !p2, p0  }
0x20: {  	[sflag:s8] =	ssyncset.s32 @!p0 $0xFFFFF086;
	s6 =	sadd.s32 @!p0 s3, s7;
	s7 =	simm.s32 @!p0 $0x108  }
0x21: {  	s3 =	sadd.s32 s3, s9;
	s6 =	sadd.s32 @!p0 $0x88, s6;
	s7 =	simm.s32 @p2 $0x1082  }
0x22: {  	[simem:s7], [sflag:s8] =	dma.local @!p0 [hbm:s6], $0xF7A  }
0x23: {  	s9 =	sor.u32 $0xD0000000, s2;
	s6 =	simm.s32 $0x108;
	_ =	swait.ge @!p0 [sflag:s8], $0x0  }
0x24: {  	s3 =	sadd.s32 $0x88, s3;
	s6 =	simm.s32 @!p1 $0x1082;
	[sflag:s4] =	ssyncset.s32 $0xFFFFF086  }
0x25: {  	[simem:s6], [sflag:s4] =	dma.local [hbm:s3], $0xF7A  }
0x26: {  	[smem:$0x3F99] =	sst s1;
	(tag) =	ssettag s2;
	_ =	strace s9  }
0x27: {  	s1 =	sld [smem:$0x3FA9]  }
0x28: {  	s2 =	sld [smem:$0x3FAA]  }
0x29: {  	s4 =	sld [smem:$0x3FAC]  }
0x2a: {  	p0 =	seq.s32 s5, $0x0;
	s5 =	sld [smem:$0x3FAD]  }
0x2b: {  	s6 =	sld [smem:$0x3FAE]  }
0x2c: {  	s7 =	sld [smem:$0x3FAF]  }
0x2d: {  	s3 =	simm.s32 $0x108;
	s8 =	sld [smem:$0x3FB0]  }
0x2e: {  	s3 =	simm.s32 @!p0 $0x1082;
	s9 =	sld [smem:$0x3FB1]  }
0x2f: {  	lr =	sadd.s32 s0, s3;
	s0 =	sld [smem:$0x3FA8]  }
0x30: {  	s3 =	sld [smem:$0x3FAB]  }
0x31: {  	[smem:$0x3FB4] =	sst s10  }
0x32: {  	s10 =	sld [smem:$0x3FB2];
	_ =	sdelay $0x3  }
0x33: {  	p0 =	seq.s32 s10, $0x1;
	s10 =	sld [smem:$0x3FB4];
	_ =	sdelay $0x3  }
0x34: {  	[smem:$0x3FB4] =	sst s10  }
0x35: {  	s10 =	sld [smem:$0x3FB3];
	_ =	sdelay $0x3  }
0x36: {  	p1 =	seq.s32 s10, $0x1;
	s10 =	sld [smem:$0x3FB4];
	_ =	sdelay $0x3  }
0x37: {  	[smem:$0x3FB4] =	sst s10  }
0x38: {  	s10 =	sld [smem:$0x3FB5]  }
0x39: {  	_ = 	snop;
	(pc) =	sbr.ind lr, $3  }
0x3a: {  	_ = 	snop  }
0x3b: {  	_ = 	snop  }
0x3c: {  	p2 =	seq.s32 s10, $0x1;
	s10 =	sld [smem:$0x3FB4]  }
0x3d: {  	_ =	shalt  }
0x3e: {  	_ =	shalt  }
0x3f: {  	_ =	shalt  }
0x40: {  	_ =	shalt  }
0x41: {  	_ =	shalt  }
0x42: {  	_ =	shalt  }
0x43: {  	_ =	shalt  }
0x44: {  	_ =	shalt  }
0x45: {  	_ =	shalt  }
0x46: {  	_ =	shalt  }
0x47: {  	_ =	shalt  }
0x48: {  	_ =	shalt  }
0x49: {  	_ =	shalt  }
0x4a: {  	_ =	shalt  }
0x4b: {  	_ =	shalt  }
0x4c: {  	_ =	shalt  }
0x4d: {  	_ =	shalt  }
0x4e: {  	_ =	shalt  }
0x4f: {  	_ =	shalt  }
0x50: {  	_ =	shalt  }
0x51: {  	_ =	shalt  }
0x52: {  	_ =	shalt  }
0x53: {  	_ =	shalt  }
0x54: {  	_ =	shalt  }
0x55: {  	_ =	shalt  }
0x56: {  	_ =	shalt  }
0x57: {  	_ =	shalt  }
0x58: {  	_ =	shalt  }
0x59: {  	_ =	shalt  }
0x5a: {  	_ =	shalt  }
0x5b: {  	_ =	shalt  }
0x5c: {  	_ =	shalt  }
0x5d: {  	_ =	shalt  }
0x5e: {  	_ =	shalt  }
0x5f: {  	_ =	shalt  }
0x60: {  	_ =	shalt  }
0x61: {  	_ =	shalt  }
0x62: {  	_ =	shalt  }
0x63: {  	_ =	shalt  }
0x64: {  	_ =	shalt  }
0x65: {  	_ =	shalt  }
0x66: {  	_ =	shalt  }
0x67: {  	_ =	shalt  }
0x68: {  	_ =	shalt  }
0x69: {  	_ =	shalt  }
0x6a: {  	_ =	shalt  }
0x6b: {  	_ =	shalt  }
0x6c: {  	_ =	shalt  }
0x6d: {  	_ =	shalt  }
0x6e: {  	_ =	shalt  }
0x6f: {  	_ =	shalt  }
0x70: {  	_ =	shalt  }
0x71: {  	_ =	shalt  }
0x72: {  	_ =	shalt  }
0x73: {  	_ =	shalt  }
0x74: {  	_ =	shalt  }
0x75: {  	_ =	shalt  }
0x76: {  	_ =	shalt  }
0x77: {  	_ =	shalt  }
0x78: {  	_ =	shalt  }
0x79: {  	_ =	shalt  }
0x7a: {  	_ =	shalt  }
0x7b: {  	_ =	shalt  }
0x7c: {  	_ =	shalt  }
0x7d: {  	_ =	shalt  }
0x7e: {  	_ =	shalt  }
0x7f: {  	_ =	shalt  }
0x80: {  	_ =	shalt  }
0x81: {  	_ =	shalt  }
0x82: {  	_ =	shalt  }
0x83: {  	_ =	shalt  }
0x84: {  	_ =	shalt  }
0x85: {  	_ =	shalt  }
0x86: {  	_ =	shalt  }
0x87: {  	_ =	shalt  }
.Lfunc_end0:
.L_simem_size_0:
called_computation.1_lowered:
.L_overlay_start_0:
0x88: {  	s2 =	sld [smem:$0x3FD9]  }
0x89: {  	s3 =	sld [smem:$0x3FFE];
	_ =	sdelay $0x1  }
0x8a: {  	s1 =	srdreg.scid  }
0x8b: {  	s0 =	sand.u32 $0x1, s1  }
0x8c: {  	s17 =	sshll.u32 s0, $0xA;
	s2 =	sadd.s32 s3, s2  }
0x8d: {  	s2 =	sadd.s32 s2, s17  }
0x8e: {  	[smem:$0x3FC0] =	sst s2  }
0x8f: {  	_ = 	snop  }
0x90: {  	s2 =	sld [smem:$0x3FD0];
	(tm) =	ssettm $0x1  }
0x91: {  	s18 =	sld [smem:$0x3FFB];
	_ =	sdelay $0x3  }
0x92: {  	_ =	strace s18  }
0x93: {  	s3 =	sld [smem:$0x3FFC];
	_ =	sdelay $0x3  }
0x94: {  	_ =	strace s3  }
0x95: {  	s3 =	sld [smem:$0x3FFD];
	_ =	sdelay $0x3  }
0x96: {  	_ =	strace s3  }
0x97: {  	_ =	strace $0x8FFFFFFF  }
0x98: {  	s19 =	sld [smem:$0x3FDB];
	_ =	sdelay $0x1  }
0x99: {  	s4 =	simm.s32 $_scs_section_size  }
0x9a: {  	s5 =	simm.s32 $_size__tile_overlayer_lowered;
	s6 =	simm.s32 $_tile_overlayer_lowered  }
0x9b: {  	s22 =	simm.s32 $0x1BFF;
	s21 =	sshll.u32 s6, $0x1;
	s3 =	sadd.s32 s4, s19  }
0x9c: {  	s7 =	simm.s32 $0x0;
	s20 =	sshll.u32 s5, $0x1;
	s5 =	sadd.s32 s21, s3  }
0x9d: {  	[timem:s7], [sflag:s22] =	dma.local [hbm:s5], s20  }
0x9e: {  	_ =	swait.ge [sflag:s22], s20  }
0x9f: {  	s4 =	ssub.s32 $0x0, s20;
	[sflag:s22] =	ssyncset.done $0x0  }
0xa0: {  	[sflag:s22] =	ssyncadd.s32 s4;
	_ =	sdelay $0x1  }
0xa1: {  	s23 =	simm.s32 $0x1B8B  }
0xa2: {  	_ =	swait.ge [sflag:s23], $0x1  }
0xa3: {  	[sflag:s23] =	ssyncset.done $0x0  }
0xa4: {  	s25 =	simm.s32 $0x1B8E;
	s24 =	sld [smem:$0x3FFE];
	[sflag:s23] =	ssyncadd.s32 $0xFFFFFFFF  }
0xa5: {  	s26 =	simm.s32 $execute0_lowered;
	[smem:$0x3FD2] =	sst s25  }
0xa6: {  	s5 =	sshll.u32 s26, $0x1;
	_ =	strace $0x80000049;
	[dreg:$0x1] =	wrdreg $0xFFFFFFFF  }
0xa7: {  	s28 =	simm.s32 $_size_execute0_lowered;
	s3 =	sadd.s32 s3, s5;
	[dreg:$0x0] =	wrdreg $0x0  }
0xa8: {  	s5 =	sshll.u32 s28, $0x1;
	[dreg:$0x2] =	wrdreg s3  }
0xa9: {  	[dreg:$0x3] =	wrdreg s5  }
0xaa: {  	[dreg:$0x4] =	wrdreg $0xC0  }
0xab: {  	_ =	task [dreg:s7], $0x5FFFF  }
0xac: {  	[dreg:$0x1] =	wrdreg $0xFFFFFFFF  }
0xad: {  	[dreg:$0x0] =	wrdreg $0x60  }
0xae: {  	[dreg:$0x2] =	wrdreg s2  }
0xaf: {  	[dreg:$0x3] =	wrdreg s24  }
0xb0: {  	[dreg:$0x4] =	wrdreg $0x82000  }
0xb1: {  	[dreg:$0x5] =	wrdreg $0x9  }
0xb2: {  	_ =	task.clear_ibuf [dreg:s7], $0x6FFFF;
	_ =	strace $0x90000049  }
0xb3: {  	s29 =	simm.s32 $0x9;
	_ =	strace $0x8000004B  }
0xb4: {  	_ =	swait.ge [sflag:s29], $0x1  }
0xb5: {  	[sflag:s29] =	ssyncadd.s32 $0xFFFFFFFF  }
0xb6: {  	_ =	strace $0x9000004B  }
0xb7: {  	_ =	sfence  }
0xb8: {  	s30 =	sld [smem:$0x0];
	_ =	sdelay $0x2  }
0xb9: {  	s31 =	sshll.u32 s1, $0xD;
	s1 =	sshrl.u32 s1, $0x2  }
0xba: {  	s3 =	sand.u32 $0x4000, s31;
	s1 =	sadd.s32 s1, s30  }
0xbb: {  	s0 =	sor.u32 s3, s0;
	s1 =	sshll.u32 s1, $0x11  }
0xbc: {  	s0 =	sor.u32 s1, s0  }
0xbd: {  	s0 =	sadd.s32 $0x8F2B, s0  }
0xbe: {  	[sflag:s0] =	ssyncadd.remote.s32 $0x1  }
0xbf: {  	_ =	sfence.sel $0xFFFF  }
0xc0: {  	[dreg:$0x0] =	wrdreg $0xFFFFFFFF;
	(pc) =	sbr.abs _section_cstart, $3  }
0xc1: {  	[dreg:$0x1] =	wrdreg $0xFFFFFFFF  }
0xc2: {  	_ =	task.clear_ibuf [dreg:s7], $0x2FFFF;
	_ =	strace $0x9FFFFFFF  }
0xc3: {  	(tm) =	ssettm $0x7FFFFFFF  }
tec
execute0_lowered:
.L_overlay_start_1:
0x0: {  	(tag) =	ssettag $0x1  }
0x1: {  	s1 =	rddreg [dreg:$0x0]  }
0x2: {  	s5 =	rddreg [dreg:$0x1];
	s2 =	srdreg.scid  }
0x3: {  	s0 =	stileid.u32;
	s3 =	rddreg [dreg:$0x2]  }
0x4: {  	s4 =	simm.s32 $0x0;
	s20 =	simm.s32 $0x200;
	s21 =	simm.s32 $0x3  }
0x5: {  	s22 =	simm.s32 $0x80;
	s23 =	simm.s32 $0x100;
	s6 =	smul.u32 $0x280, s0  }
0x6: {  	s28 =	simm.s32 $0x180;
	s29 =	simm.s32 $0x0;
	s9 =	smul.u32 $0x50000, s0  }
0x7: {  	s8 =	sand.u32 $0x1, s2;
	[smem:$0x7FF] =	sst s4;
	s13 =	smul.u32 $0xA0, s0  }
0x8: {  	s17 =	sadd.s32 $0x2C00, s5;
	s24 =	sshll.u32 s0, $0x1;
	s7 =	smul.u32 $0x2800, s8  }
0x9: {  	_ =	strace $0x8000004A;
	s25 =	ssub.s32 $0x2, s8;
	s26 =	sor.u32 s8, s24  }
0xa: {  	s14 =	smul.u32 $0x50, s8;
	s24 =	simm.s32 $0x4200;
	s30 =	sshrl.u32 s25, $0x1  }
0xb: {  	s9 =	sshrl.u32 s9, $0x2;
	s10 =	smul.u32 $0xA00, s26;
	s26 =	simm.s32 $0x2  }
0xc: {  	s6 =	sadd.s32 s6, s7;
	s16 =	ssub.s32 s25, s30;
	s18 =	sadd.s32 s14, s13  }
0xd: {  	s25 =	simm.s32 $0x1;
	s6 =	sshll.u32 s6, $0x4;
	s10 =	sadd.s32 s17, s10  }
0xe: {  	s18 =	sshll.u32 s18, $0x5;
	s16 =	smax.u32 s16, $0x1;
	s15 =	sadd.s32 s6, s5  }
0xf: {  	s5 =	sadd.s32 s9, s3;
	s19 =	sadd.s32 s18, s17;
	s17 =	sadd.s32 $0x9E0, s10  }
0x10: {  	s6 =	sadd.s32 $0x4000, s5;
	s7 =	sadd.s32 $0x8000, s5;
	s8 =	sadd.s32 $0xC000, s5  }
0x11: {  	s9 =	sadd.s32 $0x10000, s5;
	s31 =	sadd.s32 $0x66C00, s15;
	s12 =	sadd.s32 $0x67400, s15  }
0x12: {  	s13 =	sadd.s32 $0x67C00, s15;
	s14 =	sadd.s32 $0x68400, s15;
	s15 =	sadd.s32 $0x68C00, s15  }
0x13: {  	v0 =	vimm.f32 $0.0e+00;
	s18 =	sadd.s32 $0x40, s19;
	s19 =	sadd.s32 $0x20, s19;
	[dreg:$0x4] =	wrdreg s31  }
.LBB2_1:
0x14: {  	s30 =	simm.s32 $0x0;
	s31 =	simm.s32 $0x200  }
.LBB2_2:
0x15: {  	p0 =	sne.s32 s31, $0xFE00;
	[tilespmem:s30+$0x270] =	vst v0  }
0x16: {  	[tilespmem:s30+$0x200] =	vst v0  }
0x17: {  	[tilespmem:s30+$0x210] =	vst v0  }
.Ltmp0:
0x18: {  	[tilespmem:s30+$0x220] =	vst v0;
	(pc) =	sbr.rel @p0 .LBB2_2-.Ltmp0, $4  }
0x19: {  	[tilespmem:s30+$0x230] =	vst v0  }
0x1a: {  	[tilespmem:s30+$0x240] =	vst v0  }
0x1b: {  	[tilespmem:s30+$0x250] =	vst v0  }
0x1c: {  	[tilespmem:s30+$0x260] =	vst v0;
	s30 =	sshra.s32 s31, $0x2;
	s31 =	sadd.s32 $0x200, s31  }
0x1d: {  	[tilespmem:s30+$0x270] =	vst v0  }
0x1e: {  	[tilespmem:s30+$0x200] =	vst v0  }
0x1f: {  	[tilespmem:s30+$0x210] =	vst v0  }
0x20: {  	[tilespmem:s30+$0x220] =	vst v0  }
0x21: {  	[tilespmem:s30+$0x230] =	vst v0  }
0x22: {  	[tilespmem:s30+$0x240] =	vst v0  }
0x23: {  	[tilespmem:s30+$0x250] =	vst v0  }
0x24: {  	[tilespmem:s30+$0x260] =	vst v0  }
0x25: {  	[spmem:s5] =	stream.linear.scatter [tilespmem:s20], [sflag:$0x3], $0x4000, $0x38;
	[tilespmem:$0x1C200] =	vst v63  }
0x26: {  	_ =	swait.ge [sflag:s21], $0x4000  }
0x27: {  	[sflag:s21] =	ssyncset.done $0x0  }
0x28: {  	[sflag:s21] =	ssyncadd.s32 $0xFFFFC000  }
0x29: {  	[spmem:s6] =	stream.linear.scatter [tilespmem:s20], [sflag:$0x3], $0x4000, $0x38;
	[tilespmem:$0x1C200] =	vst v63  }
0x2a: {  	_ =	swait.ge [sflag:s21], $0x4000  }
0x2b: {  	[sflag:s21] =	ssyncset.done $0x0  }
0x2c: {  	[sflag:s21] =	ssyncadd.s32 $0xFFFFC000  }
0x2d: {  	[spmem:s7] =	stream.linear.scatter [tilespmem:s20], [sflag:$0x3], $0x4000, $0x38;
	[tilespmem:$0x1C200] =	vst v63  }
0x2e: {  	_ =	swait.ge [sflag:s21], $0x4000  }
0x2f: {  	[sflag:s21] =	ssyncset.done $0x0  }
0x30: {  	[sflag:s21] =	ssyncadd.s32 $0xFFFFC000  }
0x31: {  	[spmem:s8] =	stream.linear.scatter [tilespmem:s20], [sflag:$0x3], $0x4000, $0x38;
	[tilespmem:$0x1C200] =	vst v63  }
0x32: {  	_ =	swait.ge [sflag:s21], $0x4000  }
0x33: {  	[sflag:s21] =	ssyncset.done $0x0  }
0x34: {  	[sflag:s21] =	ssyncadd.s32 $0xFFFFC000  }
0x35: {  	[spmem:s9] =	stream.linear.scatter [tilespmem:s20], [sflag:$0x3], $0x4000, $0x38;
	[tilespmem:$0x1C200] =	vst v63  }
0x36: {  	_ =	swait.ge [sflag:s21], $0x4000  }
0x37: {  	[sflag:s21] =	ssyncset.done $0x0  }
0x38: {  	[sflag:s21] =	ssyncadd.s32 $0xFFFFC000  }
0x39: {  	s30 =	simm.s32 $0x0;
	[bflag:$0x0] =	sbarrier.arrive $0xFFFF  }
0x3a: {  	[tilespmem:s30], [sflag:$0x3] =	stream.linear.gather [hbm4b:s10+s30], $0x100, $0x38;
	[tilespmem:$0x1C200] =	vst v63  }
0x3b: {  	_ =	swait.ge [sflag:s21], $0x100  }
0x3c: {  	[sflag:s21] =	ssyncset.done $0x0  }
0x3d: {  	[sflag:s21] =	ssyncadd.s32 $0xFFFFFF00  }
0x3e: {  	[tilespmem:s20], [sflag:$0x1] =	stream.indirect.gather [hbm4b:s1+s22], $0x80, s30, s22, $0xb8;
	[tilespmem:$0x1C200] =	vst v63  }
0x3f: {  	s30 =	sadd.s32 $0x0, s19  }
0x40: {  	[tilespmem:s23], [sflag:$0x3] =	stream.linear.gather [hbm4b:s30+s4], $0x100, $0x38;
	[tilespmem:$0x1C200] =	vst v63  }
0x41: {  	_ =	swait.ge [sflag:s21], $0x100  }
0x42: {  	[sflag:s21] =	ssyncset.done $0x0  }
0x43: {  	[sflag:s21] =	ssyncadd.s32 $0xFFFFFF00  }
0x44: {  	[tilespmem:s24], [sflag:$0x2] =	stream.indirect.gather [hbm4b:s1+s22], $0x80, s23, s22, $0xb8;
	[tilespmem:$0x1C200] =	vst v63  }
0x45: {  	_ =	swait.ge [sflag:s25], $0x4000  }
0x46: {  	[sflag:s25] =	ssyncset.done $0x0  }
0x47: {  	[sflag:s25] =	ssyncadd.s32 $0xFFFFC000  }
0x48: {  	[spmem:s3] =	stream.indirect.scatter.add.f32 [tilespmem:s20], [sflag:$0x3], $0x80, s22, s22, $0xb8;
	[tilespmem:$0x1C200] =	vst v63  }
0x49: {  	_ =	swait.ge [sflag:s21], $0x4000  }
0x4a: {  	[sflag:s21] =	ssyncset.done $0x0  }
0x4b: {  	s30 =	sadd.s32 $0x0, s18;
	[sflag:s21] =	ssyncadd.s32 $0xFFFFC000  }
0x4c: {  	[tilespmem:s4], [sflag:$0x3] =	stream.linear.gather [hbm4b:s30+s4], $0x100, $0x38;
	[tilespmem:$0x1C200] =	vst v63  }
0x4d: {  	_ =	swait.ge [sflag:s21], $0x100  }
0x4e: {  	[sflag:s21] =	ssyncset.done $0x0  }
0x4f: {  	[sflag:s21] =	ssyncadd.s32 $0xFFFFFF00  }
0x50: {  	[tilespmem:s20], [sflag:$0x1] =	stream.indirect.gather [hbm4b:s1+s22], $0x80, s4, s22, $0xb8;
	[tilespmem:$0x1C200] =	vst v63  }
0x51: {  	_ =	swait.ge [sflag:s26], $0x4000  }
0x52: {  	[sflag:s26] =	ssyncset.done $0x0  }
0x53: {  	[sflag:s26] =	ssyncadd.s32 $0xFFFFC000  }
0x54: {  	[spmem:s3] =	stream.indirect.scatter.add.f32 [tilespmem:s24], [sflag:$0x3], $0x80, s28, s22, $0xb8;
	[tilespmem:$0x1C200] =	vst v63  }
0x55: {  	_ =	swait.ge [sflag:s21], $0x4000  }
0x56: {  	s31 =	simm.s32 $0x80;
	s30 =	simm.s32 $0x40;
	[sflag:s21] =	ssyncset.done $0x0  }
.LBB2_4:
0x57: {  	s2 =	sadd.s32 s30, s19  }
0x58: {  	[sflag:s21] =	ssyncadd.s32 $0xFFFFC000;
	s0 =	smov.u32 s31;
	s11 =	sadd.s32 $0x40, s31  }
0x59: {  	[tilespmem:s23], [sflag:$0x3] =	stream.linear.gather [hbm4b:s2+s4], $0x100, $0x38;
	[tilespmem:$0x1C200] =	vst v63  }
0x5a: {  	p0 =	sne.s32 s31, $0x980;
	_ =	swait.ge [sflag:s21], $0x100  }
0x5b: {  	[sflag:s21] =	ssyncset.done $0x0  }
0x5c: {  	[sflag:s21] =	ssyncadd.s32 $0xFFFFFF00  }
0x5d: {  	[tilespmem:s24], [sflag:$0x2] =	stream.indirect.gather [hbm4b:s1+s22], $0x80, s23, s22, $0xb8;
	[tilespmem:$0x1C200] =	vst v63  }
0x5e: {  	_ =	swait.ge [sflag:s25], $0x4000  }
0x5f: {  	[sflag:s25] =	ssyncset.done $0x0  }
0x60: {  	[sflag:s25] =	ssyncadd.s32 $0xFFFFC000  }
0x61: {  	[spmem:s3] =	stream.indirect.scatter.add.f32 [tilespmem:s20], [sflag:$0x3], $0x80, s22, s22, $0xb8;
	[tilespmem:$0x1C200] =	vst v63  }
0x62: {  	_ =	swait.ge [sflag:s21], $0x4000  }
0x63: {  	[sflag:s21] =	ssyncset.done $0x0  }
0x64: {  	s2 =	sadd.s32 s30, s18;
	s30 =	smov.u32 s0;
	[sflag:s21] =	ssyncadd.s32 $0xFFFFC000  }
0x65: {  	[tilespmem:s4], [sflag:$0x3] =	stream.linear.gather [hbm4b:s2+s4], $0x100, $0x38;
	[tilespmem:$0x1C200] =	vst v63  }
0x66: {  	_ =	swait.ge [sflag:s21], $0x100  }
0x67: {  	[sflag:s21] =	ssyncset.done $0x0  }
0x68: {  	[sflag:s21] =	ssyncadd.s32 $0xFFFFFF00  }
0x69: {  	[tilespmem:s20], [sflag:$0x1] =	stream.indirect.gather [hbm4b:s1+s22], $0x80, s4, s22, $0xb8;
	[tilespmem:$0x1C200] =	vst v63  }
0x6a: {  	_ =	swait.ge [sflag:s26], $0x4000  }
.Ltmp1:
0x6b: {  	[sflag:s26] =	ssyncset.done $0x0;
	(pc) =	sbr.rel @p0 .LBB2_4-.Ltmp1, $4  }
0x6c: {  	[sflag:s26] =	ssyncadd.s32 $0xFFFFC000  }
0x6d: {  	[spmem:s3] =	stream.indirect.scatter.add.f32 [tilespmem:s24], [sflag:$0x3], $0x80, s28, s22, $0xb8;
	[tilespmem:$0x1C200] =	vst v63  }
0x6e: {  	_ =	swait.ge [sflag:s21], $0x4000  }
0x6f: {  	s31 =	smov.u32 s11;
	[sflag:s21] =	ssyncset.done $0x0  }
0x70: {  	s0 =	sadd.s32 s30, s19;
	[sflag:s21] =	ssyncadd.s32 $0xFFFFC000  }
0x71: {  	[tilespmem:s23], [sflag:$0x3] =	stream.linear.gather [hbm4b:s0+s4], $0x100, $0x38;
	[tilespmem:$0x1C200] =	vst v63  }
0x72: {  	_ =	swait.ge [sflag:s21], $0x100  }
0x73: {  	[sflag:s21] =	ssyncset.done $0x0  }
0x74: {  	[sflag:s21] =	ssyncadd.s32 $0xFFFFFF00  }
0x75: {  	[tilespmem:s24], [sflag:$0x2] =	stream.indirect.gather [hbm4b:s1+s22], $0x80, s23, s22, $0xb8;
	[tilespmem:$0x1C200] =	vst v63  }
0x76: {  	_ =	swait.ge [sflag:s25], $0x4000  }
0x77: {  	[sflag:s25] =	ssyncset.done $0x0  }
0x78: {  	[sflag:s25] =	ssyncadd.s32 $0xFFFFC000  }
0x79: {  	[spmem:s3] =	stream.indirect.scatter.add.f32 [tilespmem:s20], [sflag:$0x3], $0x80, s22, s22, $0xb8;
	[tilespmem:$0x1C200] =	vst v63  }
0x7a: {  	_ =	swait.ge [sflag:s21], $0x4000  }
0x7b: {  	[sflag:s21] =	ssyncset.done $0x0  }
0x7c: {  	s30 =	sadd.s32 s30, s18;
	[sflag:s21] =	ssyncadd.s32 $0xFFFFC000  }
0x7d: {  	[tilespmem:s4], [sflag:$0x3] =	stream.linear.gather [hbm4b:s30+s4], $0x100, $0x38;
	[tilespmem:$0x1C200] =	vst v63  }
0x7e: {  	_ =	swait.ge [sflag:s21], $0x100  }
0x7f: {  	[sflag:s21] =	ssyncset.done $0x0  }
0x80: {  	[sflag:s21] =	ssyncadd.s32 $0xFFFFFF00  }
0x81: {  	[tilespmem:s20], [sflag:$0x1] =	stream.indirect.gather [hbm4b:s1+s22], $0x80, s4, s22, $0xb8;
	[tilespmem:$0x1C200] =	vst v63  }
0x82: {  	_ =	swait.ge [sflag:s26], $0x4000  }
0x83: {  	[sflag:s26] =	ssyncset.done $0x0  }
0x84: {  	[sflag:s26] =	ssyncadd.s32 $0xFFFFC000  }
0x85: {  	[spmem:s3] =	stream.indirect.scatter.add.f32 [tilespmem:s24], [sflag:$0x3], $0x80, s28, s22, $0xb8;
	[tilespmem:$0x1C200] =	vst v63  }
0x86: {  	_ =	swait.ge [sflag:s21], $0x4000  }
0x87: {  	[sflag:s21] =	ssyncset.done $0x0  }
0x88: {  	[sflag:s21] =	ssyncadd.s32 $0xFFFFC000  }
0x89: {  	[tilespmem:s23], [sflag:$0x3] =	stream.linear.gather [hbm4b:s17+s4], $0x100, $0x38;
	[tilespmem:$0x1C200] =	vst v63  }
0x8a: {  	_ =	swait.ge [sflag:s21], $0x100  }
0x8b: {  	[sflag:s21] =	ssyncset.done $0x0  }
0x8c: {  	[sflag:s21] =	ssyncadd.s32 $0xFFFFFF00  }
0x8d: {  	[tilespmem:s24], [sflag:$0x2] =	stream.indirect.gather [hbm4b:s1+s22], $0x80, s23, s22, $0xb8;
	[tilespmem:$0x1C200] =	vst v63  }
0x8e: {  	_ =	swait.ge [sflag:s25], $0x4000  }
0x8f: {  	[sflag:s25] =	ssyncset.done $0x0  }
0x90: {  	[sflag:s25] =	ssyncadd.s32 $0xFFFFC000  }
0x91: {  	[spmem:s3] =	stream.indirect.scatter.add.f32 [tilespmem:s20], [sflag:$0x3], $0x80, s22, s22, $0xb8;
	[tilespmem:$0x1C200] =	vst v63  }
0x92: {  	_ =	swait.ge [sflag:s21], $0x4000  }
0x93: {  	[sflag:s21] =	ssyncset.done $0x0  }
0x94: {  	[sflag:s21] =	ssyncadd.s32 $0xFFFFC000  }
0x95: {  	_ =	swait.ge [sflag:s26], $0x4000  }
0x96: {  	[sflag:s26] =	ssyncset.done $0x0  }
0x97: {  	[sflag:s26] =	ssyncadd.s32 $0xFFFFC000  }
0x98: {  	[spmem:s3] =	stream.indirect.scatter.add.f32 [tilespmem:s24], [sflag:$0x3], $0x80, s28, s22, $0xb8;
	[tilespmem:$0x1C200] =	vst v63  }
0x99: {  	_ =	swait.ge [sflag:s21], $0x4000  }
0x9a: {  	[sflag:s21] =	ssyncset.done $0x0  }
0x9b: {  	[sflag:s21] =	ssyncadd.s32 $0xFFFFC000  }
0x9c: {  	[bflag:$0x0] =	sbarrier.arrive $0xFFFF  }
0x9d: {  	[tilespmem:s20], [sflag:$0x3] =	stream.linear.gather [spmem:s5], $0x4000, $0x38;
	[tilespmem:$0x1C200] =	vst v63  }
0x9e: {  	_ =	swait.ge [sflag:s21], $0x4000  }
0x9f: {  	[sflag:s21] =	ssyncset.done $0x0  }
0xa0: {  	s31 =	rddreg [dreg:$0x4];
	[sflag:s21] =	ssyncadd.s32 $0xFFFFC000  }
0xa1: {  	[hbm4b:s31+s4] =	stream.linear.scatter [tilespmem:s20], [sflag:$0x3], $0x4000, $0x38;
	[tilespmem:$0x1C200] =	vst v63  }
0xa2: {  	_ =	swait.ge [sflag:s21], $0x4000  }
0xa3: {  	[sflag:s21] =	ssyncset.done $0x0  }
0xa4: {  	[sflag:s21] =	ssyncadd.s32 $0xFFFFC000  }
0xa5: {  	[tilespmem:s20], [sflag:$0x3] =	stream.linear.gather [spmem:s6], $0x4000, $0x38;
	[tilespmem:$0x1C200] =	vst v63  }
0xa6: {  	_ =	swait.ge [sflag:s21], $0x4000  }
0xa7: {  	[sflag:s21] =	ssyncset.done $0x0  }
0xa8: {  	[sflag:s21] =	ssyncadd.s32 $0xFFFFC000  }
0xa9: {  	[hbm4b:s12+s4] =	stream.linear.scatter [tilespmem:s20], [sflag:$0x3], $0x4000, $0x38;
	[tilespmem:$0x1C200] =	vst v63  }
0xaa: {  	_ =	swait.ge [sflag:s21], $0x4000  }
0xab: {  	[sflag:s21] =	ssyncset.done $0x0  }
0xac: {  	[sflag:s21] =	ssyncadd.s32 $0xFFFFC000  }
0xad: {  	[tilespmem:s20], [sflag:$0x3] =	stream.linear.gather [spmem:s7], $0x4000, $0x38;
	[tilespmem:$0x1C200] =	vst v63  }
0xae: {  	_ =	swait.ge [sflag:s21], $0x4000  }
0xaf: {  	[sflag:s21] =	ssyncset.done $0x0  }
0xb0: {  	[sflag:s21] =	ssyncadd.s32 $0xFFFFC000  }
0xb1: {  	[hbm4b:s13+s4] =	stream.linear.scatter [tilespmem:s20], [sflag:$0x3], $0x4000, $0x38;
	[tilespmem:$0x1C200] =	vst v63  }
0xb2: {  	_ =	swait.ge [sflag:s21], $0x4000  }
0xb3: {  	[sflag:s21] =	ssyncset.done $0x0  }
0xb4: {  	[sflag:s21] =	ssyncadd.s32 $0xFFFFC000  }
0xb5: {  	[tilespmem:s20], [sflag:$0x3] =	stream.linear.gather [spmem:s8], $0x4000, $0x38;
	[tilespmem:$0x1C200] =	vst v63  }
0xb6: {  	_ =	swait.ge [sflag:s21], $0x4000  }
0xb7: {  	[sflag:s21] =	ssyncset.done $0x0  }
0xb8: {  	[sflag:s21] =	ssyncadd.s32 $0xFFFFC000  }
0xb9: {  	[hbm4b:s14+s4] =	stream.linear.scatter [tilespmem:s20], [sflag:$0x3], $0x4000, $0x38;
	[tilespmem:$0x1C200] =	vst v63  }
0xba: {  	_ =	swait.ge [sflag:s21], $0x4000  }
0xbb: {  	[sflag:s21] =	ssyncset.done $0x0  }
0xbc: {  	[sflag:s21] =	ssyncadd.s32 $0xFFFFC000  }
0xbd: {  	[tilespmem:s20], [sflag:$0x3] =	stream.linear.gather [spmem:s9], $0x4000, $0x38;
	[tilespmem:$0x1C200] =	vst v63  }
0xbe: {  	s29 =	sadd.s32 $0x1, s29;
	_ =	swait.ge [sflag:s21], $0x4000  }
0xbf: {  	p0 =	sne.s32 s29, s16;
	[sflag:s21] =	ssyncset.done $0x0  }
.Ltmp2:
0xc0: {  	[sflag:s21] =	ssyncadd.s32 $0xFFFFC000;
	(pc) =	sbr.rel @p0 .LBB2_1-.Ltmp2, $4  }
0xc1: {  	[hbm4b:s15+s4] =	stream.linear.scatter [tilespmem:s20], [sflag:$0x3], $0x4000, $0x38;
	[tilespmem:$0x1C200] =	vst v63  }
0xc2: {  	_ =	swait.ge [sflag:s21], $0x4000  }
0xc3: {  	[sflag:s21] =	ssyncset.done $0x0  }
0xc4: {  	[sflag:s21] =	ssyncadd.s32 $0xFFFFC000  }
0xc5: {  	_ =	sfence.sel $0x180000  }
0xc6: {  	[bflag:$0x0] =	sbarrier.arrive $0xFFFF  }
0xc7: {  	_ =	strace $0x9000004A  }
0xc8: {  	s0 =	stileid.u32;
	[bflag:$0x2] =	sbarrier.arrive $0xFFFF  }
0xc9: {  	p0 =	sne.s32 s0, $0x0;
	s0 =	rddreg [dreg:$0x3]  }
0xca: {  	s0 =	sadd.s32 @!p0 $0x100000, s0  }
0xcb: {  	[sflag:s0] =	ssyncadd.tile.s32 @!p0 $0x1;
	_ =	shalt  }
.Lfunc_end2:
_tile_overlayer_lowered:
.L_overlay_start_2:
0xcc: {  	(tag) =	ssettag $0x2  }
0xcd: {  	s0 =	rddreg [dreg:$0x0];
	s2 =	stileid.u32  }
0xce: {  	s1 =	rddreg [dreg:$0x1];
	p0 =	sne.s32 s2, $0x0  }
0xcf: {  	s3 =	rddreg [dreg:$0x2];
	[bflag:$0x3] =	sbarrier.arrive $0xFFFF;
	s2 =	simm.s32 @!p0 $0x1C03  }
0xd0: {  	[timem:s3], [sflag:s2] =	dma.local @!p0 [hbm:s0], s1  }
0xd1: {  	s0 =	simm.s32 @!p0 $0x3  }
0xd2: {  	_ =	swait.ge @!p0 [sflag:s0], s1  }
0xd3: {  	s1 =	ssub.s32 @!p0 $0x0, s1;
	[sflag:s0] =	ssyncset.done @!p0 $0x0  }
0xd4: {  	[sflag:s0] =	ssyncadd.s32 @!p0 s1  }
0xd5: {  	[bflag:$0x3] =	sbarrier.arrive $0xFFFF  }
0xd6: {  	_ =	shalt  }

// kernel: kernel.14.cloned.1.call-start
scs
__scs_entry_jumppad:
0x0: {  	(pc) =	sbr.rel $0x88, $3  }
0x1: {  	(tag) =	ssettag $0x0;
	lr =	simm.s32 $0x1  }
0x2: {  	[smem:$0x3F99] =	sst lr;
	_ =	strace $0xD0000000  }
0x3: {  	_ = 	snop  }
0x4: {  	_ = 	snop  }
0x5: {  	_ = 	snop  }
0x6: {  	_ = 	snop  }
0x7: {  	_ = 	snop  }
__scs_overlays_trampoline_lowered:
0x8: {  	[smem:$0x3FA8] =	sst s0  }
0x9: {  	[smem:$0x3FA9] =	sst s1  }
0xa: {  	[smem:$0x3FAA] =	sst s2  }
0xb: {  	[smem:$0x3FAB] =	sst s3  }
0xc: {  	[smem:$0x3FAC] =	sst s4  }
0xd: {  	[smem:$0x3FAD] =	sst s5  }
0xe: {  	[smem:$0x3FAE] =	sst s6  }
0xf: {  	[smem:$0x3FAF] =	sst s7  }
0x10: {  	[smem:$0x3FB0] =	sst s8  }
0x11: {  	[smem:$0x3FB1] =	sst s9;
	s0 =	simm.s32 @!p0 $0x0  }
0x12: {  	s1 =	sld [smem:$0x3F97];
	s0 =	simm.s32 @p0 $0x1  }
0x13: {  	[smem:$0x3FB2] =	sst s0;
	s0 =	simm.s32 @!p1 $0x0  }
0x14: {  	s2 =	sld [smem:$0x3F96];
	s0 =	simm.s32 @p1 $0x1  }
0x15: {  	[smem:$0x3FB3] =	sst s0;
	s0 =	simm.s32 @!p2 $0x0  }
0x16: {  	s3 =	sld [smem:$0x3FDB];
	s0 =	simm.s32 @p2 $0x1  }
0x17: {  	s4 =	simm.s32 $0x1BF5;
	[smem:$0x3FB5] =	sst s0  }
0x18: {  	s0 =	sld [smem:$0x3F98];
	_ =	swait.ge [sflag:s4], $0x0  }
0x19: {  	s7 =	sld [smem:$0x3F99]  }
0x1a: {  	s8 =	sadd.s32 $0xFFFFE003, lr  }
0x1b: {  	s9 =	sadd.s32 $0xFFFFFEF7, lr;
	s5 =	simm.s32 $0xFFFFFFFF;
	p2 =	slt.u32 s8, $0xFFFFF086  }
0x1c: {  	p1 =	slt.u32 s9, $0xF7A;
	s5 =	simm.s32 @!p2 $0x0  }
0x1d: {  	s5 =	simm.s32 @p1 $0x1;
	p0 =	seq.s32 s7, s2  }
0x1e: {  	s7 =	smul.u32 @!p0 $0xF7A, s2;
	p2 =	seq.s32 @!p0 s5, $0x0  }
0x1f: {  	s9 =	smul.u32 $0xF7A, s1;
	s8 =	simm.s32 @!p0 $0x1BF5;
	p2 =	por !p2, p0  }
0x20: {  	[sflag:s8] =	ssyncset.s32 @!p0 $0xFFFFF086;
	s6 =	sadd.s32 @!p0 s3, s7;
	s7 =	simm.s32 @!p0 $0x108  }
0x21: {  	s3 =	sadd.s32 s3, s9;
	s6 =	sadd.s32 @!p0 $0x88, s6;
	s7 =	simm.s32 @p2 $0x1082  }
0x22: {  	[simem:s7], [sflag:s8] =	dma.local @!p0 [hbm:s6], $0xF7A  }
0x23: {  	s9 =	sor.u32 $0xD0000000, s2;
	s6 =	simm.s32 $0x108;
	_ =	swait.ge @!p0 [sflag:s8], $0x0  }
0x24: {  	s3 =	sadd.s32 $0x88, s3;
	s6 =	simm.s32 @!p1 $0x1082;
	[sflag:s4] =	ssyncset.s32 $0xFFFFF086  }
0x25: {  	[simem:s6], [sflag:s4] =	dma.local [hbm:s3], $0xF7A  }
0x26: {  	[smem:$0x3F99] =	sst s1;
	(tag) =	ssettag s2;
	_ =	strace s9  }
0x27: {  	s1 =	sld [smem:$0x3FA9]  }
0x28: {  	s2 =	sld [smem:$0x3FAA]  }
0x29: {  	s4 =	sld [smem:$0x3FAC]  }
0x2a: {  	p0 =	seq.s32 s5, $0x0;
	s5 =	sld [smem:$0x3FAD]  }
0x2b: {  	s6 =	sld [smem:$0x3FAE]  }
0x2c: {  	s7 =	sld [smem:$0x3FAF]  }
0x2d: {  	s3 =	simm.s32 $0x108;
	s8 =	sld [smem:$0x3FB0]  }
0x2e: {  	s3 =	simm.s32 @!p0 $0x1082;
	s9 =	sld [smem:$0x3FB1]  }
0x2f: {  	lr =	sadd.s32 s0, s3;
	s0 =	sld [smem:$0x3FA8]  }
0x30: {  	s3 =	sld [smem:$0x3FAB]  }
0x31: {  	[smem:$0x3FB4] =	sst s10  }
0x32: {  	s10 =	sld [smem:$0x3FB2];
	_ =	sdelay $0x3  }
0x33: {  	p0 =	seq.s32 s10, $0x1;
	s10 =	sld [smem:$0x3FB4];
	_ =	sdelay $0x3  }
0x34: {  	[smem:$0x3FB4] =	sst s10  }
0x35: {  	s10 =	sld [smem:$0x3FB3];
	_ =	sdelay $0x3  }
0x36: {  	p1 =	seq.s32 s10, $0x1;
	s10 =	sld [smem:$0x3FB4];
	_ =	sdelay $0x3  }
0x37: {  	[smem:$0x3FB4] =	sst s10  }
0x38: {  	s10 =	sld [smem:$0x3FB5]  }
0x39: {  	_ = 	snop;
	(pc) =	sbr.ind lr, $3  }
0x3a: {  	_ = 	snop  }
0x3b: {  	_ = 	snop  }
0x3c: {  	p2 =	seq.s32 s10, $0x1;
	s10 =	sld [smem:$0x3FB4]  }
0x3d: {  	_ =	shalt  }
0x3e: {  	_ =	shalt  }
0x3f: {  	_ =	shalt  }
0x40: {  	_ =	shalt  }
0x41: {  	_ =	shalt  }
0x42: {  	_ =	shalt  }
0x43: {  	_ =	shalt  }
0x44: {  	_ =	shalt  }
0x45: {  	_ =	shalt  }
0x46: {  	_ =	shalt  }
0x47: {  	_ =	shalt  }
0x48: {  	_ =	shalt  }
0x49: {  	_ =	shalt  }
0x4a: {  	_ =	shalt  }
0x4b: {  	_ =	shalt  }
0x4c: {  	_ =	shalt  }
0x4d: {  	_ =	shalt  }
0x4e: {  	_ =	shalt  }
0x4f: {  	_ =	shalt  }
0x50: {  	_ =	shalt  }
0x51: {  	_ =	shalt  }
0x52: {  	_ =	shalt  }
0x53: {  	_ =	shalt  }
0x54: {  	_ =	shalt  }
0x55: {  	_ =	shalt  }
0x56: {  	_ =	shalt  }
0x57: {  	_ =	shalt  }
0x58: {  	_ =	shalt  }
0x59: {  	_ =	shalt  }
0x5a: {  	_ =	shalt  }
0x5b: {  	_ =	shalt  }
0x5c: {  	_ =	shalt  }
0x5d: {  	_ =	shalt  }
0x5e: {  	_ =	shalt  }
0x5f: {  	_ =	shalt  }
0x60: {  	_ =	shalt  }
0x61: {  	_ =	shalt  }
0x62: {  	_ =	shalt  }
0x63: {  	_ =	shalt  }
0x64: {  	_ =	shalt  }
0x65: {  	_ =	shalt  }
0x66: {  	_ =	shalt  }
0x67: {  	_ =	shalt  }
0x68: {  	_ =	shalt  }
0x69: {  	_ =	shalt  }
0x6a: {  	_ =	shalt  }
0x6b: {  	_ =	shalt  }
0x6c: {  	_ =	shalt  }
0x6d: {  	_ =	shalt  }
0x6e: {  	_ =	shalt  }
0x6f: {  	_ =	shalt  }
0x70: {  	_ =	shalt  }
0x71: {  	_ =	shalt  }
0x72: {  	_ =	shalt  }
0x73: {  	_ =	shalt  }
0x74: {  	_ =	shalt  }
0x75: {  	_ =	shalt  }
0x76: {  	_ =	shalt  }
0x77: {  	_ =	shalt  }
0x78: {  	_ =	shalt  }
0x79: {  	_ =	shalt  }
0x7a: {  	_ =	shalt  }
0x7b: {  	_ =	shalt  }
0x7c: {  	_ =	shalt  }
0x7d: {  	_ =	shalt  }
0x7e: {  	_ =	shalt  }
0x7f: {  	_ =	shalt  }
0x80: {  	_ =	shalt  }
0x81: {  	_ =	shalt  }
0x82: {  	_ =	shalt  }
0x83: {  	_ =	shalt  }
0x84: {  	_ =	shalt  }
0x85: {  	_ =	shalt  }
0x86: {  	_ =	shalt  }
0x87: {  	_ =	shalt  }
.Lfunc_end0:
.L_simem_size_0:
called_computation.2_lowered:
.L_overlay_start_0:
0x88: {  	s2 =	sld [smem:$0x3FD9]  }
0x89: {  	s3 =	sld [smem:$0x3FFE];
	_ =	sdelay $0x1  }
0x8a: {  	s1 =	srdreg.scid  }
0x8b: {  	s0 =	sand.u32 $0x1, s1  }
0x8c: {  	s17 =	sshll.u32 s0, $0xA;
	s2 =	sadd.s32 s3, s2  }
0x8d: {  	s2 =	sadd.s32 s2, s17  }
0x8e: {  	[smem:$0x3FC0] =	sst s2  }
0x8f: {  	_ = 	snop  }
0x90: {  	s2 =	sld [smem:$0x3FD0];
	(tm) =	ssettm $0x1  }
0x91: {  	s18 =	sld [smem:$0x3FFB];
	_ =	sdelay $0x3  }
0x92: {  	_ =	strace s18  }
0x93: {  	s3 =	sld [smem:$0x3FFC];
	_ =	sdelay $0x3  }
0x94: {  	_ =	strace s3  }
0x95: {  	s3 =	sld [smem:$0x3FFD];
	_ =	sdelay $0x3  }
0x96: {  	_ =	strace s3  }
0x97: {  	_ =	strace $0x8FFFFFFF  }
0x98: {  	s19 =	sld [smem:$0x3FDB];
	_ =	sdelay $0x1  }
0x99: {  	s4 =	simm.s32 $_scs_section_size  }
0x9a: {  	s5 =	simm.s32 $_size__tile_overlayer_lowered;
	s6 =	simm.s32 $_tile_overlayer_lowered  }
0x9b: {  	s22 =	simm.s32 $0x1BFF;
	s21 =	sshll.u32 s6, $0x1;
	s3 =	sadd.s32 s4, s19  }
0x9c: {  	s7 =	simm.s32 $0x0;
	s20 =	sshll.u32 s5, $0x1;
	s5 =	sadd.s32 s21, s3  }
0x9d: {  	[timem:s7], [sflag:s22] =	dma.local [hbm:s5], s20  }
0x9e: {  	_ =	swait.ge [sflag:s22], s20  }
0x9f: {  	s4 =	ssub.s32 $0x0, s20;
	[sflag:s22] =	ssyncset.done $0x0  }
0xa0: {  	[sflag:s22] =	ssyncadd.s32 s4;
	_ =	sdelay $0x1  }
0xa1: {  	s23 =	simm.s32 $0x1B8B  }
0xa2: {  	_ =	swait.ge [sflag:s23], $0x1  }
0xa3: {  	[sflag:s23] =	ssyncset.done $0x0  }
0xa4: {  	s25 =	simm.s32 $0x1B8E;
	s24 =	sld [smem:$0x3FFE];
	[sflag:s23] =	ssyncadd.s32 $0xFFFFFFFF  }
0xa5: {  	s26 =	simm.s32 $execute0_lowered;
	[smem:$0x3FD2] =	sst s25  }
0xa6: {  	s5 =	sshll.u32 s26, $0x1;
	_ =	strace $0x8000004C;
	[dreg:$0x1] =	wrdreg $0xFFFFFFFF  }
0xa7: {  	s28 =	simm.s32 $_size_execute0_lowered;
	s3 =	sadd.s32 s3, s5;
	[dreg:$0x0] =	wrdreg $0x0  }
0xa8: {  	s5 =	sshll.u32 s28, $0x1;
	[dreg:$0x2] =	wrdreg s3  }
0xa9: {  	[dreg:$0x3] =	wrdreg s5  }
0xaa: {  	[dreg:$0x4] =	wrdreg $0xC0  }
0xab: {  	_ =	task [dreg:s7], $0x5FFFF  }
0xac: {  	[dreg:$0x1] =	wrdreg $0xFFFFFFFF  }
0xad: {  	[dreg:$0x0] =	wrdreg $0x60  }
0xae: {  	[dreg:$0x2] =	wrdreg s2  }
0xaf: {  	[dreg:$0x3] =	wrdreg s24  }
0xb0: {  	[dreg:$0x4] =	wrdreg $0x82000  }
0xb1: {  	[dreg:$0x5] =	wrdreg $0x9  }
0xb2: {  	_ =	task.clear_ibuf [dreg:s7], $0x6FFFF;
	_ =	strace $0x9000004C  }
0xb3: {  	s29 =	simm.s32 $0x9;
	_ =	strace $0x8000004E  }
0xb4: {  	_ =	swait.ge [sflag:s29], $0x1  }
0xb5: {  	[sflag:s29] =	ssyncadd.s32 $0xFFFFFFFF  }
0xb6: {  	_ =	strace $0x9000004E  }
0xb7: {  	_ =	sfence  }
0xb8: {  	s30 =	sld [smem:$0x0];
	_ =	sdelay $0x2  }
0xb9: {  	s31 =	sshll.u32 s1, $0xD;
	s1 =	sshrl.u32 s1, $0x2  }
0xba: {  	s3 =	sand.u32 $0x4000, s31;
	s1 =	sadd.s32 s1, s30  }
0xbb: {  	s0 =	sor.u32 s3, s0;
	s1 =	sshll.u32 s1, $0x11  }
0xbc: {  	s0 =	sor.u32 s1, s0  }
0xbd: {  	s0 =	sadd.s32 $0x8F2B, s0  }
0xbe: {  	[sflag:s0] =	ssyncadd.remote.s32 $0x1  }
0xbf: {  	_ =	sfence.sel $0xFFFF  }
0xc0: {  	[dreg:$0x0] =	wrdreg $0xFFFFFFFF;
	(pc) =	sbr.abs _section_cstart, $3  }
0xc1: {  	[dreg:$0x1] =	wrdreg $0xFFFFFFFF  }
0xc2: {  	_ =	task.clear_ibuf [dreg:s7], $0x2FFFF;
	_ =	strace $0x9FFFFFFF  }
0xc3: {  	(tm) =	ssettm $0x7FFFFFFF  }
tec
execute0_lowered:
.L_overlay_start_1:
0x0: {  	(tag) =	ssettag $0x1  }
0x1: {  	s1 =	rddreg [dreg:$0x0]  }
0x2: {  	s5 =	rddreg [dreg:$0x1];
	s2 =	srdreg.scid  }
0x3: {  	s0 =	stileid.u32;
	s3 =	rddreg [dreg:$0x2]  }
0x4: {  	s4 =	simm.s32 $0x0;
	s20 =	simm.s32 $0x200;
	s21 =	simm.s32 $0x3  }
0x5: {  	s22 =	simm.s32 $0x80;
	s23 =	simm.s32 $0x100;
	s6 =	smul.u32 $0x280, s0  }
0x6: {  	s28 =	simm.s32 $0x180;
	s29 =	simm.s32 $0x0;
	s9 =	smul.u32 $0x50000, s0  }
0x7: {  	s8 =	sand.u32 $0x1, s2;
	[smem:$0x7FF] =	sst s4;
	s13 =	smul.u32 $0xA0, s0  }
0x8: {  	s17 =	sadd.s32 $0x2C00, s5;
	s24 =	sshll.u32 s0, $0x1;
	s7 =	smul.u32 $0x2800, s8  }
0x9: {  	_ =	strace $0x8000004D;
	s25 =	ssub.s32 $0x2, s8;
	s26 =	sor.u32 s8, s24  }
0xa: {  	s14 =	smul.u32 $0x50, s8;
	s24 =	simm.s32 $0x4200;
	s30 =	sshrl.u32 s25, $0x1  }
0xb: {  	s9 =	sshrl.u32 s9, $0x2;
	s10 =	smul.u32 $0xA00, s26;
	s26 =	simm.s32 $0x2  }
0xc: {  	s6 =	sadd.s32 s6, s7;
	s16 =	ssub.s32 s25, s30;
	s18 =	sadd.s32 s14, s13  }
0xd: {  	s25 =	simm.s32 $0x1;
	s6 =	sshll.u32 s6, $0x4;
	s10 =	sadd.s32 s17, s10  }
0xe: {  	s18 =	sshll.u32 s18, $0x5;
	s16 =	smax.u32 s16, $0x1;
	s15 =	sadd.s32 s6, s5  }
0xf: {  	s5 =	sadd.s32 s9, s3;
	s19 =	sadd.s32 s18, s17;
	s17 =	sadd.s32 $0x9E0, s10  }
0x10: {  	s6 =	sadd.s32 $0x4000, s5;
	s7 =	sadd.s32 $0x8000, s5;
	s8 =	sadd.s32 $0xC000, s5  }
0x11: {  	s9 =	sadd.s32 $0x10000, s5;
	s31 =	sadd.s32 $0x64E00, s15;
	s12 =	sadd.s32 $0x65600, s15  }
0x12: {  	s13 =	sadd.s32 $0x65E00, s15;
	s14 =	sadd.s32 $0x66600, s15;
	s15 =	sadd.s32 $0x66E00, s15  }
0x13: {  	v0 =	vimm.f32 $0.0e+00;
	s18 =	sadd.s32 $0x40, s19;
	s19 =	sadd.s32 $0x20, s19;
	[dreg:$0x4] =	wrdreg s31  }
.LBB2_1:
0x14: {  	s30 =	simm.s32 $0x0;
	s31 =	simm.s32 $0x200  }
.LBB2_2:
0x15: {  	p0 =	sne.s32 s31, $0xFE00;
	[tilespmem:s30+$0x270] =	vst v0  }
0x16: {  	[tilespmem:s30+$0x200] =	vst v0  }
0x17: {  	[tilespmem:s30+$0x210] =	vst v0  }
.Ltmp0:
0x18: {  	[tilespmem:s30+$0x220] =	vst v0;
	(pc) =	sbr.rel @p0 .LBB2_2-.Ltmp0, $4  }
0x19: {  	[tilespmem:s30+$0x230] =	vst v0  }
0x1a: {  	[tilespmem:s30+$0x240] =	vst v0  }
0x1b: {  	[tilespmem:s30+$0x250] =	vst v0  }
0x1c: {  	[tilespmem:s30+$0x260] =	vst v0;
	s30 =	sshra.s32 s31, $0x2;
	s31 =	sadd.s32 $0x200, s31  }
0x1d: {  	[tilespmem:s30+$0x270] =	vst v0  }
0x1e: {  	[tilespmem:s30+$0x200] =	vst v0  }
0x1f: {  	[tilespmem:s30+$0x210] =	vst v0  }
0x20: {  	[tilespmem:s30+$0x220] =	vst v0  }
0x21: {  	[tilespmem:s30+$0x230] =	vst v0  }
0x22: {  	[tilespmem:s30+$0x240] =	vst v0  }
0x23: {  	[tilespmem:s30+$0x250] =	vst v0  }
0x24: {  	[tilespmem:s30+$0x260] =	vst v0  }
0x25: {  	[spmem:s5] =	stream.linear.scatter [tilespmem:s20], [sflag:$0x3], $0x4000, $0x38;
	[tilespmem:$0x1C200] =	vst v63  }
0x26: {  	_ =	swait.ge [sflag:s21], $0x4000  }
0x27: {  	[sflag:s21] =	ssyncset.done $0x0  }
0x28: {  	[sflag:s21] =	ssyncadd.s32 $0xFFFFC000  }
0x29: {  	[spmem:s6] =	stream.linear.scatter [tilespmem:s20], [sflag:$0x3], $0x4000, $0x38;
	[tilespmem:$0x1C200] =	vst v63  }
0x2a: {  	_ =	swait.ge [sflag:s21], $0x4000  }
0x2b: {  	[sflag:s21] =	ssyncset.done $0x0  }
0x2c: {  	[sflag:s21] =	ssyncadd.s32 $0xFFFFC000  }
0x2d: {  	[spmem:s7] =	stream.linear.scatter [tilespmem:s20], [sflag:$0x3], $0x4000, $0x38;
	[tilespmem:$0x1C200] =	vst v63  }
0x2e: {  	_ =	swait.ge [sflag:s21], $0x4000  }
0x2f: {  	[sflag:s21] =	ssyncset.done $0x0  }
0x30: {  	[sflag:s21] =	ssyncadd.s32 $0xFFFFC000  }
0x31: {  	[spmem:s8] =	stream.linear.scatter [tilespmem:s20], [sflag:$0x3], $0x4000, $0x38;
	[tilespmem:$0x1C200] =	vst v63  }
0x32: {  	_ =	swait.ge [sflag:s21], $0x4000  }
0x33: {  	[sflag:s21] =	ssyncset.done $0x0  }
0x34: {  	[sflag:s21] =	ssyncadd.s32 $0xFFFFC000  }
0x35: {  	[spmem:s9] =	stream.linear.scatter [tilespmem:s20], [sflag:$0x3], $0x4000, $0x38;
	[tilespmem:$0x1C200] =	vst v63  }
0x36: {  	_ =	swait.ge [sflag:s21], $0x4000  }
0x37: {  	[sflag:s21] =	ssyncset.done $0x0  }
0x38: {  	[sflag:s21] =	ssyncadd.s32 $0xFFFFC000  }
0x39: {  	s30 =	simm.s32 $0x0;
	[bflag:$0x0] =	sbarrier.arrive $0xFFFF  }
0x3a: {  	[tilespmem:s30], [sflag:$0x3] =	stream.linear.gather [hbm4b:s10+s30], $0x100, $0x38;
	[tilespmem:$0x1C200] =	vst v63  }
0x3b: {  	_ =	swait.ge [sflag:s21], $0x100  }
0x3c: {  	[sflag:s21] =	ssyncset.done $0x0  }
0x3d: {  	[sflag:s21] =	ssyncadd.s32 $0xFFFFFF00  }
0x3e: {  	[tilespmem:s20], [sflag:$0x1] =	stream.indirect.gather [hbm4b:s1+s22], $0x80, s30, s22, $0xb8;
	[tilespmem:$0x1C200] =	vst v63  }
0x3f: {  	s30 =	sadd.s32 $0x0, s19  }
0x40: {  	[tilespmem:s23], [sflag:$0x3] =	stream.linear.gather [hbm4b:s30+s4], $0x100, $0x38;
	[tilespmem:$0x1C200] =	vst v63  }
0x41: {  	_ =	swait.ge [sflag:s21], $0x100  }
0x42: {  	[sflag:s21] =	ssyncset.done $0x0  }
0x43: {  	[sflag:s21] =	ssyncadd.s32 $0xFFFFFF00  }
0x44: {  	[tilespmem:s24], [sflag:$0x2] =	stream.indirect.gather [hbm4b:s1+s22], $0x80, s23, s22, $0xb8;
	[tilespmem:$0x1C200] =	vst v63  }
0x45: {  	_ =	swait.ge [sflag:s25], $0x4000  }
0x46: {  	[sflag:s25] =	ssyncset.done $0x0  }
0x47: {  	[sflag:s25] =	ssyncadd.s32 $0xFFFFC000  }
0x48: {  	[spmem:s3] =	stream.indirect.scatter.add.f32 [tilespmem:s20], [sflag:$0x3], $0x80, s22, s22, $0xb8;
	[tilespmem:$0x1C200] =	vst v63  }
0x49: {  	_ =	swait.ge [sflag:s21], $0x4000  }
0x4a: {  	[sflag:s21] =	ssyncset.done $0x0  }
0x4b: {  	s30 =	sadd.s32 $0x0, s18;
	[sflag:s21] =	ssyncadd.s32 $0xFFFFC000  }
0x4c: {  	[tilespmem:s4], [sflag:$0x3] =	stream.linear.gather [hbm4b:s30+s4], $0x100, $0x38;
	[tilespmem:$0x1C200] =	vst v63  }
0x4d: {  	_ =	swait.ge [sflag:s21], $0x100  }
0x4e: {  	[sflag:s21] =	ssyncset.done $0x0  }
0x4f: {  	[sflag:s21] =	ssyncadd.s32 $0xFFFFFF00  }
0x50: {  	[tilespmem:s20], [sflag:$0x1] =	stream.indirect.gather [hbm4b:s1+s22], $0x80, s4, s22, $0xb8;
	[tilespmem:$0x1C200] =	vst v63  }
0x51: {  	_ =	swait.ge [sflag:s26], $0x4000  }
0x52: {  	[sflag:s26] =	ssyncset.done $0x0  }
0x53: {  	[sflag:s26] =	ssyncadd.s32 $0xFFFFC000  }
0x54: {  	[spmem:s3] =	stream.indirect.scatter.add.f32 [tilespmem:s24], [sflag:$0x3], $0x80, s28, s22, $0xb8;
	[tilespmem:$0x1C200] =	vst v63  }
0x55: {  	_ =	swait.ge [sflag:s21], $0x4000  }
0x56: {  	s31 =	simm.s32 $0x80;
	s30 =	simm.s32 $0x40;
	[sflag:s21] =	ssyncset.done $0x0  }
.LBB2_4:
0x57: {  	s2 =	sadd.s32 s30, s19  }
0x58: {  	[sflag:s21] =	ssyncadd.s32 $0xFFFFC000;
	s0 =	smov.u32 s31;
	s11 =	sadd.s32 $0x40, s31  }
0x59: {  	[tilespmem:s23], [sflag:$0x3] =	stream.linear.gather [hbm4b:s2+s4], $0x100, $0x38;
	[tilespmem:$0x1C200] =	vst v63  }
0x5a: {  	p0 =	sne.s32 s31, $0x980;
	_ =	swait.ge [sflag:s21], $0x100  }
0x5b: {  	[sflag:s21] =	ssyncset.done $0x0  }
0x5c: {  	[sflag:s21] =	ssyncadd.s32 $0xFFFFFF00  }
0x5d: {  	[tilespmem:s24], [sflag:$0x2] =	stream.indirect.gather [hbm4b:s1+s22], $0x80, s23, s22, $0xb8;
	[tilespmem:$0x1C200] =	vst v63  }
0x5e: {  	_ =	swait.ge [sflag:s25], $0x4000  }
0x5f: {  	[sflag:s25] =	ssyncset.done $0x0  }
0x60: {  	[sflag:s25] =	ssyncadd.s32 $0xFFFFC000  }
0x61: {  	[spmem:s3] =	stream.indirect.scatter.add.f32 [tilespmem:s20], [sflag:$0x3], $0x80, s22, s22, $0xb8;
	[tilespmem:$0x1C200] =	vst v63  }
0x62: {  	_ =	swait.ge [sflag:s21], $0x4000  }
0x63: {  	[sflag:s21] =	ssyncset.done $0x0  }
0x64: {  	s2 =	sadd.s32 s30, s18;
	s30 =	smov.u32 s0;
	[sflag:s21] =	ssyncadd.s32 $0xFFFFC000  }
0x65: {  	[tilespmem:s4], [sflag:$0x3] =	stream.linear.gather [hbm4b:s2+s4], $0x100, $0x38;
	[tilespmem:$0x1C200] =	vst v63  }
0x66: {  	_ =	swait.ge [sflag:s21], $0x100  }
0x67: {  	[sflag:s21] =	ssyncset.done $0x0  }
0x68: {  	[sflag:s21] =	ssyncadd.s32 $0xFFFFFF00  }
0x69: {  	[tilespmem:s20], [sflag:$0x1] =	stream.indirect.gather [hbm4b:s1+s22], $0x80, s4, s22, $0xb8;
	[tilespmem:$0x1C200] =	vst v63  }
0x6a: {  	_ =	swait.ge [sflag:s26], $0x4000  }
.Ltmp1:
0x6b: {  	[sflag:s26] =	ssyncset.done $0x0;
	(pc) =	sbr.rel @p0 .LBB2_4-.Ltmp1, $4  }
0x6c: {  	[sflag:s26] =	ssyncadd.s32 $0xFFFFC000  }
0x6d: {  	[spmem:s3] =	stream.indirect.scatter.add.f32 [tilespmem:s24], [sflag:$0x3], $0x80, s28, s22, $0xb8;
	[tilespmem:$0x1C200] =	vst v63  }
0x6e: {  	_ =	swait.ge [sflag:s21], $0x4000  }
0x6f: {  	s31 =	smov.u32 s11;
	[sflag:s21] =	ssyncset.done $0x0  }
0x70: {  	s0 =	sadd.s32 s30, s19;
	[sflag:s21] =	ssyncadd.s32 $0xFFFFC000  }
0x71: {  	[tilespmem:s23], [sflag:$0x3] =	stream.linear.gather [hbm4b:s0+s4], $0x100, $0x38;
	[tilespmem:$0x1C200] =	vst v63  }
0x72: {  	_ =	swait.ge [sflag:s21], $0x100  }
0x73: {  	[sflag:s21] =	ssyncset.done $0x0  }
0x74: {  	[sflag:s21] =	ssyncadd.s32 $0xFFFFFF00  }
0x75: {  	[tilespmem:s24], [sflag:$0x2] =	stream.indirect.gather [hbm4b:s1+s22], $0x80, s23, s22, $0xb8;
	[tilespmem:$0x1C200] =	vst v63  }
0x76: {  	_ =	swait.ge [sflag:s25], $0x4000  }
0x77: {  	[sflag:s25] =	ssyncset.done $0x0  }
0x78: {  	[sflag:s25] =	ssyncadd.s32 $0xFFFFC000  }
0x79: {  	[spmem:s3] =	stream.indirect.scatter.add.f32 [tilespmem:s20], [sflag:$0x3], $0x80, s22, s22, $0xb8;
	[tilespmem:$0x1C200] =	vst v63  }
0x7a: {  	_ =	swait.ge [sflag:s21], $0x4000  }
0x7b: {  	[sflag:s21] =	ssyncset.done $0x0  }
0x7c: {  	s30 =	sadd.s32 s30, s18;
	[sflag:s21] =	ssyncadd.s32 $0xFFFFC000  }
0x7d: {  	[tilespmem:s4], [sflag:$0x3] =	stream.linear.gather [hbm4b:s30+s4], $0x100, $0x38;
	[tilespmem:$0x1C200] =	vst v63  }
0x7e: {  	_ =	swait.ge [sflag:s21], $0x100  }
0x7f: {  	[sflag:s21] =	ssyncset.done $0x0  }
0x80: {  	[sflag:s21] =	ssyncadd.s32 $0xFFFFFF00  }
0x81: {  	[tilespmem:s20], [sflag:$0x1] =	stream.indirect.gather [hbm4b:s1+s22], $0x80, s4, s22, $0xb8;
	[tilespmem:$0x1C200] =	vst v63  }
0x82: {  	_ =	swait.ge [sflag:s26], $0x4000  }
0x83: {  	[sflag:s26] =	ssyncset.done $0x0  }
0x84: {  	[sflag:s26] =	ssyncadd.s32 $0xFFFFC000  }
0x85: {  	[spmem:s3] =	stream.indirect.scatter.add.f32 [tilespmem:s24], [sflag:$0x3], $0x80, s28, s22, $0xb8;
	[tilespmem:$0x1C200] =	vst v63  }
0x86: {  	_ =	swait.ge [sflag:s21], $0x4000  }
0x87: {  	[sflag:s21] =	ssyncset.done $0x0  }
0x88: {  	[sflag:s21] =	ssyncadd.s32 $0xFFFFC000  }
0x89: {  	[tilespmem:s23], [sflag:$0x3] =	stream.linear.gather [hbm4b:s17+s4], $0x100, $0x38;
	[tilespmem:$0x1C200] =	vst v63  }
0x8a: {  	_ =	swait.ge [sflag:s21], $0x100  }
0x8b: {  	[sflag:s21] =	ssyncset.done $0x0  }
0x8c: {  	[sflag:s21] =	ssyncadd.s32 $0xFFFFFF00  }
0x8d: {  	[tilespmem:s24], [sflag:$0x2] =	stream.indirect.gather [hbm4b:s1+s22], $0x80, s23, s22, $0xb8;
	[tilespmem:$0x1C200] =	vst v63  }
0x8e: {  	_ =	swait.ge [sflag:s25], $0x4000  }
0x8f: {  	[sflag:s25] =	ssyncset.done $0x0  }
0x90: {  	[sflag:s25] =	ssyncadd.s32 $0xFFFFC000  }
0x91: {  	[spmem:s3] =	stream.indirect.scatter.add.f32 [tilespmem:s20], [sflag:$0x3], $0x80, s22, s22, $0xb8;
	[tilespmem:$0x1C200] =	vst v63  }
0x92: {  	_ =	swait.ge [sflag:s21], $0x4000  }
0x93: {  	[sflag:s21] =	ssyncset.done $0x0  }
0x94: {  	[sflag:s21] =	ssyncadd.s32 $0xFFFFC000  }
0x95: {  	_ =	swait.ge [sflag:s26], $0x4000  }
0x96: {  	[sflag:s26] =	ssyncset.done $0x0  }
0x97: {  	[sflag:s26] =	ssyncadd.s32 $0xFFFFC000  }
0x98: {  	[spmem:s3] =	stream.indirect.scatter.add.f32 [tilespmem:s24], [sflag:$0x3], $0x80, s28, s22, $0xb8;
	[tilespmem:$0x1C200] =	vst v63  }
0x99: {  	_ =	swait.ge [sflag:s21], $0x4000  }
0x9a: {  	[sflag:s21] =	ssyncset.done $0x0  }
0x9b: {  	[sflag:s21] =	ssyncadd.s32 $0xFFFFC000  }
0x9c: {  	[bflag:$0x0] =	sbarrier.arrive $0xFFFF  }
0x9d: {  	[tilespmem:s20], [sflag:$0x3] =	stream.linear.gather [spmem:s5], $0x4000, $0x38;
	[tilespmem:$0x1C200] =	vst v63  }
0x9e: {  	_ =	swait.ge [sflag:s21], $0x4000  }
0x9f: {  	[sflag:s21] =	ssyncset.done $0x0  }
0xa0: {  	s31 =	rddreg [dreg:$0x4];
	[sflag:s21] =	ssyncadd.s32 $0xFFFFC000  }
0xa1: {  	[hbm4b:s31+s4] =	stream.linear.scatter [tilespmem:s20], [sflag:$0x3], $0x4000, $0x38;
	[tilespmem:$0x1C200] =	vst v63  }
0xa2: {  	_ =	swait.ge [sflag:s21], $0x4000  }
0xa3: {  	[sflag:s21] =	ssyncset.done $0x0  }
0xa4: {  	[sflag:s21] =	ssyncadd.s32 $0xFFFFC000  }
0xa5: {  	[tilespmem:s20], [sflag:$0x3] =	stream.linear.gather [spmem:s6], $0x4000, $0x38;
	[tilespmem:$0x1C200] =	vst v63  }
0xa6: {  	_ =	swait.ge [sflag:s21], $0x4000  }
0xa7: {  	[sflag:s21] =	ssyncset.done $0x0  }
0xa8: {  	[sflag:s21] =	ssyncadd.s32 $0xFFFFC000  }
0xa9: {  	[hbm4b:s12+s4] =	stream.linear.scatter [tilespmem:s20], [sflag:$0x3], $0x4000, $0x38;
	[tilespmem:$0x1C200] =	vst v63  }
0xaa: {  	_ =	swait.ge [sflag:s21], $0x4000  }
0xab: {  	[sflag:s21] =	ssyncset.done $0x0  }
0xac: {  	[sflag:s21] =	ssyncadd.s32 $0xFFFFC000  }
0xad: {  	[tilespmem:s20], [sflag:$0x3] =	stream.linear.gather [spmem:s7], $0x4000, $0x38;
	[tilespmem:$0x1C200] =	vst v63  }
0xae: {  	_ =	swait.ge [sflag:s21], $0x4000  }
0xaf: {  	[sflag:s21] =	ssyncset.done $0x0  }
0xb0: {  	[sflag:s21] =	ssyncadd.s32 $0xFFFFC000  }
0xb1: {  	[hbm4b:s13+s4] =	stream.linear.scatter [tilespmem:s20], [sflag:$0x3], $0x4000, $0x38;
	[tilespmem:$0x1C200] =	vst v63  }
0xb2: {  	_ =	swait.ge [sflag:s21], $0x4000  }
0xb3: {  	[sflag:s21] =	ssyncset.done $0x0  }
0xb4: {  	[sflag:s21] =	ssyncadd.s32 $0xFFFFC000  }
0xb5: {  	[tilespmem:s20], [sflag:$0x3] =	stream.linear.gather [spmem:s8], $0x4000, $0x38;
	[tilespmem:$0x1C200] =	vst v63  }
0xb6: {  	_ =	swait.ge [sflag:s21], $0x4000  }
0xb7: {  	[sflag:s21] =	ssyncset.done $0x0  }
0xb8: {  	[sflag:s21] =	ssyncadd.s32 $0xFFFFC000  }
0xb9: {  	[hbm4b:s14+s4] =	stream.linear.scatter [tilespmem:s20], [sflag:$0x3], $0x4000, $0x38;
	[tilespmem:$0x1C200] =	vst v63  }
0xba: {  	_ =	swait.ge [sflag:s21], $0x4000  }
0xbb: {  	[sflag:s21] =	ssyncset.done $0x0  }
0xbc: {  	[sflag:s21] =	ssyncadd.s32 $0xFFFFC000  }
0xbd: {  	[tilespmem:s20], [sflag:$0x3] =	stream.linear.gather [spmem:s9], $0x4000, $0x38;
	[tilespmem:$0x1C200] =	vst v63  }
0xbe: {  	s29 =	sadd.s32 $0x1, s29;
	_ =	swait.ge [sflag:s21], $0x4000  }
0xbf: {  	p0 =	sne.s32 s29, s16;
	[sflag:s21] =	ssyncset.done $0x0  }
.Ltmp2:
0xc0: {  	[sflag:s21] =	ssyncadd.s32 $0xFFFFC000;
	(pc) =	sbr.rel @p0 .LBB2_1-.Ltmp2, $4  }
0xc1: {  	[hbm4b:s15+s4] =	stream.linear.scatter [tilespmem:s20], [sflag:$0x3], $0x4000, $0x38;
	[tilespmem:$0x1C200] =	vst v63  }
0xc2: {  	_ =	swait.ge [sflag:s21], $0x4000  }
0xc3: {  	[sflag:s21] =	ssyncset.done $0x0  }
0xc4: {  	[sflag:s21] =	ssyncadd.s32 $0xFFFFC000  }
0xc5: {  	_ =	sfence.sel $0x180000  }
0xc6: {  	[bflag:$0x0] =	sbarrier.arrive $0xFFFF  }
0xc7: {  	_ =	strace $0x9000004D  }
0xc8: {  	s0 =	stileid.u32;
	[bflag:$0x2] =	sbarrier.arrive $0xFFFF  }
0xc9: {  	p0 =	sne.s32 s0, $0x0;
	s0 =	rddreg [dreg:$0x3]  }
0xca: {  	s0 =	sadd.s32 @!p0 $0x100000, s0  }
0xcb: {  	[sflag:s0] =	ssyncadd.tile.s32 @!p0 $0x1;
	_ =	shalt  }
.Lfunc_end2:
_tile_overlayer_lowered:
.L_overlay_start_2:
0xcc: {  	(tag) =	ssettag $0x2  }
0xcd: {  	s0 =	rddreg [dreg:$0x0];
	s2 =	stileid.u32  }
0xce: {  	s1 =	rddreg [dreg:$0x1];
	p0 =	sne.s32 s2, $0x0  }
0xcf: {  	s3 =	rddreg [dreg:$0x2];
	[bflag:$0x3] =	sbarrier.arrive $0xFFFF;
	s2 =	simm.s32 @!p0 $0x1C03  }
0xd0: {  	[timem:s3], [sflag:s2] =	dma.local @!p0 [hbm:s0], s1  }
0xd1: {  	s0 =	simm.s32 @!p0 $0x3  }
0xd2: {  	_ =	swait.ge @!p0 [sflag:s0], s1  }
0xd3: {  	s1 =	ssub.s32 @!p0 $0x0, s1;
	[sflag:s0] =	ssyncset.done @!p0 $0x0  }
0xd4: {  	[sflag:s0] =	ssyncadd.s32 @!p0 s1  }
0xd5: {  	[bflag:$0x3] =	sbarrier.arrive $0xFFFF  }
0xd6: {  	_ =	shalt  }

// kernel: kernel.8.cloned.1.call-start
scs
__scs_entry_jumppad:
0x0: {  	(pc) =	sbr.rel $0x88, $3  }
0x1: {  	(tag) =	ssettag $0x0;
	lr =	simm.s32 $0x1  }
0x2: {  	[smem:$0x3F99] =	sst lr;
	_ =	strace $0xD0000000  }
0x3: {  	_ = 	snop  }
0x4: {  	_ = 	snop  }
0x5: {  	_ = 	snop  }
0x6: {  	_ = 	snop  }
0x7: {  	_ = 	snop  }
__scs_overlays_trampoline_lowered:
0x8: {  	[smem:$0x3FA8] =	sst s0  }
0x9: {  	[smem:$0x3FA9] =	sst s1  }
0xa: {  	[smem:$0x3FAA] =	sst s2  }
0xb: {  	[smem:$0x3FAB] =	sst s3  }
0xc: {  	[smem:$0x3FAC] =	sst s4  }
0xd: {  	[smem:$0x3FAD] =	sst s5  }
0xe: {  	[smem:$0x3FAE] =	sst s6  }
0xf: {  	[smem:$0x3FAF] =	sst s7  }
0x10: {  	[smem:$0x3FB0] =	sst s8  }
0x11: {  	[smem:$0x3FB1] =	sst s9;
	s0 =	simm.s32 @!p0 $0x0  }
0x12: {  	s1 =	sld [smem:$0x3F97];
	s0 =	simm.s32 @p0 $0x1  }
0x13: {  	[smem:$0x3FB2] =	sst s0;
	s0 =	simm.s32 @!p1 $0x0  }
0x14: {  	s2 =	sld [smem:$0x3F96];
	s0 =	simm.s32 @p1 $0x1  }
0x15: {  	[smem:$0x3FB3] =	sst s0;
	s0 =	simm.s32 @!p2 $0x0  }
0x16: {  	s3 =	sld [smem:$0x3FDB];
	s0 =	simm.s32 @p2 $0x1  }
0x17: {  	s4 =	simm.s32 $0x1BF5;
	[smem:$0x3FB5] =	sst s0  }
0x18: {  	s0 =	sld [smem:$0x3F98];
	_ =	swait.ge [sflag:s4], $0x0  }
0x19: {  	s7 =	sld [smem:$0x3F99]  }
0x1a: {  	s8 =	sadd.s32 $0xFFFFE003, lr  }
0x1b: {  	s9 =	sadd.s32 $0xFFFFFEF7, lr;
	s5 =	simm.s32 $0xFFFFFFFF;
	p2 =	slt.u32 s8, $0xFFFFF086  }
0x1c: {  	p1 =	slt.u32 s9, $0xF7A;
	s5 =	simm.s32 @!p2 $0x0  }
0x1d: {  	s5 =	simm.s32 @p1 $0x1;
	p0 =	seq.s32 s7, s2  }
0x1e: {  	s7 =	smul.u32 @!p0 $0xF7A, s2;
	p2 =	seq.s32 @!p0 s5, $0x0  }
0x1f: {  	s9 =	smul.u32 $0xF7A, s1;
	s8 =	simm.s32 @!p0 $0x1BF5;
	p2 =	por !p2, p0  }
0x20: {  	[sflag:s8] =	ssyncset.s32 @!p0 $0xFFFFF086;
	s6 =	sadd.s32 @!p0 s3, s7;
	s7 =	simm.s32 @!p0 $0x108  }
0x21: {  	s3 =	sadd.s32 s3, s9;
	s6 =	sadd.s32 @!p0 $0x88, s6;
	s7 =	simm.s32 @p2 $0x1082  }
0x22: {  	[simem:s7], [sflag:s8] =	dma.local @!p0 [hbm:s6], $0xF7A  }
0x23: {  	s9 =	sor.u32 $0xD0000000, s2;
	s6 =	simm.s32 $0x108;
	_ =	swait.ge @!p0 [sflag:s8], $0x0  }
0x24: {  	s3 =	sadd.s32 $0x88, s3;
	s6 =	simm.s32 @!p1 $0x1082;
	[sflag:s4] =	ssyncset.s32 $0xFFFFF086  }
0x25: {  	[simem:s6], [sflag:s4] =	dma.local [hbm:s3], $0xF7A  }
0x26: {  	[smem:$0x3F99] =	sst s1;
	(tag) =	ssettag s2;
	_ =	strace s9  }
0x27: {  	s1 =	sld [smem:$0x3FA9]  }
0x28: {  	s2 =	sld [smem:$0x3FAA]  }
0x29: {  	s4 =	sld [smem:$0x3FAC]  }
0x2a: {  	p0 =	seq.s32 s5, $0x0;
	s5 =	sld [smem:$0x3FAD]  }
0x2b: {  	s6 =	sld [smem:$0x3FAE]  }
0x2c: {  	s7 =	sld [smem:$0x3FAF]  }
0x2d: {  	s3 =	simm.s32 $0x108;
	s8 =	sld [smem:$0x3FB0]  }
0x2e: {  	s3 =	simm.s32 @!p0 $0x1082;
	s9 =	sld [smem:$0x3FB1]  }
0x2f: {  	lr =	sadd.s32 s0, s3;
	s0 =	sld [smem:$0x3FA8]  }
0x30: {  	s3 =	sld [smem:$0x3FAB]  }
0x31: {  	[smem:$0x3FB4] =	sst s10  }
0x32: {  	s10 =	sld [smem:$0x3FB2];
	_ =	sdelay $0x3  }
0x33: {  	p0 =	seq.s32 s10, $0x1;
	s10 =	sld [smem:$0x3FB4];
	_ =	sdelay $0x3  }
0x34: {  	[smem:$0x3FB4] =	sst s10  }
0x35: {  	s10 =	sld [smem:$0x3FB3];
	_ =	sdelay $0x3  }
0x36: {  	p1 =	seq.s32 s10, $0x1;
	s10 =	sld [smem:$0x3FB4];
	_ =	sdelay $0x3  }
0x37: {  	[smem:$0x3FB4] =	sst s10  }
0x38: {  	s10 =	sld [smem:$0x3FB5]  }
0x39: {  	_ = 	snop;
	(pc) =	sbr.ind lr, $3  }
0x3a: {  	_ = 	snop  }
0x3b: {  	_ = 	snop  }
0x3c: {  	p2 =	seq.s32 s10, $0x1;
	s10 =	sld [smem:$0x3FB4]  }
0x3d: {  	_ =	shalt  }
0x3e: {  	_ =	shalt  }
0x3f: {  	_ =	shalt  }
0x40: {  	_ =	shalt  }
0x41: {  	_ =	shalt  }
0x42: {  	_ =	shalt  }
0x43: {  	_ =	shalt  }
0x44: {  	_ =	shalt  }
0x45: {  	_ =	shalt  }
0x46: {  	_ =	shalt  }
0x47: {  	_ =	shalt  }
0x48: {  	_ =	shalt  }
0x49: {  	_ =	shalt  }
0x4a: {  	_ =	shalt  }
0x4b: {  	_ =	shalt  }
0x4c: {  	_ =	shalt  }
0x4d: {  	_ =	shalt  }
0x4e: {  	_ =	shalt  }
0x4f: {  	_ =	shalt  }
0x50: {  	_ =	shalt  }
0x51: {  	_ =	shalt  }
0x52: {  	_ =	shalt  }
0x53: {  	_ =	shalt  }
0x54: {  	_ =	shalt  }
0x55: {  	_ =	shalt  }
0x56: {  	_ =	shalt  }
0x57: {  	_ =	shalt  }
0x58: {  	_ =	shalt  }
0x59: {  	_ =	shalt  }
0x5a: {  	_ =	shalt  }
0x5b: {  	_ =	shalt  }
0x5c: {  	_ =	shalt  }
0x5d: {  	_ =	shalt  }
0x5e: {  	_ =	shalt  }
0x5f: {  	_ =	shalt  }
0x60: {  	_ =	shalt  }
0x61: {  	_ =	shalt  }
0x62: {  	_ =	shalt  }
0x63: {  	_ =	shalt  }
0x64: {  	_ =	shalt  }
0x65: {  	_ =	shalt  }
0x66: {  	_ =	shalt  }
0x67: {  	_ =	shalt  }
0x68: {  	_ =	shalt  }
0x69: {  	_ =	shalt  }
0x6a: {  	_ =	shalt  }
0x6b: {  	_ =	shalt  }
0x6c: {  	_ =	shalt  }
0x6d: {  	_ =	shalt  }
0x6e: {  	_ =	shalt  }
0x6f: {  	_ =	shalt  }
0x70: {  	_ =	shalt  }
0x71: {  	_ =	shalt  }
0x72: {  	_ =	shalt  }
0x73: {  	_ =	shalt  }
0x74: {  	_ =	shalt  }
0x75: {  	_ =	shalt  }
0x76: {  	_ =	shalt  }
0x77: {  	_ =	shalt  }
0x78: {  	_ =	shalt  }
0x79: {  	_ =	shalt  }
0x7a: {  	_ =	shalt  }
0x7b: {  	_ =	shalt  }
0x7c: {  	_ =	shalt  }
0x7d: {  	_ =	shalt  }
0x7e: {  	_ =	shalt  }
0x7f: {  	_ =	shalt  }
0x80: {  	_ =	shalt  }
0x81: {  	_ =	shalt  }
0x82: {  	_ =	shalt  }
0x83: {  	_ =	shalt  }
0x84: {  	_ =	shalt  }
0x85: {  	_ =	shalt  }
0x86: {  	_ =	shalt  }
0x87: {  	_ =	shalt  }
.Lfunc_end0:
.L_simem_size_0:
called_computation_lowered:
.L_overlay_start_0:
0x88: {  	s2 =	sld [smem:$0x3FD9]  }
0x89: {  	s3 =	sld [smem:$0x3FFE];
	_ =	sdelay $0x1  }
0x8a: {  	s1 =	srdreg.scid  }
0x8b: {  	s0 =	sand.u32 $0x1, s1  }
0x8c: {  	s16 =	sshll.u32 s0, $0xA;
	s2 =	sadd.s32 s3, s2  }
0x8d: {  	s2 =	sadd.s32 s2, s16  }
0x8e: {  	[smem:$0x3FC0] =	sst s2  }
0x8f: {  	_ = 	snop  }
0x90: {  	(tm) =	ssettm $0x1  }
0x91: {  	s17 =	sld [smem:$0x3FFB];
	_ =	sdelay $0x3  }
0x92: {  	_ =	strace s17  }
0x93: {  	s2 =	sld [smem:$0x3FFC];
	_ =	sdelay $0x3  }
0x94: {  	_ =	strace s2  }
0x95: {  	s2 =	sld [smem:$0x3FFD];
	_ =	sdelay $0x3  }
0x96: {  	_ =	strace s2  }
0x97: {  	_ =	strace $0x8FFFFFFF  }
0x98: {  	s18 =	sld [smem:$0x3FDB];
	_ =	sdelay $0x1  }
0x99: {  	s19 =	simm.s32 $_scs_section_size  }
0x9a: {  	s4 =	simm.s32 $_size__tile_overlayer_lowered;
	s5 =	simm.s32 $_tile_overlayer_lowered  }
0x9b: {  	s22 =	simm.s32 $0x1BFF;
	s21 =	sshll.u32 s5, $0x1;
	s2 =	sadd.s32 s19, s18  }
0x9c: {  	s6 =	simm.s32 $0x0;
	s20 =	sshll.u32 s4, $0x1;
	s4 =	sadd.s32 s21, s2  }
0x9d: {  	[timem:s6], [sflag:s22] =	dma.local [hbm:s4], s20  }
0x9e: {  	_ =	swait.ge [sflag:s22], s20  }
0x9f: {  	s3 =	ssub.s32 $0x0, s20;
	[sflag:s22] =	ssyncset.done $0x0  }
0xa0: {  	[sflag:s22] =	ssyncadd.s32 s3;
	_ =	sdelay $0x1  }
0xa1: {  	s23 =	simm.s32 $0x1B8B  }
0xa2: {  	_ =	swait.ge [sflag:s23], $0x1  }
0xa3: {  	[sflag:s23] =	ssyncset.done $0x0  }
0xa4: {  	s25 =	simm.s32 $0x1B8E;
	s24 =	sld [smem:$0x3FFE];
	[sflag:s23] =	ssyncadd.s32 $0xFFFFFFFF  }
0xa5: {  	s26 =	simm.s32 $execute0_lowered;
	[smem:$0x3FD2] =	sst s25  }
0xa6: {  	s4 =	sshll.u32 s26, $0x1;
	_ =	strace $0x80000046;
	[dreg:$0x1] =	wrdreg $0xFFFFFFFF  }
0xa7: {  	s28 =	simm.s32 $_size_execute0_lowered;
	s2 =	sadd.s32 s2, s4;
	[dreg:$0x0] =	wrdreg $0x0  }
0xa8: {  	s4 =	sshll.u32 s28, $0x1;
	[dreg:$0x2] =	wrdreg s2  }
0xa9: {  	[dreg:$0x3] =	wrdreg s4  }
0xaa: {  	[dreg:$0x4] =	wrdreg $0xC0  }
0xab: {  	_ =	task [dreg:s6], $0x5FFFF  }
0xac: {  	[dreg:$0x1] =	wrdreg $0xFFFFFFFF  }
0xad: {  	[dreg:$0x0] =	wrdreg $0x60  }
0xae: {  	[dreg:$0x2] =	wrdreg s24  }
0xaf: {  	[dreg:$0x3] =	wrdreg $0x42000  }
0xb0: {  	[dreg:$0x4] =	wrdreg $0x9  }
0xb1: {  	_ =	task.clear_ibuf [dreg:s6], $0x5FFFF;
	_ =	strace $0x90000046  }
0xb2: {  	s29 =	simm.s32 $0x9;
	_ =	strace $0x80000048  }
0xb3: {  	_ =	swait.ge [sflag:s29], $0x1  }
0xb4: {  	[sflag:s29] =	ssyncadd.s32 $0xFFFFFFFF  }
0xb5: {  	_ =	strace $0x90000048  }
0xb6: {  	_ =	sfence  }
0xb7: {  	s30 =	sld [smem:$0x0];
	_ =	sdelay $0x2  }
0xb8: {  	s31 =	sshll.u32 s1, $0xD;
	s1 =	sshrl.u32 s1, $0x2  }
0xb9: {  	s3 =	sand.u32 $0x4000, s31;
	s1 =	sadd.s32 s1, s30  }
0xba: {  	s0 =	sor.u32 s3, s0;
	s1 =	sshll.u32 s1, $0x11  }
0xbb: {  	s0 =	sor.u32 s1, s0  }
0xbc: {  	s0 =	sadd.s32 $0x8F2B, s0  }
0xbd: {  	[sflag:s0] =	ssyncadd.remote.s32 $0x1  }
0xbe: {  	_ =	sfence.sel $0xFFFF  }
0xbf: {  	[dreg:$0x0] =	wrdreg $0xFFFFFFFF;
	(pc) =	sbr.abs _section_cstart, $3  }
0xc0: {  	[dreg:$0x1] =	wrdreg $0xFFFFFFFF  }
0xc1: {  	_ =	task.clear_ibuf [dreg:s6], $0x2FFFF;
	_ =	strace $0x9FFFFFFF  }
0xc2: {  	(tm) =	ssettm $0x7FFFFFFF  }
0xc3: {  	_ =	shalt  }
tec
execute0_lowered:
.L_overlay_start_1:
0x0: {  	(tag) =	ssettag $0x1  }
0x1: {  	s4 =	rddreg [dreg:$0x0];
	s1 =	srdreg.scid  }
0x2: {  	s0 =	stileid.u32;
	s2 =	rddreg [dreg:$0x1]  }
0x3: {  	s3 =	simm.s32 $0x0;
	s19 =	simm.s32 $0x200;
	s20 =	simm.s32 $0x1  }
0x4: {  	s21 =	simm.s32 $0x100;
	s22 =	simm.s32 $0x80;
	s23 =	simm.s32 $0x180  }
0x5: {  	s7 =	sand.u32 $0x1, s1;
	s5 =	smul.u32 $0x280, s0;
	s1 =	rddreg [dreg:$0x2]  }
0x6: {  	s24 =	simm.s32 $0x0;
	[smem:$0x7FF] =	sst s3;
	s8 =	smul.u32 $0x50000, s0  }
0x7: {  	s16 =	sadd.s32 $0x2C00, s4;
	s28 =	sshll.u32 s0, $0x1;
	s12 =	smul.u32 $0xA0, s0  }
0x8: {  	s6 =	smul.u32 $0x2800, s7;
	_ =	strace $0x80000047;
	s29 =	ssub.s32 $0x2, s7  }
0x9: {  	s30 =	sor.u32 s7, s28;
	s13 =	smul.u32 $0x50, s7;
	s31 =	sshrl.u32 s29, $0x1  }
0xa: {  	s8 =	sshrl.u32 s8, $0x2;
	s9 =	smul.u32 $0xA00, s30;
	s5 =	sadd.s32 s5, s6  }
0xb: {  	s15 =	ssub.s32 s29, s31;
	s17 =	sadd.s32 s13, s12;
	s5 =	sshll.u32 s5, $0x4  }
0xc: {  	s9 =	sadd.s32 s16, s9;
	s17 =	sshll.u32 s17, $0x5;
	s15 =	smax.u32 s15, $0x1  }
0xd: {  	s14 =	sadd.s32 s5, s4;
	s4 =	sadd.s32 s8, s2;
	s18 =	sadd.s32 s17, s16  }
0xe: {  	s16 =	sadd.s32 $0x9E0, s9;
	s5 =	sadd.s32 $0x4000, s4;
	s6 =	sadd.s32 $0x8000, s4  }
0xf: {  	s7 =	sadd.s32 $0xC000, s4;
	s8 =	sadd.s32 $0x10000, s4;
	s10 =	sadd.s32 $0x16C00, s14  }
0x10: {  	s11 =	sadd.s32 $0x17400, s14;
	s12 =	sadd.s32 $0x17C00, s14;
	s13 =	sadd.s32 $0x18400, s14  }
0x11: {  	v0 =	vimm.f32 $0.0e+00;
	v1 =	vimm.f32 $1.000000000e+00;
	s14 =	sadd.s32 $0x18C00, s14;
	s17 =	sadd.s32 $0x40, s18;
	s18 =	sadd.s32 $0x20, s18  }
.LBB2_1:
0x12: {  	s25 =	simm.s32 $0x0;
	s26 =	simm.s32 $0x200  }
.LBB2_2:
0x13: {  	p0 =	sne.s32 s26, $0xFE00;
	[tilespmem:s25+$0x270] =	vst v0  }
0x14: {  	[tilespmem:s25+$0x200] =	vst v0  }
0x15: {  	[tilespmem:s25+$0x210] =	vst v0  }
.Ltmp0:
0x16: {  	[tilespmem:s25+$0x220] =	vst v0;
	(pc) =	sbr.rel @p0 .LBB2_2-.Ltmp0, $4  }
0x17: {  	[tilespmem:s25+$0x230] =	vst v0  }
0x18: {  	[tilespmem:s25+$0x240] =	vst v0  }
0x19: {  	[tilespmem:s25+$0x250] =	vst v0  }
0x1a: {  	[tilespmem:s25+$0x260] =	vst v0;
	s25 =	sshra.s32 s26, $0x2;
	s26 =	sadd.s32 $0x200, s26  }
0x1b: {  	[tilespmem:s25+$0x270] =	vst v0  }
0x1c: {  	[tilespmem:s25+$0x200] =	vst v0  }
0x1d: {  	[tilespmem:s25+$0x210] =	vst v0  }
0x1e: {  	[tilespmem:s25+$0x220] =	vst v0  }
0x1f: {  	[tilespmem:s25+$0x230] =	vst v0  }
0x20: {  	[tilespmem:s25+$0x240] =	vst v0  }
0x21: {  	[tilespmem:s25+$0x250] =	vst v0  }
0x22: {  	[tilespmem:s25+$0x260] =	vst v0  }
0x23: {  	[spmem:s4] =	stream.linear.scatter [tilespmem:s19], [sflag:$0x1], $0x4000, $0x38;
	[tilespmem:$0x18200] =	vst v63  }
0x24: {  	_ =	swait.ge [sflag:s20], $0x4000  }
0x25: {  	[sflag:s20] =	ssyncset.done $0x0  }
0x26: {  	[sflag:s20] =	ssyncadd.s32 $0xFFFFC000  }
0x27: {  	[spmem:s5] =	stream.linear.scatter [tilespmem:s19], [sflag:$0x1], $0x4000, $0x38;
	[tilespmem:$0x18200] =	vst v63  }
0x28: {  	_ =	swait.ge [sflag:s20], $0x4000  }
0x29: {  	[sflag:s20] =	ssyncset.done $0x0  }
0x2a: {  	[sflag:s20] =	ssyncadd.s32 $0xFFFFC000  }
0x2b: {  	[spmem:s6] =	stream.linear.scatter [tilespmem:s19], [sflag:$0x1], $0x4000, $0x38;
	[tilespmem:$0x18200] =	vst v63  }
0x2c: {  	_ =	swait.ge [sflag:s20], $0x4000  }
0x2d: {  	[sflag:s20] =	ssyncset.done $0x0  }
0x2e: {  	[sflag:s20] =	ssyncadd.s32 $0xFFFFC000  }
0x2f: {  	[spmem:s7] =	stream.linear.scatter [tilespmem:s19], [sflag:$0x1], $0x4000, $0x38;
	[tilespmem:$0x18200] =	vst v63  }
0x30: {  	_ =	swait.ge [sflag:s20], $0x4000  }
0x31: {  	[sflag:s20] =	ssyncset.done $0x0  }
0x32: {  	[sflag:s20] =	ssyncadd.s32 $0xFFFFC000  }
0x33: {  	[spmem:s8] =	stream.linear.scatter [tilespmem:s19], [sflag:$0x1], $0x4000, $0x38;
	[tilespmem:$0x18200] =	vst v63  }
0x34: {  	_ =	swait.ge [sflag:s20], $0x4000  }
0x35: {  	[sflag:s20] =	ssyncset.done $0x0  }
0x36: {  	s25 =	simm.s32 $0x0;
	s26 =	simm.s32 $0x200;
	[sflag:s20] =	ssyncadd.s32 $0xFFFFC000  }
.LBB2_4:
0x37: {  	p0 =	sne.s32 s26, $0xFE00;
	[tilespmem:s25+$0x270] =	vst v1  }
0x38: {  	[tilespmem:s25+$0x200] =	vst v1  }
0x39: {  	[tilespmem:s25+$0x210] =	vst v1  }
.Ltmp1:
0x3a: {  	[tilespmem:s25+$0x220] =	vst v1;
	(pc) =	sbr.rel @p0 .LBB2_4-.Ltmp1, $4  }
0x3b: {  	[tilespmem:s25+$0x230] =	vst v1  }
0x3c: {  	[tilespmem:s25+$0x240] =	vst v1  }
0x3d: {  	[tilespmem:s25+$0x250] =	vst v1  }
0x3e: {  	[tilespmem:s25+$0x260] =	vst v1;
	s25 =	sshra.s32 s26, $0x2;
	s26 =	sadd.s32 $0x200, s26  }
0x3f: {  	[tilespmem:s25+$0x270] =	vst v1  }
0x40: {  	[tilespmem:s25+$0x200] =	vst v1  }
0x41: {  	[tilespmem:s25+$0x210] =	vst v1  }
0x42: {  	[tilespmem:s25+$0x220] =	vst v1  }
0x43: {  	[tilespmem:s25+$0x230] =	vst v1  }
0x44: {  	[tilespmem:s25+$0x240] =	vst v1  }
0x45: {  	[tilespmem:s25+$0x250] =	vst v1  }
0x46: {  	[tilespmem:s25+$0x260] =	vst v1  }
0x47: {  	s29 =	simm.s32 $0x0;
	[bflag:$0x0] =	sbarrier.arrive $0xFFFF  }
0x48: {  	[tilespmem:s29], [sflag:$0x1] =	stream.linear.gather [hbm4b:s9+s29], $0x100, $0x38;
	[tilespmem:$0x18200] =	vst v63  }
0x49: {  	_ =	swait.ge [sflag:s20], $0x100  }
0x4a: {  	[sflag:s20] =	ssyncset.done $0x0  }
0x4b: {  	s30 =	sadd.s32 $0x0, s18;
	[sflag:s20] =	ssyncadd.s32 $0xFFFFFF00  }
0x4c: {  	[tilespmem:s21], [sflag:$0x1] =	stream.linear.gather [hbm4b:s30+s3], $0x100, $0x38;
	[tilespmem:$0x18200] =	vst v63  }
0x4d: {  	_ =	swait.ge [sflag:s20], $0x100  }
0x4e: {  	[sflag:s20] =	ssyncset.done $0x0  }
0x4f: {  	[sflag:s20] =	ssyncadd.s32 $0xFFFFFF00  }
0x50: {  	[spmem:s2] =	stream.indirect.scatter.add.f32 [tilespmem:s19], [sflag:$0x1], $0x80, s22, s22, $0xb8;
	[tilespmem:$0x18200] =	vst v63  }
0x51: {  	_ =	swait.ge [sflag:s20], $0x4000  }
0x52: {  	[sflag:s20] =	ssyncset.done $0x0  }
0x53: {  	s31 =	sadd.s32 $0x0, s17;
	[sflag:s20] =	ssyncadd.s32 $0xFFFFC000  }
0x54: {  	[tilespmem:s3], [sflag:$0x1] =	stream.linear.gather [hbm4b:s31+s3], $0x100, $0x38;
	[tilespmem:$0x18200] =	vst v63  }
0x55: {  	_ =	swait.ge [sflag:s20], $0x100  }
0x56: {  	[sflag:s20] =	ssyncset.done $0x0  }
0x57: {  	[sflag:s20] =	ssyncadd.s32 $0xFFFFFF00  }
0x58: {  	[spmem:s2] =	stream.indirect.scatter.add.f32 [tilespmem:s19], [sflag:$0x1], $0x80, s23, s22, $0xb8;
	[tilespmem:$0x18200] =	vst v63  }
0x59: {  	_ =	swait.ge [sflag:s20], $0x4000  }
0x5a: {  	s25 =	simm.s32 $0x40;
	s26 =	simm.s32 $0x80;
	[sflag:s20] =	ssyncset.done $0x0  }
.LBB2_6:
0x5b: {  	s28 =	sadd.s32 s25, s18  }
0x5c: {  	[sflag:s20] =	ssyncadd.s32 $0xFFFFC000;
	s29 =	smov.u32 s26;
	s30 =	sadd.s32 $0x40, s26  }
0x5d: {  	[tilespmem:s21], [sflag:$0x1] =	stream.linear.gather [hbm4b:s28+s3], $0x100, $0x38;
	[tilespmem:$0x18200] =	vst v63  }
0x5e: {  	p0 =	sne.s32 s26, $0x980;
	_ =	swait.ge [sflag:s20], $0x100  }
0x5f: {  	[sflag:s20] =	ssyncset.done $0x0  }
0x60: {  	[sflag:s20] =	ssyncadd.s32 $0xFFFFFF00  }
0x61: {  	[spmem:s2] =	stream.indirect.scatter.add.f32 [tilespmem:s19], [sflag:$0x1], $0x80, s22, s22, $0xb8;
	[tilespmem:$0x18200] =	vst v63  }
0x62: {  	_ =	swait.ge [sflag:s20], $0x4000  }
0x63: {  	[sflag:s20] =	ssyncset.done $0x0  }
0x64: {  	s26 =	sadd.s32 s25, s17;
	s25 =	smov.u32 s29;
	[sflag:s20] =	ssyncadd.s32 $0xFFFFC000  }
0x65: {  	[tilespmem:s3], [sflag:$0x1] =	stream.linear.gather [hbm4b:s26+s3], $0x100, $0x38;
	[tilespmem:$0x18200] =	vst v63  }
0x66: {  	_ =	swait.ge [sflag:s20], $0x100  }
.Ltmp2:
0x67: {  	[sflag:s20] =	ssyncset.done $0x0;
	(pc) =	sbr.rel @p0 .LBB2_6-.Ltmp2, $4  }
0x68: {  	[sflag:s20] =	ssyncadd.s32 $0xFFFFFF00  }
0x69: {  	[spmem:s2] =	stream.indirect.scatter.add.f32 [tilespmem:s19], [sflag:$0x1], $0x80, s23, s22, $0xb8;
	[tilespmem:$0x18200] =	vst v63  }
0x6a: {  	_ =	swait.ge [sflag:s20], $0x4000  }
0x6b: {  	s26 =	smov.u32 s30;
	[sflag:s20] =	ssyncset.done $0x0  }
0x6c: {  	s26 =	sadd.s32 s25, s18;
	[sflag:s20] =	ssyncadd.s32 $0xFFFFC000  }
0x6d: {  	[tilespmem:s21], [sflag:$0x1] =	stream.linear.gather [hbm4b:s26+s3], $0x100, $0x38;
	[tilespmem:$0x18200] =	vst v63  }
0x6e: {  	_ =	swait.ge [sflag:s20], $0x100  }
0x6f: {  	[sflag:s20] =	ssyncset.done $0x0  }
0x70: {  	[sflag:s20] =	ssyncadd.s32 $0xFFFFFF00  }
0x71: {  	[spmem:s2] =	stream.indirect.scatter.add.f32 [tilespmem:s19], [sflag:$0x1], $0x80, s22, s22, $0xb8;
	[tilespmem:$0x18200] =	vst v63  }
0x72: {  	_ =	swait.ge [sflag:s20], $0x4000  }
0x73: {  	[sflag:s20] =	ssyncset.done $0x0  }
0x74: {  	s31 =	sadd.s32 s25, s17;
	[sflag:s20] =	ssyncadd.s32 $0xFFFFC000  }
0x75: {  	[tilespmem:s3], [sflag:$0x1] =	stream.linear.gather [hbm4b:s31+s3], $0x100, $0x38;
	[tilespmem:$0x18200] =	vst v63  }
0x76: {  	_ =	swait.ge [sflag:s20], $0x100  }
0x77: {  	[sflag:s20] =	ssyncset.done $0x0  }
0x78: {  	[sflag:s20] =	ssyncadd.s32 $0xFFFFFF00  }
0x79: {  	[spmem:s2] =	stream.indirect.scatter.add.f32 [tilespmem:s19], [sflag:$0x1], $0x80, s23, s22, $0xb8;
	[tilespmem:$0x18200] =	vst v63  }
0x7a: {  	_ =	swait.ge [sflag:s20], $0x4000  }
0x7b: {  	[sflag:s20] =	ssyncset.done $0x0  }
0x7c: {  	[sflag:s20] =	ssyncadd.s32 $0xFFFFC000  }
0x7d: {  	[tilespmem:s21], [sflag:$0x1] =	stream.linear.gather [hbm4b:s16+s3], $0x100, $0x38;
	[tilespmem:$0x18200] =	vst v63  }
0x7e: {  	_ =	swait.ge [sflag:s20], $0x100  }
0x7f: {  	[sflag:s20] =	ssyncset.done $0x0  }
0x80: {  	[sflag:s20] =	ssyncadd.s32 $0xFFFFFF00  }
0x81: {  	[spmem:s2] =	stream.indirect.scatter.add.f32 [tilespmem:s19], [sflag:$0x1], $0x80, s22, s22, $0xb8;
	[tilespmem:$0x18200] =	vst v63  }
0x82: {  	_ =	swait.ge [sflag:s20], $0x4000  }
0x83: {  	[sflag:s20] =	ssyncset.done $0x0  }
0x84: {  	[sflag:s20] =	ssyncadd.s32 $0xFFFFC000  }
0x85: {  	[spmem:s2] =	stream.indirect.scatter.add.f32 [tilespmem:s19], [sflag:$0x1], $0x80, s23, s22, $0xb8;
	[tilespmem:$0x18200] =	vst v63  }
0x86: {  	_ =	swait.ge [sflag:s20], $0x4000  }
0x87: {  	[sflag:s20] =	ssyncset.done $0x0  }
0x88: {  	[sflag:s20] =	ssyncadd.s32 $0xFFFFC000  }
0x89: {  	[bflag:$0x0] =	sbarrier.arrive $0xFFFF  }
0x8a: {  	[tilespmem:s19], [sflag:$0x1] =	stream.linear.gather [spmem:s4], $0x4000, $0x38;
	[tilespmem:$0x18200] =	vst v63  }
0x8b: {  	_ =	swait.ge [sflag:s20], $0x4000  }
0x8c: {  	[sflag:s20] =	ssyncset.done $0x0  }
0x8d: {  	[sflag:s20] =	ssyncadd.s32 $0xFFFFC000  }
0x8e: {  	[hbm4b:s10+s3] =	stream.linear.scatter [tilespmem:s19], [sflag:$0x1], $0x4000, $0x38;
	[tilespmem:$0x18200] =	vst v63  }
0x8f: {  	_ =	swait.ge [sflag:s20], $0x4000  }
0x90: {  	[sflag:s20] =	ssyncset.done $0x0  }
0x91: {  	[sflag:s20] =	ssyncadd.s32 $0xFFFFC000  }
0x92: {  	[tilespmem:s19], [sflag:$0x1] =	stream.linear.gather [spmem:s5], $0x4000, $0x38;
	[tilespmem:$0x18200] =	vst v63  }
0x93: {  	_ =	swait.ge [sflag:s20], $0x4000  }
0x94: {  	[sflag:s20] =	ssyncset.done $0x0  }
0x95: {  	[sflag:s20] =	ssyncadd.s32 $0xFFFFC000  }
0x96: {  	[hbm4b:s11+s3] =	stream.linear.scatter [tilespmem:s19], [sflag:$0x1], $0x4000, $0x38;
	[tilespmem:$0x18200] =	vst v63  }
0x97: {  	_ =	swait.ge [sflag:s20], $0x4000  }
0x98: {  	[sflag:s20] =	ssyncset.done $0x0  }
0x99: {  	[sflag:s20] =	ssyncadd.s32 $0xFFFFC000  }
0x9a: {  	[tilespmem:s19], [sflag:$0x1] =	stream.linear.gather [spmem:s6], $0x4000, $0x38;
	[tilespmem:$0x18200] =	vst v63  }
0x9b: {  	_ =	swait.ge [sflag:s20], $0x4000  }
0x9c: {  	[sflag:s20] =	ssyncset.done $0x0  }
0x9d: {  	[sflag:s20] =	ssyncadd.s32 $0xFFFFC000  }
0x9e: {  	[hbm4b:s12+s3] =	stream.linear.scatter [tilespmem:s19], [sflag:$0x1], $0x4000, $0x38;
	[tilespmem:$0x18200] =	vst v63  }
0x9f: {  	_ =	swait.ge [sflag:s20], $0x4000  }
0xa0: {  	[sflag:s20] =	ssyncset.done $0x0  }
0xa1: {  	[sflag:s20] =	ssyncadd.s32 $0xFFFFC000  }
0xa2: {  	[tilespmem:s19], [sflag:$0x1] =	stream.linear.gather [spmem:s7], $0x4000, $0x38;
	[tilespmem:$0x18200] =	vst v63  }
0xa3: {  	_ =	swait.ge [sflag:s20], $0x4000  }
0xa4: {  	[sflag:s20] =	ssyncset.done $0x0  }
0xa5: {  	[sflag:s20] =	ssyncadd.s32 $0xFFFFC000  }
0xa6: {  	[hbm4b:s13+s3] =	stream.linear.scatter [tilespmem:s19], [sflag:$0x1], $0x4000, $0x38;
	[tilespmem:$0x18200] =	vst v63  }
0xa7: {  	_ =	swait.ge [sflag:s20], $0x4000  }
0xa8: {  	[sflag:s20] =	ssyncset.done $0x0  }
0xa9: {  	[sflag:s20] =	ssyncadd.s32 $0xFFFFC000  }
0xaa: {  	[tilespmem:s19], [sflag:$0x1] =	stream.linear.gather [spmem:s8], $0x4000, $0x38;
	[tilespmem:$0x18200] =	vst v63  }
0xab: {  	s24 =	sadd.s32 $0x1, s24;
	_ =	swait.ge [sflag:s20], $0x4000  }
0xac: {  	p0 =	sne.s32 s24, s15;
	[sflag:s20] =	ssyncset.done $0x0  }
.Ltmp3:
0xad: {  	[sflag:s20] =	ssyncadd.s32 $0xFFFFC000;
	(pc) =	sbr.rel @p0 .LBB2_1-.Ltmp3, $4  }
0xae: {  	[hbm4b:s14+s3] =	stream.linear.scatter [tilespmem:s19], [sflag:$0x1], $0x4000, $0x38;
	[tilespmem:$0x18200] =	vst v63  }
0xaf: {  	_ =	swait.ge [sflag:s20], $0x4000  }
0xb0: {  	[sflag:s20] =	ssyncset.done $0x0  }
0xb1: {  	[sflag:s20] =	ssyncadd.s32 $0xFFFFC000  }
0xb2: {  	_ =	sfence.sel $0x180000  }
0xb3: {  	[bflag:$0x0] =	sbarrier.arrive $0xFFFF  }
0xb4: {  	p0 =	sne.s32 s0, $0x0;
	_ =	strace $0x90000047  }
0xb5: {  	s0 =	sadd.s32 @!p0 $0x100000, s1;
	[bflag:$0x2] =	sbarrier.arrive $0xFFFF  }
0xb6: {  	[sflag:s0] =	ssyncadd.tile.s32 @!p0 $0x1;
	_ =	shalt  }
.Lfunc_end2:
_tile_overlayer_lowered:
.L_overlay_start_2:
0xb7: {  	(tag) =	ssettag $0x2  }
0xb8: {  	s0 =	rddreg [dreg:$0x0];
	s2 =	stileid.u32  }
0xb9: {  	s1 =	rddreg [dreg:$0x1];
	p0 =	sne.s32 s2, $0x0  }
0xba: {  	s3 =	rddreg [dreg:$0x2];
	[bflag:$0x3] =	sbarrier.arrive $0xFFFF;
	s2 =	simm.s32 @!p0 $0x1C01  }
0xbb: {  	[timem:s3], [sflag:s2] =	dma.local @!p0 [hbm:s0], s1  }
0xbc: {  	s0 =	simm.s32 @!p0 $0x1  }
0xbd: {  	_ =	swait.ge @!p0 [sflag:s0], s1  }
0xbe: {  	s1 =	ssub.s32 @!p0 $0x0, s1;
	[sflag:s0] =	ssyncset.done @!p0 $0x0  }
0xbf: {  	[sflag:s0] =	ssyncadd.s32 @!p0 s1  }
0xc0: {  	[bflag:$0x3] =	sbarrier.arrive $0xFFFF  }
0xc1: {  	_ =	shalt  }

</sc_bundles>
